<compile_context>
chip_gen: v7x
topology: tpu7x:2x2x1
jax: 0.10.2.dev20260603
libtpu: 0.0.44.dev20260713+nightly
codegen_flags: <defaults>
</compile_context>

<pallas_src>
import jax
import jax.numpy as jnp
from jax import lax
from jax.experimental import pallas as pl
from jax.experimental.pallas import tpu as pltpu
from jax.experimental.pallas import tpu_sc as plsc

HIDDEN = 2048
NUM_EXPERTS = 16
TOP_K = 2


def _logits_body(x_ref, w_ref, out_ref):
    out_ref[...] = lax.dot_general(
        x_ref[...],
        w_ref[...],
        dimension_numbers=(((1,), (1,)), ((), ())),
        preferred_element_type=jnp.float32,
    )


def _logits(xf, W):
    n = xf.shape[0]
    bt = 1024
    return pl.pallas_call(
        _logits_body,
        grid=(n // bt,),
        in_specs=[
            pl.BlockSpec((bt, HIDDEN), lambda i: (i, 0)),
            pl.BlockSpec((NUM_EXPERTS, HIDDEN), lambda i: (0, 0)),
        ],
        out_specs=pl.BlockSpec((bt, NUM_EXPERTS), lambda i: (i, 0)),
        out_shape=jax.ShapeDtypeStruct((n, NUM_EXPERTS), jnp.float32),
        compiler_params=pltpu.CompilerParams(vmem_limit_bytes=100 * 2**20),
    )(xf, W)


def _router(logits, n):
    info = plsc.get_sparse_core_info()
    nw = info.num_cores * info.num_subcores
    tpw = n // nw
    chunk = 128
    mesh = plsc.VectorSubcoreMesh(core_axis_name="c", subcore_axis_name="s")

    nchunks = tpw // chunk

    @pl.kernel(
        out_type=(
            jax.ShapeDtypeStruct((n, NUM_EXPERTS), jnp.float32),
            jax.ShapeDtypeStruct((n, TOP_K), jnp.float32),
            jax.ShapeDtypeStruct((n, TOP_K), jnp.int32),
        ),
        mesh=mesh,
        compiler_params=pltpu.CompilerParams(needs_layout_passes=False),
        scratch_types=[
            pltpu.VMEM((2, chunk, NUM_EXPERTS), jnp.float32),
            pltpu.VMEM((2, chunk, NUM_EXPERTS), jnp.float32),
            pltpu.VMEM((chunk, TOP_K), jnp.float32),
            pltpu.VMEM((chunk, TOP_K), jnp.int32),
            pltpu.SemaphoreType.DMA((2,)),
            pltpu.SemaphoreType.DMA((2,)),
            pltpu.SemaphoreType.DMA,
            pltpu.SemaphoreType.DMA,
        ],
    )
    def run(
        logits_hbm, scores_hbm, weights_hbm, inds_hbm,
        lg_v, sc_v, w_v, i_v, sem_in, sem_sc, sem_w, sem_i,
    ):
        wid = lax.axis_index("s") * info.num_cores + lax.axis_index("c")
        base = wid * tpw
        lanes = lax.iota(jnp.int32, NUM_EXPERTS)

        def max_tree(v):
            for s in (1, 2, 4, 8):
                v = jnp.maximum(v, v.at[lanes ^ s].get(mode="promise_in_bounds"))
            return v

        def start_in(c):
            return pltpu.async_copy(
                logits_hbm.at[pl.ds(base + c * chunk, chunk)],
                lg_v.at[c % 2],
                sem_in.at[c % 2],
            )

        in_dma = {0: start_in(0)}
        out_dmas = {}
        for c in range(nchunks):
            if c + 1 < nchunks:
                in_dma[c + 1] = start_in(c + 1)
            in_dma.pop(c).wait()
            if c >= 2:
                for h in out_dmas.pop(c - 2):
                    h.wait()
            if c >= 1:
                for h in out_dmas.pop(-c):
                    h.wait()
            b = c % 2
            lg_b, sc_b = lg_v.at[b], sc_v.at[b]

            @plsc.parallel_loop(0, chunk, unroll=8)
            def body(t):
                row = lg_b[t]
                m1 = max_tree(row)
                i1 = plsc.all_reduce_ffs(row == m1)
                sel1 = lanes == i1
                row2 = jnp.where(sel1, -jnp.inf, row)
                m2 = max_tree(row2)
                i2 = plsc.all_reduce_ffs(row2 == m2)
                sel2 = lanes == i2
                chosen = sel1 | sel2
                sig = 1.0 / (1.0 + jnp.exp(-row))
                sc_b[t] = jnp.where(chosen, sig, 0.0)
                rowv = jnp.full((NUM_EXPERTS,), t, jnp.int32)
                colv = jnp.where(sel1, 0, 1)
                plsc.store_scatter(w_v, [rowv, colv], sig, mask=chosen)
                plsc.store_scatter(i_v, [rowv, colv], lanes, mask=chosen)

            cs = pl.ds(base + c * chunk, chunk)
            out_dmas[c] = (
                pltpu.async_copy(sc_b, scores_hbm.at[cs], sem_sc.at[b]),
            )
            out_dmas[-(c + 1)] = (
                pltpu.async_copy(w_v, weights_hbm.at[cs], sem_w),
                pltpu.async_copy(i_v, inds_hbm.at[cs], sem_i),
            )
        for hs in out_dmas.values():
            for h in hs:
                h.wait()

    return run(logits)


def kernel(x, W):
    xf = x.reshape(-1, x.shape[-1])
    n = xf.shape[0]
    logits = _logits(xf, W)
    return _router(logits, n)

# --- scband reference (transcript-rebuilt; emitter-appended) ---
"""Pipeline reference for scband-llama4-mega-blocks-router-1460288880658 (READ-ONLY COPY).

The authoritative reference and input builder live on the scoring server;
editing this copy changes nothing except your own understanding.
"""

import jax, jax.numpy as jnp
import numpy as np

HIDDEN = 2048
NUM_EXPERTS = 16
TOP_K = 2

def setup_inputs(seed: int = 0) -> dict:
    key = jax.random.key(seed)
    k1, k2 = jax.random.split(key)
    x = jax.random.normal(k1, (4, 4096, HIDDEN), dtype=jnp.float32)
    # nn.Linear(hidden_size, num_experts, bias=False): weight shape [num_experts, hidden_size]
    W = jax.random.normal(k2, (NUM_EXPERTS, HIDDEN), dtype=jnp.float32) * (1.0 / np.sqrt(HIDDEN))
    return {"x": x, "W": W}

def reference(x, W):
    xf = x.reshape(-1, x.shape[-1])                     # [N, H]
    logits = xf @ W.T                                    # [N, E]
    router_top_value, router_indices = jax.lax.top_k(logits, TOP_K)  # [N, k], [N, k]
    N = logits.shape[0]
    rows = jnp.arange(N)[:, None]
    router_scores = jnp.full(logits.shape, -jnp.inf, dtype=logits.dtype)
    router_scores = router_scores.at[rows, router_indices].set(router_top_value)
    router_scores = jax.nn.sigmoid(router_scores.astype(jnp.float32)).astype(logits.dtype)
    expert_weights = jnp.take_along_axis(router_scores, router_indices, axis=1)  # [N, k]
    return (router_scores, expert_weights, router_indices)

if __name__ == "__main__":
    import jax
    _d = setup_inputs()
    print(jax.jit(kernel)(*tuple(_d.values())))

</pallas_src>

<mosaic_0001>
#map = affine_map<(d0, d1) -> (0, 0)>
module attributes {stable_mosaic.version = 14 : i64} {
  func.func @run(%arg0: i32, %arg1: i32, %arg2: memref<16384x16xf32, #tpu.memory_space<hbm>>, %arg3: memref<16384x16xf32, #tpu.memory_space<hbm>>, %arg4: memref<16384x2xf32, #tpu.memory_space<hbm>>, %arg5: memref<16384x2xi32, #tpu.memory_space<hbm>>, %arg6: memref<2x128x16xf32, #tpu.memory_space<vmem>>, %arg7: memref<2x128x16xf32, #tpu.memory_space<vmem>>, %arg8: memref<128x2xf32, #tpu.memory_space<vmem>>, %arg9: memref<128x2xi32, #tpu.memory_space<vmem>>, %arg10: memref<2x!tpu.dma_semaphore, #tpu.memory_space<semaphore_mem>>, %arg11: memref<2x!tpu.dma_semaphore, #tpu.memory_space<semaphore_mem>>, %arg12: memref<!tpu.dma_semaphore, #tpu.memory_space<semaphore_mem>>, %arg13: memref<!tpu.dma_semaphore, #tpu.memory_space<semaphore_mem>>) attributes {dimension_semantics = [#tpu.dimension_semantics<core_parallel>, #tpu.dimension_semantics<subcore_parallel>], iteration_bounds = array<i64: 2, 16>, scalar_prefetch = 0 : i64, scratch_operands = 8 : i64, tpu.core_type = #tpu.core_type<sc_vector_subcore>, window_params = [{transform_indices = #map}, {transform_indices = #map}, {transform_indices = #map}, {transform_indices = #map}]} {
    %mul3A = arith.constant 2 : i32
    %mul3A_0 = arith.muli %arg1, %mul3A : i32
    %add3A = arith.addi %mul3A_0, %arg0 : i32
    %mul3A_1 = arith.constant 512 : i32
    %mul3A_2 = arith.muli %add3A, %mul3A_1 : i32
    %iota3A = tpu.iota {dimensions = array<i32: 0>} : vector<16xi32>
    %add3A_3 = arith.constant 0 : i32
    %add3A_4 = arith.addi %mul3A_2, %add3A_3 : i32
    %dma_start3A = arith.constant 0 : i32
    %dma_start3A_5 = arith.constant 0 : i32
    %dma_start3A_6 = arith.constant 0 : i32
    %dma_start3A_7 = arith.constant 0 : i32
    %dma_start3A_8 = tpu.memref_slice %arg6[%dma_start3A, %dma_start3A_6, %dma_start3A_7] : memref<2x128x16xf32, #tpu.memory_space<vmem>> -> memref<1x128x16xf32, #tpu.memory_space<vmem>>
    %dma_start3A_9 = tpu.memref_squeeze %dma_start3A_8 : memref<1x128x16xf32, #tpu.memory_space<vmem>> -> memref<128x16xf32, #tpu.memory_space<vmem>>
    %dma_start3A_10 = arith.constant 0 : i32
    %dma_start3A_11 = tpu.memref_slice %arg2[%add3A_4, %dma_start3A_10] : memref<16384x16xf32, #tpu.memory_space<hbm>> -> memref<128x16xf32, #tpu.memory_space<hbm>>
    %dma_start3A_12 = tpu.memref_slice %arg10[%dma_start3A_5] : memref<2x!tpu.dma_semaphore, #tpu.memory_space<semaphore_mem>> -> memref<1x!tpu.dma_semaphore, #tpu.memory_space<semaphore_mem>>
    %dma_start3A_13 = tpu.memref_squeeze %dma_start3A_12 : memref<1x!tpu.dma_semaphore, #tpu.memory_space<semaphore_mem>> -> memref<!tpu.dma_semaphore, #tpu.memory_space<semaphore_mem>>
    %dma_start3A_14 = arith.constant 0 : i32
    %dma_start3A_15 = arith.constant 0 : i32
    %dma_start3A_16 = tpu.memref_slice %arg6[%dma_start3A, %dma_start3A_14, %dma_start3A_15] : memref<2x128x16xf32, #tpu.memory_space<vmem>> -> memref<1x128x16xf32, #tpu.memory_space<vmem>>
    %dma_start3A_17 = tpu.memref_squeeze %dma_start3A_16 : memref<1x128x16xf32, #tpu.memory_space<vmem>> -> memref<128x16xf32, #tpu.memory_space<vmem>>
    %dma_start3A_18 = arith.constant 0 : i32
    %dma_start3A_19 = tpu.memref_slice %arg2[%add3A_4, %dma_start3A_18] : memref<16384x16xf32, #tpu.memory_space<hbm>> -> memref<128x16xf32, #tpu.memory_space<hbm>>
    tpu.enqueue_dma source(%dma_start3A_19 : memref<128x16xf32, #tpu.memory_space<hbm>>) target(%dma_start3A_17 : memref<128x16xf32, #tpu.memory_space<vmem>>) target_semaphore(%dma_start3A_13 : memref<!tpu.dma_semaphore, #tpu.memory_space<semaphore_mem>>)
    %add3A_20 = arith.constant 128 : i32
    %add3A_21 = arith.addi %mul3A_2, %add3A_20 : i32
    %dma_start3A_22 = arith.constant 1 : i32
    %dma_start3A_23 = arith.constant 1 : i32
    %dma_start3A_24 = arith.constant 0 : i32
    %dma_start3A_25 = arith.constant 0 : i32
    %dma_start3A_26 = tpu.memref_slice %arg6[%dma_start3A_22, %dma_start3A_24, %dma_start3A_25] : memref<2x128x16xf32, #tpu.memory_space<vmem>> -> memref<1x128x16xf32, #tpu.memory_space<vmem>>
    %dma_start3A_27 = tpu.memref_squeeze %dma_start3A_26 : memref<1x128x16xf32, #tpu.memory_space<vmem>> -> memref<128x16xf32, #tpu.memory_space<vmem>>
    %dma_start3A_28 = arith.constant 0 : i32
    %dma_start3A_29 = tpu.memref_slice %arg2[%add3A_21, %dma_start3A_28] : memref<16384x16xf32, #tpu.memory_space<hbm>> -> memref<128x16xf32, #tpu.memory_space<hbm>>
    %dma_start3A_30 = tpu.memref_slice %arg10[%dma_start3A_23] : memref<2x!tpu.dma_semaphore, #tpu.memory_space<semaphore_mem>> -> memref<1x!tpu.dma_semaphore, #tpu.memory_space<semaphore_mem>>
    %dma_start3A_31 = tpu.memref_squeeze %dma_start3A_30 : memref<1x!tpu.dma_semaphore, #tpu.memory_space<semaphore_mem>> -> memref<!tpu.dma_semaphore, #tpu.memory_space<semaphore_mem>>
    %dma_start3A_32 = arith.constant 0 : i32
    %dma_start3A_33 = arith.constant 0 : i32
    %dma_start3A_34 = tpu.memref_slice %arg6[%dma_start3A_22, %dma_start3A_32, %dma_start3A_33] : memref<2x128x16xf32, #tpu.memory_space<vmem>> -> memref<1x128x16xf32, #tpu.memory_space<vmem>>
    %dma_start3A_35 = tpu.memref_squeeze %dma_start3A_34 : memref<1x128x16xf32, #tpu.memory_space<vmem>> -> memref<128x16xf32, #tpu.memory_space<vmem>>
    %dma_start3A_36 = arith.constant 0 : i32
    %dma_start3A_37 = tpu.memref_slice %arg2[%add3A_21, %dma_start3A_36] : memref<16384x16xf32, #tpu.memory_space<hbm>> -> memref<128x16xf32, #tpu.memory_space<hbm>>
    tpu.enqueue_dma source(%dma_start3A_37 : memref<128x16xf32, #tpu.memory_space<hbm>>) target(%dma_start3A_35 : memref<128x16xf32, #tpu.memory_space<vmem>>) target_semaphore(%dma_start3A_31 : memref<!tpu.dma_semaphore, #tpu.memory_space<semaphore_mem>>)
    %dma_wait3A = arith.constant 0 : i32
    %dma_wait3A_38 = arith.constant 0 : i32
    %dma_wait3A_39 = arith.constant 0 : i32
    %dma_wait3A_40 = arith.constant 0 : i32
    %dma_wait3A_41 = tpu.memref_slice %arg6[%dma_wait3A, %dma_wait3A_39, %dma_wait3A_40] : memref<2x128x16xf32, #tpu.memory_space<vmem>> -> memref<1x128x16xf32, #tpu.memory_space<vmem>>
    %dma_wait3A_42 = tpu.memref_squeeze %dma_wait3A_41 : memref<1x128x16xf32, #tpu.memory_space<vmem>> -> memref<128x16xf32, #tpu.memory_space<vmem>>
    %dma_wait3A_43 = arith.constant 0 : i32
    %dma_wait3A_44 = tpu.memref_slice %arg2[%add3A_4, %dma_wait3A_43] : memref<16384x16xf32, #tpu.memory_space<hbm>> -> memref<128x16xf32, #tpu.memory_space<hbm>>
    %dma_wait3A_45 = tpu.memref_slice %arg10[%dma_wait3A_38] : memref<2x!tpu.dma_semaphore, #tpu.memory_space<semaphore_mem>> -> memref<1x!tpu.dma_semaphore, #tpu.memory_space<semaphore_mem>>
    %dma_wait3A_46 = tpu.memref_squeeze %dma_wait3A_45 : memref<1x!tpu.dma_semaphore, #tpu.memory_space<semaphore_mem>> -> memref<!tpu.dma_semaphore, #tpu.memory_space<semaphore_mem>>
    %dma_wait3A_47 = arith.constant 0 : i32
    %dma_wait3A_48 = arith.constant 0 : i32
    %dma_wait3A_49 = tpu.memref_slice %arg6[%dma_wait3A, %dma_wait3A_47, %dma_wait3A_48] : memref<2x128x16xf32, #tpu.memory_space<vmem>> -> memref<1x128x16xf32, #tpu.memory_space<vmem>>
    %dma_wait3A_50 = tpu.memref_squeeze %dma_wait3A_49 : memref<1x128x16xf32, #tpu.memory_space<vmem>> -> memref<128x16xf32, #tpu.memory_space<vmem>>
    %dma_wait3A_51 = arith.constant 0 : i32
    %dma_wait3A_52 = tpu.memref_slice %arg2[%add3A_4, %dma_wait3A_51] : memref<16384x16xf32, #tpu.memory_space<hbm>> -> memref<128x16xf32, #tpu.memory_space<hbm>>
    tpu.wait_dma2 semaphore(%dma_wait3A_46 : memref<!tpu.dma_semaphore, #tpu.memory_space<semaphore_mem>>) src(%dma_wait3A_52 : memref<128x16xf32, #tpu.memory_space<hbm>>) dst(%dma_wait3A_50 : memref<128x16xf32, #tpu.memory_space<vmem>>)
    %parallel_loop3A = arith.constant 0 : i32
    %parallel_loop3A_53 = arith.constant 128 : i32
    %parallel_loop3A_54 = arith.constant 1 : i32
    %parallel_loop3A_55 = arith.constant 0 : i32
    %parallel_loop3A_56 = arith.constant 0 : i32
    scf.for %parallel_loop3A_356 = %parallel_loop3A to %parallel_loop3A_53 step %parallel_loop3A_54  : i32 {
      %parallel_loop3A_357 = arith.constant 0 : i32
      %parallel_loop3A_358 = arith.constant 0 : i32
      %parallel_loop3A_359 = tpu.memref_slice %arg6[%parallel_loop3A_55, %parallel_loop3A_357, %parallel_loop3A_358] : memref<2x128x16xf32, #tpu.memory_space<vmem>> -> memref<1x128x16xf32, #tpu.memory_space<vmem>>
      %parallel_loop3A_360 = tpu.memref_squeeze %parallel_loop3A_359 : memref<1x128x16xf32, #tpu.memory_space<vmem>> -> memref<128x16xf32, #tpu.memory_space<vmem>>
      %parallel_loop3A_361 = arith.index_cast %parallel_loop3A_356 : i32 to index
      %parallel_loop3A_362 = arith.constant 0 : index
      %parallel_loop3A_363 = tpu.vector_load %parallel_loop3A_360[%parallel_loop3A_361, %parallel_loop3A_362] {strides = array<i32>} : memref<128x16xf32, #tpu.memory_space<vmem>>, vector<16xf32>,
      %parallel_loop3A_364 = arith.constant 1 : i32
      %parallel_loop3A_365 = vector.broadcast %parallel_loop3A_364 : i32 to vector<16xi32>
      %parallel_loop3A_366 = arith.xori %iota3A, %parallel_loop3A_365 : vector<16xi32>
      %parallel_loop3A_367 = arith.constant 0 : i32
      %parallel_loop3A_368 = vector.broadcast %parallel_loop3A_367 : i32 to vector<16xi32>
      %parallel_loop3A_369 = arith.cmpi slt, %parallel_loop3A_366, %parallel_loop3A_368 : vector<16xi32>
      %parallel_loop3A_370 = arith.constant 16 : i32
      %parallel_loop3A_371 = vector.broadcast %parallel_loop3A_370 : i32 to vector<16xi32>
      %parallel_loop3A_372 = arith.addi %parallel_loop3A_366, %parallel_loop3A_371 : vector<16xi32>
      %parallel_loop3A_373 = arith.select %parallel_loop3A_369, %parallel_loop3A_372, %parallel_loop3A_366 : vector<16xi1>, vector<16xi32>
      %parallel_loop3A_374 = vector.shape_cast %parallel_loop3A_373 : vector<16xi32> to vector<16x1xi32>
      %parallel_loop3A_375 = vector.shape_cast %parallel_loop3A_374 : vector<16x1xi32> to vector<16xi32>
      %parallel_loop3A_376 = tpu.dynamic_gather %parallel_loop3A_363[%parallel_loop3A_375] in [0] : vector<16xf32>, vector<16xi32> -> vector<16xf32>
      %parallel_loop3A_377 = arith.maximumf %parallel_loop3A_363, %parallel_loop3A_376 : vector<16xf32>
      %parallel_loop3A_378 = arith.constant 2 : i32
      %parallel_loop3A_379 = vector.broadcast %parallel_loop3A_378 : i32 to vector<16xi32>
      %parallel_loop3A_380 = arith.xori %iota3A, %parallel_loop3A_379 : vector<16xi32>
      %parallel_loop3A_381 = arith.constant 0 : i32
      %parallel_loop3A_382 = vector.broadcast %parallel_loop3A_381 : i32 to vector<16xi32>
      %parallel_loop3A_383 = arith.cmpi slt, %parallel_loop3A_380, %parallel_loop3A_382 : vector<16xi32>
      %parallel_loop3A_384 = arith.constant 16 : i32
      %parallel_loop3A_385 = vector.broadcast %parallel_loop3A_384 : i32 to vector<16xi32>
      %parallel_loop3A_386 = arith.addi %parallel_loop3A_380, %parallel_loop3A_385 : vector<16xi32>
      %parallel_loop3A_387 = arith.select %parallel_loop3A_383, %parallel_loop3A_386, %parallel_loop3A_380 : vector<16xi1>, vector<16xi32>
      %parallel_loop3A_388 = vector.shape_cast %parallel_loop3A_387 : vector<16xi32> to vector<16x1xi32>
      %parallel_loop3A_389 = vector.shape_cast %parallel_loop3A_388 : vector<16x1xi32> to vector<16xi32>
      %parallel_loop3A_390 = tpu.dynamic_gather %parallel_loop3A_377[%parallel_loop3A_389] in [0] : vector<16xf32>, vector<16xi32> -> vector<16xf32>
      %parallel_loop3A_391 = arith.maximumf %parallel_loop3A_377, %parallel_loop3A_390 : vector<16xf32>
      %parallel_loop3A_392 = arith.constant 4 : i32
      %parallel_loop3A_393 = vector.broadcast %parallel_loop3A_392 : i32 to vector<16xi32>
      %parallel_loop3A_394 = arith.xori %iota3A, %parallel_loop3A_393 : vector<16xi32>
      %parallel_loop3A_395 = arith.constant 0 : i32
      %parallel_loop3A_396 = vector.broadcast %parallel_loop3A_395 : i32 to vector<16xi32>
      %parallel_loop3A_397 = arith.cmpi slt, %parallel_loop3A_394, %parallel_loop3A_396 : vector<16xi32>
      %parallel_loop3A_398 = arith.constant 16 : i32
      %parallel_loop3A_399 = vector.broadcast %parallel_loop3A_398 : i32 to vector<16xi32>
      %parallel_loop3A_400 = arith.addi %parallel_loop3A_394, %parallel_loop3A_399 : vector<16xi32>
      %parallel_loop3A_401 = arith.select %parallel_loop3A_397, %parallel_loop3A_400, %parallel_loop3A_394 : vector<16xi1>, vector<16xi32>
      %parallel_loop3A_402 = vector.shape_cast %parallel_loop3A_401 : vector<16xi32> to vector<16x1xi32>
      %parallel_loop3A_403 = vector.shape_cast %parallel_loop3A_402 : vector<16x1xi32> to vector<16xi32>
      %parallel_loop3A_404 = tpu.dynamic_gather %parallel_loop3A_391[%parallel_loop3A_403] in [0] : vector<16xf32>, vector<16xi32> -> vector<16xf32>
      %parallel_loop3A_405 = arith.maximumf %parallel_loop3A_391, %parallel_loop3A_404 : vector<16xf32>
      %parallel_loop3A_406 = arith.constant 8 : i32
      %parallel_loop3A_407 = vector.broadcast %parallel_loop3A_406 : i32 to vector<16xi32>
      %parallel_loop3A_408 = arith.xori %iota3A, %parallel_loop3A_407 : vector<16xi32>
      %parallel_loop3A_409 = arith.constant 0 : i32
      %parallel_loop3A_410 = vector.broadcast %parallel_loop3A_409 : i32 to vector<16xi32>
      %parallel_loop3A_411 = arith.cmpi slt, %parallel_loop3A_408, %parallel_loop3A_410 : vector<16xi32>
      %parallel_loop3A_412 = arith.constant 16 : i32
      %parallel_loop3A_413 = vector.broadcast %parallel_loop3A_412 : i32 to vector<16xi32>
      %parallel_loop3A_414 = arith.addi %parallel_loop3A_408, %parallel_loop3A_413 : vector<16xi32>
      %parallel_loop3A_415 = arith.select %parallel_loop3A_411, %parallel_loop3A_414, %parallel_loop3A_408 : vector<16xi1>, vector<16xi32>
      %parallel_loop3A_416 = vector.shape_cast %parallel_loop3A_415 : vector<16xi32> to vector<16x1xi32>
      %parallel_loop3A_417 = vector.shape_cast %parallel_loop3A_416 : vector<16x1xi32> to vector<16xi32>
      %parallel_loop3A_418 = tpu.dynamic_gather %parallel_loop3A_405[%parallel_loop3A_417] in [0] : vector<16xf32>, vector<16xi32> -> vector<16xf32>
      %parallel_loop3A_419 = arith.maximumf %parallel_loop3A_405, %parallel_loop3A_418 : vector<16xf32>
      %parallel_loop3A_420 = arith.cmpf oeq, %parallel_loop3A_363, %parallel_loop3A_419 : vector<16xf32>
      %parallel_loop3A_421 = tpu.all_reduce %parallel_loop3A_420 {dim = 0 : i64, kind = #tpu.reduction_kind<find_first_set>} : vector<16xi1> -> vector<16xi32>
      %parallel_loop3A_422 = arith.cmpi eq, %iota3A, %parallel_loop3A_421 : vector<16xi32>
      %parallel_loop3A_423 = arith.constant 0xFF800000 : f32
      %parallel_loop3A_424 = vector.broadcast %parallel_loop3A_423 : f32 to vector<16xf32>
      %parallel_loop3A_425 = arith.select %parallel_loop3A_422, %parallel_loop3A_424, %parallel_loop3A_363 : vector<16xi1>, vector<16xf32>
      %parallel_loop3A_426 = arith.constant 1 : i32
      %parallel_loop3A_427 = vector.broadcast %parallel_loop3A_426 : i32 to vector<16xi32>
      %parallel_loop3A_428 = arith.xori %iota3A, %parallel_loop3A_427 : vector<16xi32>
      %parallel_loop3A_429 = arith.constant 0 : i32
      %parallel_loop3A_430 = vector.broadcast %parallel_loop3A_429 : i32 to vector<16xi32>
      %parallel_loop3A_431 = arith.cmpi slt, %parallel_loop3A_428, %parallel_loop3A_430 : vector<16xi32>
      %parallel_loop3A_432 = arith.constant 16 : i32
      %parallel_loop3A_433 = vector.broadcast %parallel_loop3A_432 : i32 to vector<16xi32>
      %parallel_loop3A_434 = arith.addi %parallel_loop3A_428, %parallel_loop3A_433 : vector<16xi32>
      %parallel_loop3A_435 = arith.select %parallel_loop3A_431, %parallel_loop3A_434, %parallel_loop3A_428 : vector<16xi1>, vector<16xi32>
      %parallel_loop3A_436 = vector.shape_cast %parallel_loop3A_435 : vector<16xi32> to vector<16x1xi32>
      %parallel_loop3A_437 = vector.shape_cast %parallel_loop3A_436 : vector<16x1xi32> to vector<16xi32>
      %parallel_loop3A_438 = tpu.dynamic_gather %parallel_loop3A_425[%parallel_loop3A_437] in [0] : vector<16xf32>, vector<16xi32> -> vector<16xf32>
      %parallel_loop3A_439 = arith.maximumf %parallel_loop3A_425, %parallel_loop3A_438 : vector<16xf32>
      %parallel_loop3A_440 = arith.constant 2 : i32
      %parallel_loop3A_441 = vector.broadcast %parallel_loop3A_440 : i32 to vector<16xi32>
      %parallel_loop3A_442 = arith.xori %iota3A, %parallel_loop3A_441 : vector<16xi32>
      %parallel_loop3A_443 = arith.constant 0 : i32
      %parallel_loop3A_444 = vector.broadcast %parallel_loop3A_443 : i32 to vector<16xi32>
      %parallel_loop3A_445 = arith.cmpi slt, %parallel_loop3A_442, %parallel_loop3A_444 : vector<16xi32>
      %parallel_loop3A_446 = arith.constant 16 : i32
      %parallel_loop3A_447 = vector.broadcast %parallel_loop3A_446 : i32 to vector<16xi32>
      %parallel_loop3A_448 = arith.addi %parallel_loop3A_442, %parallel_loop3A_447 : vector<16xi32>
      %parallel_loop3A_449 = arith.select %parallel_loop3A_445, %parallel_loop3A_448, %parallel_loop3A_442 : vector<16xi1>, vector<16xi32>
      %parallel_loop3A_450 = vector.shape_cast %parallel_loop3A_449 : vector<16xi32> to vector<16x1xi32>
      %parallel_loop3A_451 = vector.shape_cast %parallel_loop3A_450 : vector<16x1xi32> to vector<16xi32>
      %parallel_loop3A_452 = tpu.dynamic_gather %parallel_loop3A_439[%parallel_loop3A_451] in [0] : vector<16xf32>, vector<16xi32> -> vector<16xf32>
      %parallel_loop3A_453 = arith.maximumf %parallel_loop3A_439, %parallel_loop3A_452 : vector<16xf32>
      %parallel_loop3A_454 = arith.constant 4 : i32
      %parallel_loop3A_455 = vector.broadcast %parallel_loop3A_454 : i32 to vector<16xi32>
      %parallel_loop3A_456 = arith.xori %iota3A, %parallel_loop3A_455 : vector<16xi32>
      %parallel_loop3A_457 = arith.constant 0 : i32
      %parallel_loop3A_458 = vector.broadcast %parallel_loop3A_457 : i32 to vector<16xi32>
      %parallel_loop3A_459 = arith.cmpi slt, %parallel_loop3A_456, %parallel_loop3A_458 : vector<16xi32>
      %parallel_loop3A_460 = arith.constant 16 : i32
      %parallel_loop3A_461 = vector.broadcast %parallel_loop3A_460 : i32 to vector<16xi32>
      %parallel_loop3A_462 = arith.addi %parallel_loop3A_456, %parallel_loop3A_461 : vector<16xi32>
      %parallel_loop3A_463 = arith.select %parallel_loop3A_459, %parallel_loop3A_462, %parallel_loop3A_456 : vector<16xi1>, vector<16xi32>
      %parallel_loop3A_464 = vector.shape_cast %parallel_loop3A_463 : vector<16xi32> to vector<16x1xi32>
      %parallel_loop3A_465 = vector.shape_cast %parallel_loop3A_464 : vector<16x1xi32> to vector<16xi32>
      %parallel_loop3A_466 = tpu.dynamic_gather %parallel_loop3A_453[%parallel_loop3A_465] in [0] : vector<16xf32>, vector<16xi32> -> vector<16xf32>
      %parallel_loop3A_467 = arith.maximumf %parallel_loop3A_453, %parallel_loop3A_466 : vector<16xf32>
      %parallel_loop3A_468 = arith.constant 8 : i32
      %parallel_loop3A_469 = vector.broadcast %parallel_loop3A_468 : i32 to vector<16xi32>
      %parallel_loop3A_470 = arith.xori %iota3A, %parallel_loop3A_469 : vector<16xi32>
      %parallel_loop3A_471 = arith.constant 0 : i32
      %parallel_loop3A_472 = vector.broadcast %parallel_loop3A_471 : i32 to vector<16xi32>
      %parallel_loop3A_473 = arith.cmpi slt, %parallel_loop3A_470, %parallel_loop3A_472 : vector<16xi32>
      %parallel_loop3A_474 = arith.constant 16 : i32
      %parallel_loop3A_475 = vector.broadcast %parallel_loop3A_474 : i32 to vector<16xi32>
      %parallel_loop3A_476 = arith.addi %parallel_loop3A_470, %parallel_loop3A_475 : vector<16xi32>
      %parallel_loop3A_477 = arith.select %parallel_loop3A_473, %parallel_loop3A_476, %parallel_loop3A_470 : vector<16xi1>, vector<16xi32>
      %parallel_loop3A_478 = vector.shape_cast %parallel_loop3A_477 : vector<16xi32> to vector<16x1xi32>
      %parallel_loop3A_479 = vector.shape_cast %parallel_loop3A_478 : vector<16x1xi32> to vector<16xi32>
      %parallel_loop3A_480 = tpu.dynamic_gather %parallel_loop3A_467[%parallel_loop3A_479] in [0] : vector<16xf32>, vector<16xi32> -> vector<16xf32>
      %parallel_loop3A_481 = arith.maximumf %parallel_loop3A_467, %parallel_loop3A_480 : vector<16xf32>
      %parallel_loop3A_482 = arith.cmpf oeq, %parallel_loop3A_425, %parallel_loop3A_481 : vector<16xf32>
      %parallel_loop3A_483 = tpu.all_reduce %parallel_loop3A_482 {dim = 0 : i64, kind = #tpu.reduction_kind<find_first_set>} : vector<16xi1> -> vector<16xi32>
      %parallel_loop3A_484 = arith.cmpi eq, %iota3A, %parallel_loop3A_483 : vector<16xi32>
      %parallel_loop3A_485 = arith.ori %parallel_loop3A_422, %parallel_loop3A_484 : vector<16xi1>
      %parallel_loop3A_486 = arith.constant 0.000000e+00 : f32
      %parallel_loop3A_487 = vector.broadcast %parallel_loop3A_486 : f32 to vector<16xf32>
      %parallel_loop3A_488 = arith.subf %parallel_loop3A_487, %parallel_loop3A_363 : vector<16xf32>
      %parallel_loop3A_489 = math.exp %parallel_loop3A_488 : vector<16xf32>
      %parallel_loop3A_490 = arith.constant 1.000000e+00 : f32
      %parallel_loop3A_491 = vector.broadcast %parallel_loop3A_490 : f32 to vector<16xf32>
      %parallel_loop3A_492 = arith.addf %parallel_loop3A_491, %parallel_loop3A_489 : vector<16xf32>
      %parallel_loop3A_493 = arith.constant 1.000000e+00 : f32
      %parallel_loop3A_494 = vector.broadcast %parallel_loop3A_493 : f32 to vector<16xf32>
      %parallel_loop3A_495 = arith.divf %parallel_loop3A_494, %parallel_loop3A_492 : vector<16xf32>
      %parallel_loop3A_496 = arith.constant 0.000000e+00 : f32
      %parallel_loop3A_497 = vector.broadcast %parallel_loop3A_496 : f32 to vector<16xf32>
      %parallel_loop3A_498 = arith.select %parallel_loop3A_485, %parallel_loop3A_495, %parallel_loop3A_497 : vector<16xi1>, vector<16xf32>
      %parallel_loop3A_499 = arith.constant 0 : i32
      %parallel_loop3A_500 = arith.constant 0 : i32
      %parallel_loop3A_501 = tpu.memref_slice %arg7[%parallel_loop3A_56, %parallel_loop3A_499, %parallel_loop3A_500] : memref<2x128x16xf32, #tpu.memory_space<vmem>> -> memref<1x128x16xf32, #tpu.memory_space<vmem>>
      %parallel_loop3A_502 = tpu.memref_squeeze %parallel_loop3A_501 : memref<1x128x16xf32, #tpu.memory_space<vmem>> -> memref<128x16xf32, #tpu.memory_space<vmem>>
      %parallel_loop3A_503 = arith.index_cast %parallel_loop3A_356 : i32 to index
      %parallel_loop3A_504 = arith.constant 0 : index
      %parallel_loop3A_505 = tpu.vector_load %parallel_loop3A_502[%parallel_loop3A_503, %parallel_loop3A_504] {strides = array<i32>} : memref<128x16xf32, #tpu.memory_space<vmem>>, vector<16xf32>,
      tpu.vector_store %parallel_loop3A_502[%parallel_loop3A_503, %parallel_loop3A_504], %parallel_loop3A_498 {strides = array<i32>} : memref<128x16xf32, #tpu.memory_space<vmem>>, vector<16xf32>,
      %parallel_loop3A_506 = vector.broadcast %parallel_loop3A_356 : i32 to vector<16xi32>
      %parallel_loop3A_507 = arith.constant 0 : i32
      %parallel_loop3A_508 = arith.constant 1 : i32
      %parallel_loop3A_509 = vector.broadcast %parallel_loop3A_507 : i32 to vector<16xi32>
      %parallel_loop3A_510 = vector.broadcast %parallel_loop3A_508 : i32 to vector<16xi32>
      %parallel_loop3A_511 = arith.select %parallel_loop3A_422, %parallel_loop3A_509, %parallel_loop3A_510 : vector<16xi1>, vector<16xi32>
      tpu.vector_store_idx %arg8[%parallel_loop3A_506, %parallel_loop3A_511], %parallel_loop3A_495 masked %parallel_loop3A_485 : memref<128x2xf32, #tpu.memory_space<vmem>>[vector<16xi32>, vector<16xi32>], vector<16xf32>, vector<16xi1>
      tpu.vector_store_idx %arg9[%parallel_loop3A_506, %parallel_loop3A_511], %iota3A masked %parallel_loop3A_485 : memref<128x2xi32, #tpu.memory_space<vmem>>[vector<16xi32>, vector<16xi32>], vector<16xi32>, vector<16xi1>
    } {sc.loop_unroll_factor = 8 : i64, sc.parallel_access}
    %add3A_57 = arith.constant 0 : i32
    %add3A_58 = arith.addi %mul3A_2, %add3A_57 : i32
    %dma_start3A_59 = arith.constant 0 : i32
    %dma_start3A_60 = arith.constant 0 : i32
    %dma_start3A_61 = arith.constant 0 : i32
    %dma_start3A_62 = arith.constant 0 : i32
    %dma_start3A_63 = tpu.memref_slice %arg7[%dma_start3A_59, %dma_start3A_61, %dma_start3A_62] : memref<2x128x16xf32, #tpu.memory_space<vmem>> -> memref<1x128x16xf32, #tpu.memory_space<vmem>>
    %dma_start3A_64 = tpu.memref_squeeze %dma_start3A_63 : memref<1x128x16xf32, #tpu.memory_space<vmem>> -> memref<128x16xf32, #tpu.memory_space<vmem>>
    %dma_start3A_65 = arith.constant 0 : i32
    %dma_start3A_66 = tpu.memref_slice %arg3[%add3A_58, %dma_start3A_65] : memref<16384x16xf32, #tpu.memory_space<hbm>> -> memref<128x16xf32, #tpu.memory_space<hbm>>
    %dma_start3A_67 = tpu.memref_slice %arg11[%dma_start3A_60] : memref<2x!tpu.dma_semaphore, #tpu.memory_space<semaphore_mem>> -> memref<1x!tpu.dma_semaphore, #tpu.memory_space<semaphore_mem>>
    %dma_start3A_68 = tpu.memref_squeeze %dma_start3A_67 : memref<1x!tpu.dma_semaphore, #tpu.memory_space<semaphore_mem>> -> memref<!tpu.dma_semaphore, #tpu.memory_space<semaphore_mem>>
    %dma_start3A_69 = arith.constant 0 : i32
    %dma_start3A_70 = tpu.memref_slice %arg3[%add3A_58, %dma_start3A_69] : memref<16384x16xf32, #tpu.memory_space<hbm>> -> memref<128x16xf32, #tpu.memory_space<hbm>>
    %dma_start3A_71 = arith.constant 0 : i32
    %dma_start3A_72 = arith.constant 0 : i32
    %dma_start3A_73 = tpu.memref_slice %arg7[%dma_start3A_59, %dma_start3A_71, %dma_start3A_72] : memref<2x128x16xf32, #tpu.memory_space<vmem>> -> memref<1x128x16xf32, #tpu.memory_space<vmem>>
    %dma_start3A_74 = tpu.memref_squeeze %dma_start3A_73 : memref<1x128x16xf32, #tpu.memory_space<vmem>> -> memref<128x16xf32, #tpu.memory_space<vmem>>
    tpu.enqueue_dma source(%dma_start3A_74 : memref<128x16xf32, #tpu.memory_space<vmem>>) target(%dma_start3A_70 : memref<128x16xf32, #tpu.memory_space<hbm>>) target_semaphore(%dma_start3A_68 : memref<!tpu.dma_semaphore, #tpu.memory_space<semaphore_mem>>)
    %dma_start3A_75 = arith.constant 0 : i32
    %dma_start3A_76 = tpu.memref_slice %arg4[%add3A_58, %dma_start3A_75] : memref<16384x2xf32, #tpu.memory_space<hbm>> -> memref<128x2xf32, #tpu.memory_space<hbm>>
    %dma_start3A_77 = arith.constant 0 : i32
    %dma_start3A_78 = tpu.memref_slice %arg4[%add3A_58, %dma_start3A_77] : memref<16384x2xf32, #tpu.memory_space<hbm>> -> memref<128x2xf32, #tpu.memory_space<hbm>>
    tpu.enqueue_dma source(%arg8 : memref<128x2xf32, #tpu.memory_space<vmem>>) target(%dma_start3A_78 : memref<128x2xf32, #tpu.memory_space<hbm>>) target_semaphore(%arg12 : memref<!tpu.dma_semaphore, #tpu.memory_space<semaphore_mem>>)
    %dma_start3A_79 = arith.constant 0 : i32
    %dma_start3A_80 = tpu.memref_slice %arg5[%add3A_58, %dma_start3A_79] : memref<16384x2xi32, #tpu.memory_space<hbm>> -> memref<128x2xi32, #tpu.memory_space<hbm>>
    %dma_start3A_81 = arith.constant 0 : i32
    %dma_start3A_82 = tpu.memref_slice %arg5[%add3A_58, %dma_start3A_81] : memref<16384x2xi32, #tpu.memory_space<hbm>> -> memref<128x2xi32, #tpu.memory_space<hbm>>
    tpu.enqueue_dma source(%arg9 : memref<128x2xi32, #tpu.memory_space<vmem>>) target(%dma_start3A_82 : memref<128x2xi32, #tpu.memory_space<hbm>>) target_semaphore(%arg13 : memref<!tpu.dma_semaphore, #tpu.memory_space<semaphore_mem>>)
    %add3A_83 = arith.constant 256 : i32
    %add3A_84 = arith.addi %mul3A_2, %add3A_83 : i32
    %dma_start3A_85 = arith.constant 0 : i32
    %dma_start3A_86 = arith.constant 0 : i32
    %dma_start3A_87 = arith.constant 0 : i32
    %dma_start3A_88 = arith.constant 0 : i32
    %dma_start3A_89 = tpu.memref_slice %arg6[%dma_start3A_85, %dma_start3A_87, %dma_start3A_88] : memref<2x128x16xf32, #tpu.memory_space<vmem>> -> memref<1x128x16xf32, #tpu.memory_space<vmem>>
    %dma_start3A_90 = tpu.memref_squeeze %dma_start3A_89 : memref<1x128x16xf32, #tpu.memory_space<vmem>> -> memref<128x16xf32, #tpu.memory_space<vmem>>
    %dma_start3A_91 = arith.constant 0 : i32
    %dma_start3A_92 = tpu.memref_slice %arg2[%add3A_84, %dma_start3A_91] : memref<16384x16xf32, #tpu.memory_space<hbm>> -> memref<128x16xf32, #tpu.memory_space<hbm>>
    %dma_start3A_93 = tpu.memref_slice %arg10[%dma_start3A_86] : memref<2x!tpu.dma_semaphore, #tpu.memory_space<semaphore_mem>> -> memref<1x!tpu.dma_semaphore, #tpu.memory_space<semaphore_mem>>
    %dma_start3A_94 = tpu.memref_squeeze %dma_start3A_93 : memref<1x!tpu.dma_semaphore, #tpu.memory_space<semaphore_mem>> -> memref<!tpu.dma_semaphore, #tpu.memory_space<semaphore_mem>>
    %dma_start3A_95 = arith.constant 0 : i32
    %dma_start3A_96 = arith.constant 0 : i32
    %dma_start3A_97 = tpu.memref_slice %arg6[%dma_start3A_85, %dma_start3A_95, %dma_start3A_96] : memref<2x128x16xf32, #tpu.memory_space<vmem>> -> memref<1x128x16xf32, #tpu.memory_space<vmem>>
    %dma_start3A_98 = tpu.memref_squeeze %dma_start3A_97 : memref<1x128x16xf32, #tpu.memory_space<vmem>> -> memref<128x16xf32, #tpu.memory_space<vmem>>
    %dma_start3A_99 = arith.constant 0 : i32
    %dma_start3A_100 = tpu.memref_slice %arg2[%add3A_84, %dma_start3A_99] : memref<16384x16xf32, #tpu.memory_space<hbm>> -> memref<128x16xf32, #tpu.memory_space<hbm>>
    tpu.enqueue_dma source(%dma_start3A_100 : memref<128x16xf32, #tpu.memory_space<hbm>>) target(%dma_start3A_98 : memref<128x16xf32, #tpu.memory_space<vmem>>) target_semaphore(%dma_start3A_94 : memref<!tpu.dma_semaphore, #tpu.memory_space<semaphore_mem>>)
    %dma_wait3A_101 = arith.constant 1 : i32
    %dma_wait3A_102 = arith.constant 1 : i32
    %dma_wait3A_103 = arith.constant 0 : i32
    %dma_wait3A_104 = arith.constant 0 : i32
    %dma_wait3A_105 = tpu.memref_slice %arg6[%dma_wait3A_101, %dma_wait3A_103, %dma_wait3A_104] : memref<2x128x16xf32, #tpu.memory_space<vmem>> -> memref<1x128x16xf32, #tpu.memory_space<vmem>>
    %dma_wait3A_106 = tpu.memref_squeeze %dma_wait3A_105 : memref<1x128x16xf32, #tpu.memory_space<vmem>> -> memref<128x16xf32, #tpu.memory_space<vmem>>
    %dma_wait3A_107 = arith.constant 0 : i32
    %dma_wait3A_108 = tpu.memref_slice %arg2[%add3A_21, %dma_wait3A_107] : memref<16384x16xf32, #tpu.memory_space<hbm>> -> memref<128x16xf32, #tpu.memory_space<hbm>>
    %dma_wait3A_109 = tpu.memref_slice %arg10[%dma_wait3A_102] : memref<2x!tpu.dma_semaphore, #tpu.memory_space<semaphore_mem>> -> memref<1x!tpu.dma_semaphore, #tpu.memory_space<semaphore_mem>>
    %dma_wait3A_110 = tpu.memref_squeeze %dma_wait3A_109 : memref<1x!tpu.dma_semaphore, #tpu.memory_space<semaphore_mem>> -> memref<!tpu.dma_semaphore, #tpu.memory_space<semaphore_mem>>
    %dma_wait3A_111 = arith.constant 0 : i32
    %dma_wait3A_112 = arith.constant 0 : i32
    %dma_wait3A_113 = tpu.memref_slice %arg6[%dma_wait3A_101, %dma_wait3A_111, %dma_wait3A_112] : memref<2x128x16xf32, #tpu.memory_space<vmem>> -> memref<1x128x16xf32, #tpu.memory_space<vmem>>
    %dma_wait3A_114 = tpu.memref_squeeze %dma_wait3A_113 : memref<1x128x16xf32, #tpu.memory_space<vmem>> -> memref<128x16xf32, #tpu.memory_space<vmem>>
    %dma_wait3A_115 = arith.constant 0 : i32
    %dma_wait3A_116 = tpu.memref_slice %arg2[%add3A_21, %dma_wait3A_115] : memref<16384x16xf32, #tpu.memory_space<hbm>> -> memref<128x16xf32, #tpu.memory_space<hbm>>
    tpu.wait_dma2 semaphore(%dma_wait3A_110 : memref<!tpu.dma_semaphore, #tpu.memory_space<semaphore_mem>>) src(%dma_wait3A_116 : memref<128x16xf32, #tpu.memory_space<hbm>>) dst(%dma_wait3A_114 : memref<128x16xf32, #tpu.memory_space<vmem>>)
    %dma_wait3A_117 = arith.constant 0 : i32
    %dma_wait3A_118 = tpu.memref_slice %arg4[%add3A_58, %dma_wait3A_117] : memref<16384x2xf32, #tpu.memory_space<hbm>> -> memref<128x2xf32, #tpu.memory_space<hbm>>
    %dma_wait3A_119 = arith.constant 0 : i32
    %dma_wait3A_120 = tpu.memref_slice %arg4[%add3A_58, %dma_wait3A_119] : memref<16384x2xf32, #tpu.memory_space<hbm>> -> memref<128x2xf32, #tpu.memory_space<hbm>>
    tpu.wait_dma2 semaphore(%arg12 : memref<!tpu.dma_semaphore, #tpu.memory_space<semaphore_mem>>) src(%arg8 : memref<128x2xf32, #tpu.memory_space<vmem>>) dst(%dma_wait3A_120 : memref<128x2xf32, #tpu.memory_space<hbm>>)
    %dma_wait3A_121 = arith.constant 0 : i32
    %dma_wait3A_122 = tpu.memref_slice %arg5[%add3A_58, %dma_wait3A_121] : memref<16384x2xi32, #tpu.memory_space<hbm>> -> memref<128x2xi32, #tpu.memory_space<hbm>>
    %dma_wait3A_123 = arith.constant 0 : i32
    %dma_wait3A_124 = tpu.memref_slice %arg5[%add3A_58, %dma_wait3A_123] : memref<16384x2xi32, #tpu.memory_space<hbm>> -> memref<128x2xi32, #tpu.memory_space<hbm>>
    tpu.wait_dma2 semaphore(%arg13 : memref<!tpu.dma_semaphore, #tpu.memory_space<semaphore_mem>>) src(%arg9 : memref<128x2xi32, #tpu.memory_space<vmem>>) dst(%dma_wait3A_124 : memref<128x2xi32, #tpu.memory_space<hbm>>)
    %parallel_loop3A_125 = arith.constant 0 : i32
    %parallel_loop3A_126 = arith.constant 128 : i32
    %parallel_loop3A_127 = arith.constant 1 : i32
    %parallel_loop3A_128 = arith.constant 1 : i32
    %parallel_loop3A_129 = arith.constant 1 : i32
    scf.for %parallel_loop3A_356 = %parallel_loop3A_125 to %parallel_loop3A_126 step %parallel_loop3A_127  : i32 {
      %parallel_loop3A_357 = arith.constant 0 : i32
      %parallel_loop3A_358 = arith.constant 0 : i32
      %parallel_loop3A_359 = tpu.memref_slice %arg6[%parallel_loop3A_128, %parallel_loop3A_357, %parallel_loop3A_358] : memref<2x128x16xf32, #tpu.memory_space<vmem>> -> memref<1x128x16xf32, #tpu.memory_space<vmem>>
      %parallel_loop3A_360 = tpu.memref_squeeze %parallel_loop3A_359 : memref<1x128x16xf32, #tpu.memory_space<vmem>> -> memref<128x16xf32, #tpu.memory_space<vmem>>
      %parallel_loop3A_361 = arith.index_cast %parallel_loop3A_356 : i32 to index
      %parallel_loop3A_362 = arith.constant 0 : index
      %parallel_loop3A_363 = tpu.vector_load %parallel_loop3A_360[%parallel_loop3A_361, %parallel_loop3A_362] {strides = array<i32>} : memref<128x16xf32, #tpu.memory_space<vmem>>, vector<16xf32>,
      %parallel_loop3A_364 = arith.constant 1 : i32
      %parallel_loop3A_365 = vector.broadcast %parallel_loop3A_364 : i32 to vector<16xi32>
      %parallel_loop3A_366 = arith.xori %iota3A, %parallel_loop3A_365 : vector<16xi32>
      %parallel_loop3A_367 = arith.constant 0 : i32
      %parallel_loop3A_368 = vector.broadcast %parallel_loop3A_367 : i32 to vector<16xi32>
      %parallel_loop3A_369 = arith.cmpi slt, %parallel_loop3A_366, %parallel_loop3A_368 : vector<16xi32>
      %parallel_loop3A_370 = arith.constant 16 : i32
      %parallel_loop3A_371 = vector.broadcast %parallel_loop3A_370 : i32 to vector<16xi32>
      %parallel_loop3A_372 = arith.addi %parallel_loop3A_366, %parallel_loop3A_371 : vector<16xi32>
      %parallel_loop3A_373 = arith.select %parallel_loop3A_369, %parallel_loop3A_372, %parallel_loop3A_366 : vector<16xi1>, vector<16xi32>
      %parallel_loop3A_374 = vector.shape_cast %parallel_loop3A_373 : vector<16xi32> to vector<16x1xi32>
      %parallel_loop3A_375 = vector.shape_cast %parallel_loop3A_374 : vector<16x1xi32> to vector<16xi32>
      %parallel_loop3A_376 = tpu.dynamic_gather %parallel_loop3A_363[%parallel_loop3A_375] in [0] : vector<16xf32>, vector<16xi32> -> vector<16xf32>
      %parallel_loop3A_377 = arith.maximumf %parallel_loop3A_363, %parallel_loop3A_376 : vector<16xf32>
      %parallel_loop3A_378 = arith.constant 2 : i32
      %parallel_loop3A_379 = vector.broadcast %parallel_loop3A_378 : i32 to vector<16xi32>
      %parallel_loop3A_380 = arith.xori %iota3A, %parallel_loop3A_379 : vector<16xi32>
      %parallel_loop3A_381 = arith.constant 0 : i32
      %parallel_loop3A_382 = vector.broadcast %parallel_loop3A_381 : i32 to vector<16xi32>
      %parallel_loop3A_383 = arith.cmpi slt, %parallel_loop3A_380, %parallel_loop3A_382 : vector<16xi32>
      %parallel_loop3A_384 = arith.constant 16 : i32
      %parallel_loop3A_385 = vector.broadcast %parallel_loop3A_384 : i32 to vector<16xi32>
      %parallel_loop3A_386 = arith.addi %parallel_loop3A_380, %parallel_loop3A_385 : vector<16xi32>
      %parallel_loop3A_387 = arith.select %parallel_loop3A_383, %parallel_loop3A_386, %parallel_loop3A_380 : vector<16xi1>, vector<16xi32>
      %parallel_loop3A_388 = vector.shape_cast %parallel_loop3A_387 : vector<16xi32> to vector<16x1xi32>
      %parallel_loop3A_389 = vector.shape_cast %parallel_loop3A_388 : vector<16x1xi32> to vector<16xi32>
      %parallel_loop3A_390 = tpu.dynamic_gather %parallel_loop3A_377[%parallel_loop3A_389] in [0] : vector<16xf32>, vector<16xi32> -> vector<16xf32>
      %parallel_loop3A_391 = arith.maximumf %parallel_loop3A_377, %parallel_loop3A_390 : vector<16xf32>
      %parallel_loop3A_392 = arith.constant 4 : i32
      %parallel_loop3A_393 = vector.broadcast %parallel_loop3A_392 : i32 to vector<16xi32>
      %parallel_loop3A_394 = arith.xori %iota3A, %parallel_loop3A_393 : vector<16xi32>
      %parallel_loop3A_395 = arith.constant 0 : i32
      %parallel_loop3A_396 = vector.broadcast %parallel_loop3A_395 : i32 to vector<16xi32>
      %parallel_loop3A_397 = arith.cmpi slt, %parallel_loop3A_394, %parallel_loop3A_396 : vector<16xi32>
      %parallel_loop3A_398 = arith.constant 16 : i32
      %parallel_loop3A_399 = vector.broadcast %parallel_loop3A_398 : i32 to vector<16xi32>
      %parallel_loop3A_400 = arith.addi %parallel_loop3A_394, %parallel_loop3A_399 : vector<16xi32>
      %parallel_loop3A_401 = arith.select %parallel_loop3A_397, %parallel_loop3A_400, %parallel_loop3A_394 : vector<16xi1>, vector<16xi32>
      %parallel_loop3A_402 = vector.shape_cast %parallel_loop3A_401 : vector<16xi32> to vector<16x1xi32>
      %parallel_loop3A_403 = vector.shape_cast %parallel_loop3A_402 : vector<16x1xi32> to vector<16xi32>
      %parallel_loop3A_404 = tpu.dynamic_gather %parallel_loop3A_391[%parallel_loop3A_403] in [0] : vector<16xf32>, vector<16xi32> -> vector<16xf32>
      %parallel_loop3A_405 = arith.maximumf %parallel_loop3A_391, %parallel_loop3A_404 : vector<16xf32>
      %parallel_loop3A_406 = arith.constant 8 : i32
      %parallel_loop3A_407 = vector.broadcast %parallel_loop3A_406 : i32 to vector<16xi32>
      %parallel_loop3A_408 = arith.xori %iota3A, %parallel_loop3A_407 : vector<16xi32>
      %parallel_loop3A_409 = arith.constant 0 : i32
      %parallel_loop3A_410 = vector.broadcast %parallel_loop3A_409 : i32 to vector<16xi32>
      %parallel_loop3A_411 = arith.cmpi slt, %parallel_loop3A_408, %parallel_loop3A_410 : vector<16xi32>
      %parallel_loop3A_412 = arith.constant 16 : i32
      %parallel_loop3A_413 = vector.broadcast %parallel_loop3A_412 : i32 to vector<16xi32>
      %parallel_loop3A_414 = arith.addi %parallel_loop3A_408, %parallel_loop3A_413 : vector<16xi32>
      %parallel_loop3A_415 = arith.select %parallel_loop3A_411, %parallel_loop3A_414, %parallel_loop3A_408 : vector<16xi1>, vector<16xi32>
      %parallel_loop3A_416 = vector.shape_cast %parallel_loop3A_415 : vector<16xi32> to vector<16x1xi32>
      %parallel_loop3A_417 = vector.shape_cast %parallel_loop3A_416 : vector<16x1xi32> to vector<16xi32>
      %parallel_loop3A_418 = tpu.dynamic_gather %parallel_loop3A_405[%parallel_loop3A_417] in [0] : vector<16xf32>, vector<16xi32> -> vector<16xf32>
      %parallel_loop3A_419 = arith.maximumf %parallel_loop3A_405, %parallel_loop3A_418 : vector<16xf32>
      %parallel_loop3A_420 = arith.cmpf oeq, %parallel_loop3A_363, %parallel_loop3A_419 : vector<16xf32>
      %parallel_loop3A_421 = tpu.all_reduce %parallel_loop3A_420 {dim = 0 : i64, kind = #tpu.reduction_kind<find_first_set>} : vector<16xi1> -> vector<16xi32>
      %parallel_loop3A_422 = arith.cmpi eq, %iota3A, %parallel_loop3A_421 : vector<16xi32>
      %parallel_loop3A_423 = arith.constant 0xFF800000 : f32
      %parallel_loop3A_424 = vector.broadcast %parallel_loop3A_423 : f32 to vector<16xf32>
      %parallel_loop3A_425 = arith.select %parallel_loop3A_422, %parallel_loop3A_424, %parallel_loop3A_363 : vector<16xi1>, vector<16xf32>
      %parallel_loop3A_426 = arith.constant 1 : i32
      %parallel_loop3A_427 = vector.broadcast %parallel_loop3A_426 : i32 to vector<16xi32>
      %parallel_loop3A_428 = arith.xori %iota3A, %parallel_loop3A_427 : vector<16xi32>
      %parallel_loop3A_429 = arith.constant 0 : i32
      %parallel_loop3A_430 = vector.broadcast %parallel_loop3A_429 : i32 to vector<16xi32>
      %parallel_loop3A_431 = arith.cmpi slt, %parallel_loop3A_428, %parallel_loop3A_430 : vector<16xi32>
      %parallel_loop3A_432 = arith.constant 16 : i32
      %parallel_loop3A_433 = vector.broadcast %parallel_loop3A_432 : i32 to vector<16xi32>
      %parallel_loop3A_434 = arith.addi %parallel_loop3A_428, %parallel_loop3A_433 : vector<16xi32>
      %parallel_loop3A_435 = arith.select %parallel_loop3A_431, %parallel_loop3A_434, %parallel_loop3A_428 : vector<16xi1>, vector<16xi32>
      %parallel_loop3A_436 = vector.shape_cast %parallel_loop3A_435 : vector<16xi32> to vector<16x1xi32>
      %parallel_loop3A_437 = vector.shape_cast %parallel_loop3A_436 : vector<16x1xi32> to vector<16xi32>
      %parallel_loop3A_438 = tpu.dynamic_gather %parallel_loop3A_425[%parallel_loop3A_437] in [0] : vector<16xf32>, vector<16xi32> -> vector<16xf32>
      %parallel_loop3A_439 = arith.maximumf %parallel_loop3A_425, %parallel_loop3A_438 : vector<16xf32>
      %parallel_loop3A_440 = arith.constant 2 : i32
      %parallel_loop3A_441 = vector.broadcast %parallel_loop3A_440 : i32 to vector<16xi32>
      %parallel_loop3A_442 = arith.xori %iota3A, %parallel_loop3A_441 : vector<16xi32>
      %parallel_loop3A_443 = arith.constant 0 : i32
      %parallel_loop3A_444 = vector.broadcast %parallel_loop3A_443 : i32 to vector<16xi32>
      %parallel_loop3A_445 = arith.cmpi slt, %parallel_loop3A_442, %parallel_loop3A_444 : vector<16xi32>
      %parallel_loop3A_446 = arith.constant 16 : i32
      %parallel_loop3A_447 = vector.broadcast %parallel_loop3A_446 : i32 to vector<16xi32>
      %parallel_loop3A_448 = arith.addi %parallel_loop3A_442, %parallel_loop3A_447 : vector<16xi32>
      %parallel_loop3A_449 = arith.select %parallel_loop3A_445, %parallel_loop3A_448, %parallel_loop3A_442 : vector<16xi1>, vector<16xi32>
      %parallel_loop3A_450 = vector.shape_cast %parallel_loop3A_449 : vector<16xi32> to vector<16x1xi32>
      %parallel_loop3A_451 = vector.shape_cast %parallel_loop3A_450 : vector<16x1xi32> to vector<16xi32>
      %parallel_loop3A_452 = tpu.dynamic_gather %parallel_loop3A_439[%parallel_loop3A_451] in [0] : vector<16xf32>, vector<16xi32> -> vector<16xf32>
      %parallel_loop3A_453 = arith.maximumf %parallel_loop3A_439, %parallel_loop3A_452 : vector<16xf32>
      %parallel_loop3A_454 = arith.constant 4 : i32
      %parallel_loop3A_455 = vector.broadcast %parallel_loop3A_454 : i32 to vector<16xi32>
      %parallel_loop3A_456 = arith.xori %iota3A, %parallel_loop3A_455 : vector<16xi32>
      %parallel_loop3A_457 = arith.constant 0 : i32
      %parallel_loop3A_458 = vector.broadcast %parallel_loop3A_457 : i32 to vector<16xi32>
      %parallel_loop3A_459 = arith.cmpi slt, %parallel_loop3A_456, %parallel_loop3A_458 : vector<16xi32>
      %parallel_loop3A_460 = arith.constant 16 : i32
      %parallel_loop3A_461 = vector.broadcast %parallel_loop3A_460 : i32 to vector<16xi32>
      %parallel_loop3A_462 = arith.addi %parallel_loop3A_456, %parallel_loop3A_461 : vector<16xi32>
      %parallel_loop3A_463 = arith.select %parallel_loop3A_459, %parallel_loop3A_462, %parallel_loop3A_456 : vector<16xi1>, vector<16xi32>
      %parallel_loop3A_464 = vector.shape_cast %parallel_loop3A_463 : vector<16xi32> to vector<16x1xi32>
      %parallel_loop3A_465 = vector.shape_cast %parallel_loop3A_464 : vector<16x1xi32> to vector<16xi32>
      %parallel_loop3A_466 = tpu.dynamic_gather %parallel_loop3A_453[%parallel_loop3A_465] in [0] : vector<16xf32>, vector<16xi32> -> vector<16xf32>
      %parallel_loop3A_467 = arith.maximumf %parallel_loop3A_453, %parallel_loop3A_466 : vector<16xf32>
      %parallel_loop3A_468 = arith.constant 8 : i32
      %parallel_loop3A_469 = vector.broadcast %parallel_loop3A_468 : i32 to vector<16xi32>
      %parallel_loop3A_470 = arith.xori %iota3A, %parallel_loop3A_469 : vector<16xi32>
      %parallel_loop3A_471 = arith.constant 0 : i32
      %parallel_loop3A_472 = vector.broadcast %parallel_loop3A_471 : i32 to vector<16xi32>
      %parallel_loop3A_473 = arith.cmpi slt, %parallel_loop3A_470, %parallel_loop3A_472 : vector<16xi32>
      %parallel_loop3A_474 = arith.constant 16 : i32
      %parallel_loop3A_475 = vector.broadcast %parallel_loop3A_474 : i32 to vector<16xi32>
      %parallel_loop3A_476 = arith.addi %parallel_loop3A_470, %parallel_loop3A_475 : vector<16xi32>
      %parallel_loop3A_477 = arith.select %parallel_loop3A_473, %parallel_loop3A_476, %parallel_loop3A_470 : vector<16xi1>, vector<16xi32>
      %parallel_loop3A_478 = vector.shape_cast %parallel_loop3A_477 : vector<16xi32> to vector<16x1xi32>
      %parallel_loop3A_479 = vector.shape_cast %parallel_loop3A_478 : vector<16x1xi32> to vector<16xi32>
      %parallel_loop3A_480 = tpu.dynamic_gather %parallel_loop3A_467[%parallel_loop3A_479] in [0] : vector<16xf32>, vector<16xi32> -> vector<16xf32>
      %parallel_loop3A_481 = arith.maximumf %parallel_loop3A_467, %parallel_loop3A_480 : vector<16xf32>
      %parallel_loop3A_482 = arith.cmpf oeq, %parallel_loop3A_425, %parallel_loop3A_481 : vector<16xf32>
      %parallel_loop3A_483 = tpu.all_reduce %parallel_loop3A_482 {dim = 0 : i64, kind = #tpu.reduction_kind<find_first_set>} : vector<16xi1> -> vector<16xi32>
      %parallel_loop3A_484 = arith.cmpi eq, %iota3A, %parallel_loop3A_483 : vector<16xi32>
      %parallel_loop3A_485 = arith.ori %parallel_loop3A_422, %parallel_loop3A_484 : vector<16xi1>
      %parallel_loop3A_486 = arith.constant 0.000000e+00 : f32
      %parallel_loop3A_487 = vector.broadcast %parallel_loop3A_486 : f32 to vector<16xf32>
      %parallel_loop3A_488 = arith.subf %parallel_loop3A_487, %parallel_loop3A_363 : vector<16xf32>
      %parallel_loop3A_489 = math.exp %parallel_loop3A_488 : vector<16xf32>
      %parallel_loop3A_490 = arith.constant 1.000000e+00 : f32
      %parallel_loop3A_491 = vector.broadcast %parallel_loop3A_490 : f32 to vector<16xf32>
      %parallel_loop3A_492 = arith.addf %parallel_loop3A_491, %parallel_loop3A_489 : vector<16xf32>
      %parallel_loop3A_493 = arith.constant 1.000000e+00 : f32
      %parallel_loop3A_494 = vector.broadcast %parallel_loop3A_493 : f32 to vector<16xf32>
      %parallel_loop3A_495 = arith.divf %parallel_loop3A_494, %parallel_loop3A_492 : vector<16xf32>
      %parallel_loop3A_496 = arith.constant 0.000000e+00 : f32
      %parallel_loop3A_497 = vector.broadcast %parallel_loop3A_496 : f32 to vector<16xf32>
      %parallel_loop3A_498 = arith.select %parallel_loop3A_485, %parallel_loop3A_495, %parallel_loop3A_497 : vector<16xi1>, vector<16xf32>
      %parallel_loop3A_499 = arith.constant 0 : i32
      %parallel_loop3A_500 = arith.constant 0 : i32
      %parallel_loop3A_501 = tpu.memref_slice %arg7[%parallel_loop3A_129, %parallel_loop3A_499, %parallel_loop3A_500] : memref<2x128x16xf32, #tpu.memory_space<vmem>> -> memref<1x128x16xf32, #tpu.memory_space<vmem>>
      %parallel_loop3A_502 = tpu.memref_squeeze %parallel_loop3A_501 : memref<1x128x16xf32, #tpu.memory_space<vmem>> -> memref<128x16xf32, #tpu.memory_space<vmem>>
      %parallel_loop3A_503 = arith.index_cast %parallel_loop3A_356 : i32 to index
      %parallel_loop3A_504 = arith.constant 0 : index
      %parallel_loop3A_505 = tpu.vector_load %parallel_loop3A_502[%parallel_loop3A_503, %parallel_loop3A_504] {strides = array<i32>} : memref<128x16xf32, #tpu.memory_space<vmem>>, vector<16xf32>,
      tpu.vector_store %parallel_loop3A_502[%parallel_loop3A_503, %parallel_loop3A_504], %parallel_loop3A_498 {strides = array<i32>} : memref<128x16xf32, #tpu.memory_space<vmem>>, vector<16xf32>,
      %parallel_loop3A_506 = vector.broadcast %parallel_loop3A_356 : i32 to vector<16xi32>
      %parallel_loop3A_507 = arith.constant 0 : i32
      %parallel_loop3A_508 = arith.constant 1 : i32
      %parallel_loop3A_509 = vector.broadcast %parallel_loop3A_507 : i32 to vector<16xi32>
      %parallel_loop3A_510 = vector.broadcast %parallel_loop3A_508 : i32 to vector<16xi32>
      %parallel_loop3A_511 = arith.select %parallel_loop3A_422, %parallel_loop3A_509, %parallel_loop3A_510 : vector<16xi1>, vector<16xi32>
      tpu.vector_store_idx %arg8[%parallel_loop3A_506, %parallel_loop3A_511], %parallel_loop3A_495 masked %parallel_loop3A_485 : memref<128x2xf32, #tpu.memory_space<vmem>>[vector<16xi32>, vector<16xi32>], vector<16xf32>, vector<16xi1>
      tpu.vector_store_idx %arg9[%parallel_loop3A_506, %parallel_loop3A_511], %iota3A masked %parallel_loop3A_485 : memref<128x2xi32, #tpu.memory_space<vmem>>[vector<16xi32>, vector<16xi32>], vector<16xi32>, vector<16xi1>
    } {sc.loop_unroll_factor = 8 : i64, sc.parallel_access}
    %add3A_130 = arith.constant 128 : i32
    %add3A_131 = arith.addi %mul3A_2, %add3A_130 : i32
    %dma_start3A_132 = arith.constant 1 : i32
    %dma_start3A_133 = arith.constant 1 : i32
    %dma_start3A_134 = arith.constant 0 : i32
    %dma_start3A_135 = arith.constant 0 : i32
    %dma_start3A_136 = tpu.memref_slice %arg7[%dma_start3A_132, %dma_start3A_134, %dma_start3A_135] : memref<2x128x16xf32, #tpu.memory_space<vmem>> -> memref<1x128x16xf32, #tpu.memory_space<vmem>>
    %dma_start3A_137 = tpu.memref_squeeze %dma_start3A_136 : memref<1x128x16xf32, #tpu.memory_space<vmem>> -> memref<128x16xf32, #tpu.memory_space<vmem>>
    %dma_start3A_138 = arith.constant 0 : i32
    %dma_start3A_139 = tpu.memref_slice %arg3[%add3A_131, %dma_start3A_138] : memref<16384x16xf32, #tpu.memory_space<hbm>> -> memref<128x16xf32, #tpu.memory_space<hbm>>
    %dma_start3A_140 = tpu.memref_slice %arg11[%dma_start3A_133] : memref<2x!tpu.dma_semaphore, #tpu.memory_space<semaphore_mem>> -> memref<1x!tpu.dma_semaphore, #tpu.memory_space<semaphore_mem>>
    %dma_start3A_141 = tpu.memref_squeeze %dma_start3A_140 : memref<1x!tpu.dma_semaphore, #tpu.memory_space<semaphore_mem>> -> memref<!tpu.dma_semaphore, #tpu.memory_space<semaphore_mem>>
    %dma_start3A_142 = arith.constant 0 : i32
    %dma_start3A_143 = tpu.memref_slice %arg3[%add3A_131, %dma_start3A_142] : memref<16384x16xf32, #tpu.memory_space<hbm>> -> memref<128x16xf32, #tpu.memory_space<hbm>>
    %dma_start3A_144 = arith.constant 0 : i32
    %dma_start3A_145 = arith.constant 0 : i32
    %dma_start3A_146 = tpu.memref_slice %arg7[%dma_start3A_132, %dma_start3A_144, %dma_start3A_145] : memref<2x128x16xf32, #tpu.memory_space<vmem>> -> memref<1x128x16xf32, #tpu.memory_space<vmem>>
    %dma_start3A_147 = tpu.memref_squeeze %dma_start3A_146 : memref<1x128x16xf32, #tpu.memory_space<vmem>> -> memref<128x16xf32, #tpu.memory_space<vmem>>
    tpu.enqueue_dma source(%dma_start3A_147 : memref<128x16xf32, #tpu.memory_space<vmem>>) target(%dma_start3A_143 : memref<128x16xf32, #tpu.memory_space<hbm>>) target_semaphore(%dma_start3A_141 : memref<!tpu.dma_semaphore, #tpu.memory_space<semaphore_mem>>)
    %dma_start3A_148 = arith.constant 0 : i32
    %dma_start3A_149 = tpu.memref_slice %arg4[%add3A_131, %dma_start3A_148] : memref<16384x2xf32, #tpu.memory_space<hbm>> -> memref<128x2xf32, #tpu.memory_space<hbm>>
    %dma_start3A_150 = arith.constant 0 : i32
    %dma_start3A_151 = tpu.memref_slice %arg4[%add3A_131, %dma_start3A_150] : memref<16384x2xf32, #tpu.memory_space<hbm>> -> memref<128x2xf32, #tpu.memory_space<hbm>>
    tpu.enqueue_dma source(%arg8 : memref<128x2xf32, #tpu.memory_space<vmem>>) target(%dma_start3A_151 : memref<128x2xf32, #tpu.memory_space<hbm>>) target_semaphore(%arg12 : memref<!tpu.dma_semaphore, #tpu.memory_space<semaphore_mem>>)
    %dma_start3A_152 = arith.constant 0 : i32
    %dma_start3A_153 = tpu.memref_slice %arg5[%add3A_131, %dma_start3A_152] : memref<16384x2xi32, #tpu.memory_space<hbm>> -> memref<128x2xi32, #tpu.memory_space<hbm>>
    %dma_start3A_154 = arith.constant 0 : i32
    %dma_start3A_155 = tpu.memref_slice %arg5[%add3A_131, %dma_start3A_154] : memref<16384x2xi32, #tpu.memory_space<hbm>> -> memref<128x2xi32, #tpu.memory_space<hbm>>
    tpu.enqueue_dma source(%arg9 : memref<128x2xi32, #tpu.memory_space<vmem>>) target(%dma_start3A_155 : memref<128x2xi32, #tpu.memory_space<hbm>>) target_semaphore(%arg13 : memref<!tpu.dma_semaphore, #tpu.memory_space<semaphore_mem>>)
    %add3A_156 = arith.constant 384 : i32
    %add3A_157 = arith.addi %mul3A_2, %add3A_156 : i32
    %dma_start3A_158 = arith.constant 1 : i32
    %dma_start3A_159 = arith.constant 1 : i32
    %dma_start3A_160 = arith.constant 0 : i32
    %dma_start3A_161 = arith.constant 0 : i32
    %dma_start3A_162 = tpu.memref_slice %arg6[%dma_start3A_158, %dma_start3A_160, %dma_start3A_161] : memref<2x128x16xf32, #tpu.memory_space<vmem>> -> memref<1x128x16xf32, #tpu.memory_space<vmem>>
    %dma_start3A_163 = tpu.memref_squeeze %dma_start3A_162 : memref<1x128x16xf32, #tpu.memory_space<vmem>> -> memref<128x16xf32, #tpu.memory_space<vmem>>
    %dma_start3A_164 = arith.constant 0 : i32
    %dma_start3A_165 = tpu.memref_slice %arg2[%add3A_157, %dma_start3A_164] : memref<16384x16xf32, #tpu.memory_space<hbm>> -> memref<128x16xf32, #tpu.memory_space<hbm>>
    %dma_start3A_166 = tpu.memref_slice %arg10[%dma_start3A_159] : memref<2x!tpu.dma_semaphore, #tpu.memory_space<semaphore_mem>> -> memref<1x!tpu.dma_semaphore, #tpu.memory_space<semaphore_mem>>
    %dma_start3A_167 = tpu.memref_squeeze %dma_start3A_166 : memref<1x!tpu.dma_semaphore, #tpu.memory_space<semaphore_mem>> -> memref<!tpu.dma_semaphore, #tpu.memory_space<semaphore_mem>>
    %dma_start3A_168 = arith.constant 0 : i32
    %dma_start3A_169 = arith.constant 0 : i32
    %dma_start3A_170 = tpu.memref_slice %arg6[%dma_start3A_158, %dma_start3A_168, %dma_start3A_169] : memref<2x128x16xf32, #tpu.memory_space<vmem>> -> memref<1x128x16xf32, #tpu.memory_space<vmem>>
    %dma_start3A_171 = tpu.memref_squeeze %dma_start3A_170 : memref<1x128x16xf32, #tpu.memory_space<vmem>> -> memref<128x16xf32, #tpu.memory_space<vmem>>
    %dma_start3A_172 = arith.constant 0 : i32
    %dma_start3A_173 = tpu.memref_slice %arg2[%add3A_157, %dma_start3A_172] : memref<16384x16xf32, #tpu.memory_space<hbm>> -> memref<128x16xf32, #tpu.memory_space<hbm>>
    tpu.enqueue_dma source(%dma_start3A_173 : memref<128x16xf32, #tpu.memory_space<hbm>>) target(%dma_start3A_171 : memref<128x16xf32, #tpu.memory_space<vmem>>) target_semaphore(%dma_start3A_167 : memref<!tpu.dma_semaphore, #tpu.memory_space<semaphore_mem>>)
    %dma_wait3A_174 = arith.constant 0 : i32
    %dma_wait3A_175 = arith.constant 0 : i32
    %dma_wait3A_176 = arith.constant 0 : i32
    %dma_wait3A_177 = arith.constant 0 : i32
    %dma_wait3A_178 = tpu.memref_slice %arg6[%dma_wait3A_174, %dma_wait3A_176, %dma_wait3A_177] : memref<2x128x16xf32, #tpu.memory_space<vmem>> -> memref<1x128x16xf32, #tpu.memory_space<vmem>>
    %dma_wait3A_179 = tpu.memref_squeeze %dma_wait3A_178 : memref<1x128x16xf32, #tpu.memory_space<vmem>> -> memref<128x16xf32, #tpu.memory_space<vmem>>
    %dma_wait3A_180 = arith.constant 0 : i32
    %dma_wait3A_181 = tpu.memref_slice %arg2[%add3A_84, %dma_wait3A_180] : memref<16384x16xf32, #tpu.memory_space<hbm>> -> memref<128x16xf32, #tpu.memory_space<hbm>>
    %dma_wait3A_182 = tpu.memref_slice %arg10[%dma_wait3A_175] : memref<2x!tpu.dma_semaphore, #tpu.memory_space<semaphore_mem>> -> memref<1x!tpu.dma_semaphore, #tpu.memory_space<semaphore_mem>>
    %dma_wait3A_183 = tpu.memref_squeeze %dma_wait3A_182 : memref<1x!tpu.dma_semaphore, #tpu.memory_space<semaphore_mem>> -> memref<!tpu.dma_semaphore, #tpu.memory_space<semaphore_mem>>
    %dma_wait3A_184 = arith.constant 0 : i32
    %dma_wait3A_185 = arith.constant 0 : i32
    %dma_wait3A_186 = tpu.memref_slice %arg6[%dma_wait3A_174, %dma_wait3A_184, %dma_wait3A_185] : memref<2x128x16xf32, #tpu.memory_space<vmem>> -> memref<1x128x16xf32, #tpu.memory_space<vmem>>
    %dma_wait3A_187 = tpu.memref_squeeze %dma_wait3A_186 : memref<1x128x16xf32, #tpu.memory_space<vmem>> -> memref<128x16xf32, #tpu.memory_space<vmem>>
    %dma_wait3A_188 = arith.constant 0 : i32
    %dma_wait3A_189 = tpu.memref_slice %arg2[%add3A_84, %dma_wait3A_188] : memref<16384x16xf32, #tpu.memory_space<hbm>> -> memref<128x16xf32, #tpu.memory_space<hbm>>
    tpu.wait_dma2 semaphore(%dma_wait3A_183 : memref<!tpu.dma_semaphore, #tpu.memory_space<semaphore_mem>>) src(%dma_wait3A_189 : memref<128x16xf32, #tpu.memory_space<hbm>>) dst(%dma_wait3A_187 : memref<128x16xf32, #tpu.memory_space<vmem>>)
    %dma_wait3A_190 = arith.constant 0 : i32
    %dma_wait3A_191 = arith.constant 0 : i32
    %dma_wait3A_192 = arith.constant 0 : i32
    %dma_wait3A_193 = arith.constant 0 : i32
    %dma_wait3A_194 = tpu.memref_slice %arg7[%dma_wait3A_190, %dma_wait3A_192, %dma_wait3A_193] : memref<2x128x16xf32, #tpu.memory_space<vmem>> -> memref<1x128x16xf32, #tpu.memory_space<vmem>>
    %dma_wait3A_195 = tpu.memref_squeeze %dma_wait3A_194 : memref<1x128x16xf32, #tpu.memory_space<vmem>> -> memref<128x16xf32, #tpu.memory_space<vmem>>
    %dma_wait3A_196 = arith.constant 0 : i32
    %dma_wait3A_197 = tpu.memref_slice %arg3[%add3A_58, %dma_wait3A_196] : memref<16384x16xf32, #tpu.memory_space<hbm>> -> memref<128x16xf32, #tpu.memory_space<hbm>>
    %dma_wait3A_198 = tpu.memref_slice %arg11[%dma_wait3A_191] : memref<2x!tpu.dma_semaphore, #tpu.memory_space<semaphore_mem>> -> memref<1x!tpu.dma_semaphore, #tpu.memory_space<semaphore_mem>>
    %dma_wait3A_199 = tpu.memref_squeeze %dma_wait3A_198 : memref<1x!tpu.dma_semaphore, #tpu.memory_space<semaphore_mem>> -> memref<!tpu.dma_semaphore, #tpu.memory_space<semaphore_mem>>
    %dma_wait3A_200 = arith.constant 0 : i32
    %dma_wait3A_201 = tpu.memref_slice %arg3[%add3A_58, %dma_wait3A_200] : memref<16384x16xf32, #tpu.memory_space<hbm>> -> memref<128x16xf32, #tpu.memory_space<hbm>>
    %dma_wait3A_202 = arith.constant 0 : i32
    %dma_wait3A_203 = arith.constant 0 : i32
    %dma_wait3A_204 = tpu.memref_slice %arg7[%dma_wait3A_190, %dma_wait3A_202, %dma_wait3A_203] : memref<2x128x16xf32, #tpu.memory_space<vmem>> -> memref<1x128x16xf32, #tpu.memory_space<vmem>>
    %dma_wait3A_205 = tpu.memref_squeeze %dma_wait3A_204 : memref<1x128x16xf32, #tpu.memory_space<vmem>> -> memref<128x16xf32, #tpu.memory_space<vmem>>
    tpu.wait_dma2 semaphore(%dma_wait3A_199 : memref<!tpu.dma_semaphore, #tpu.memory_space<semaphore_mem>>) src(%dma_wait3A_205 : memref<128x16xf32, #tpu.memory_space<vmem>>) dst(%dma_wait3A_201 : memref<128x16xf32, #tpu.memory_space<hbm>>)
    %dma_wait3A_206 = arith.constant 0 : i32
    %dma_wait3A_207 = tpu.memref_slice %arg4[%add3A_131, %dma_wait3A_206] : memref<16384x2xf32, #tpu.memory_space<hbm>> -> memref<128x2xf32, #tpu.memory_space<hbm>>
    %dma_wait3A_208 = arith.constant 0 : i32
    %dma_wait3A_209 = tpu.memref_slice %arg4[%add3A_131, %dma_wait3A_208] : memref<16384x2xf32, #tpu.memory_space<hbm>> -> memref<128x2xf32, #tpu.memory_space<hbm>>
    tpu.wait_dma2 semaphore(%arg12 : memref<!tpu.dma_semaphore, #tpu.memory_space<semaphore_mem>>) src(%arg8 : memref<128x2xf32, #tpu.memory_space<vmem>>) dst(%dma_wait3A_209 : memref<128x2xf32, #tpu.memory_space<hbm>>)
    %dma_wait3A_210 = arith.constant 0 : i32
    %dma_wait3A_211 = tpu.memref_slice %arg5[%add3A_131, %dma_wait3A_210] : memref<16384x2xi32, #tpu.memory_space<hbm>> -> memref<128x2xi32, #tpu.memory_space<hbm>>
    %dma_wait3A_212 = arith.constant 0 : i32
    %dma_wait3A_213 = tpu.memref_slice %arg5[%add3A_131, %dma_wait3A_212] : memref<16384x2xi32, #tpu.memory_space<hbm>> -> memref<128x2xi32, #tpu.memory_space<hbm>>
    tpu.wait_dma2 semaphore(%arg13 : memref<!tpu.dma_semaphore, #tpu.memory_space<semaphore_mem>>) src(%arg9 : memref<128x2xi32, #tpu.memory_space<vmem>>) dst(%dma_wait3A_213 : memref<128x2xi32, #tpu.memory_space<hbm>>)
    %parallel_loop3A_214 = arith.constant 0 : i32
    %parallel_loop3A_215 = arith.constant 128 : i32
    %parallel_loop3A_216 = arith.constant 1 : i32
    %parallel_loop3A_217 = arith.constant 0 : i32
    %parallel_loop3A_218 = arith.constant 0 : i32
    scf.for %parallel_loop3A_356 = %parallel_loop3A_214 to %parallel_loop3A_215 step %parallel_loop3A_216  : i32 {
      %parallel_loop3A_357 = arith.constant 0 : i32
      %parallel_loop3A_358 = arith.constant 0 : i32
      %parallel_loop3A_359 = tpu.memref_slice %arg6[%parallel_loop3A_217, %parallel_loop3A_357, %parallel_loop3A_358] : memref<2x128x16xf32, #tpu.memory_space<vmem>> -> memref<1x128x16xf32, #tpu.memory_space<vmem>>
      %parallel_loop3A_360 = tpu.memref_squeeze %parallel_loop3A_359 : memref<1x128x16xf32, #tpu.memory_space<vmem>> -> memref<128x16xf32, #tpu.memory_space<vmem>>
      %parallel_loop3A_361 = arith.index_cast %parallel_loop3A_356 : i32 to index
      %parallel_loop3A_362 = arith.constant 0 : index
      %parallel_loop3A_363 = tpu.vector_load %parallel_loop3A_360[%parallel_loop3A_361, %parallel_loop3A_362] {strides = array<i32>} : memref<128x16xf32, #tpu.memory_space<vmem>>, vector<16xf32>,
      %parallel_loop3A_364 = arith.constant 1 : i32
      %parallel_loop3A_365 = vector.broadcast %parallel_loop3A_364 : i32 to vector<16xi32>
      %parallel_loop3A_366 = arith.xori %iota3A, %parallel_loop3A_365 : vector<16xi32>
      %parallel_loop3A_367 = arith.constant 0 : i32
      %parallel_loop3A_368 = vector.broadcast %parallel_loop3A_367 : i32 to vector<16xi32>
      %parallel_loop3A_369 = arith.cmpi slt, %parallel_loop3A_366, %parallel_loop3A_368 : vector<16xi32>
      %parallel_loop3A_370 = arith.constant 16 : i32
      %parallel_loop3A_371 = vector.broadcast %parallel_loop3A_370 : i32 to vector<16xi32>
      %parallel_loop3A_372 = arith.addi %parallel_loop3A_366, %parallel_loop3A_371 : vector<16xi32>
      %parallel_loop3A_373 = arith.select %parallel_loop3A_369, %parallel_loop3A_372, %parallel_loop3A_366 : vector<16xi1>, vector<16xi32>
      %parallel_loop3A_374 = vector.shape_cast %parallel_loop3A_373 : vector<16xi32> to vector<16x1xi32>
      %parallel_loop3A_375 = vector.shape_cast %parallel_loop3A_374 : vector<16x1xi32> to vector<16xi32>
      %parallel_loop3A_376 = tpu.dynamic_gather %parallel_loop3A_363[%parallel_loop3A_375] in [0] : vector<16xf32>, vector<16xi32> -> vector<16xf32>
      %parallel_loop3A_377 = arith.maximumf %parallel_loop3A_363, %parallel_loop3A_376 : vector<16xf32>
      %parallel_loop3A_378 = arith.constant 2 : i32
      %parallel_loop3A_379 = vector.broadcast %parallel_loop3A_378 : i32 to vector<16xi32>
      %parallel_loop3A_380 = arith.xori %iota3A, %parallel_loop3A_379 : vector<16xi32>
      %parallel_loop3A_381 = arith.constant 0 : i32
      %parallel_loop3A_382 = vector.broadcast %parallel_loop3A_381 : i32 to vector<16xi32>
      %parallel_loop3A_383 = arith.cmpi slt, %parallel_loop3A_380, %parallel_loop3A_382 : vector<16xi32>
      %parallel_loop3A_384 = arith.constant 16 : i32
      %parallel_loop3A_385 = vector.broadcast %parallel_loop3A_384 : i32 to vector<16xi32>
      %parallel_loop3A_386 = arith.addi %parallel_loop3A_380, %parallel_loop3A_385 : vector<16xi32>
      %parallel_loop3A_387 = arith.select %parallel_loop3A_383, %parallel_loop3A_386, %parallel_loop3A_380 : vector<16xi1>, vector<16xi32>
      %parallel_loop3A_388 = vector.shape_cast %parallel_loop3A_387 : vector<16xi32> to vector<16x1xi32>
      %parallel_loop3A_389 = vector.shape_cast %parallel_loop3A_388 : vector<16x1xi32> to vector<16xi32>
      %parallel_loop3A_390 = tpu.dynamic_gather %parallel_loop3A_377[%parallel_loop3A_389] in [0] : vector<16xf32>, vector<16xi32> -> vector<16xf32>
      %parallel_loop3A_391 = arith.maximumf %parallel_loop3A_377, %parallel_loop3A_390 : vector<16xf32>
      %parallel_loop3A_392 = arith.constant 4 : i32
      %parallel_loop3A_393 = vector.broadcast %parallel_loop3A_392 : i32 to vector<16xi32>
      %parallel_loop3A_394 = arith.xori %iota3A, %parallel_loop3A_393 : vector<16xi32>
      %parallel_loop3A_395 = arith.constant 0 : i32
      %parallel_loop3A_396 = vector.broadcast %parallel_loop3A_395 : i32 to vector<16xi32>
      %parallel_loop3A_397 = arith.cmpi slt, %parallel_loop3A_394, %parallel_loop3A_396 : vector<16xi32>
      %parallel_loop3A_398 = arith.constant 16 : i32
      %parallel_loop3A_399 = vector.broadcast %parallel_loop3A_398 : i32 to vector<16xi32>
      %parallel_loop3A_400 = arith.addi %parallel_loop3A_394, %parallel_loop3A_399 : vector<16xi32>
      %parallel_loop3A_401 = arith.select %parallel_loop3A_397, %parallel_loop3A_400, %parallel_loop3A_394 : vector<16xi1>, vector<16xi32>
      %parallel_loop3A_402 = vector.shape_cast %parallel_loop3A_401 : vector<16xi32> to vector<16x1xi32>
      %parallel_loop3A_403 = vector.shape_cast %parallel_loop3A_402 : vector<16x1xi32> to vector<16xi32>
      %parallel_loop3A_404 = tpu.dynamic_gather %parallel_loop3A_391[%parallel_loop3A_403] in [0] : vector<16xf32>, vector<16xi32> -> vector<16xf32>
      %parallel_loop3A_405 = arith.maximumf %parallel_loop3A_391, %parallel_loop3A_404 : vector<16xf32>
      %parallel_loop3A_406 = arith.constant 8 : i32
      %parallel_loop3A_407 = vector.broadcast %parallel_loop3A_406 : i32 to vector<16xi32>
      %parallel_loop3A_408 = arith.xori %iota3A, %parallel_loop3A_407 : vector<16xi32>
      %parallel_loop3A_409 = arith.constant 0 : i32
      %parallel_loop3A_410 = vector.broadcast %parallel_loop3A_409 : i32 to vector<16xi32>
      %parallel_loop3A_411 = arith.cmpi slt, %parallel_loop3A_408, %parallel_loop3A_410 : vector<16xi32>
      %parallel_loop3A_412 = arith.constant 16 : i32
      %parallel_loop3A_413 = vector.broadcast %parallel_loop3A_412 : i32 to vector<16xi32>
      %parallel_loop3A_414 = arith.addi %parallel_loop3A_408, %parallel_loop3A_413 : vector<16xi32>
      %parallel_loop3A_415 = arith.select %parallel_loop3A_411, %parallel_loop3A_414, %parallel_loop3A_408 : vector<16xi1>, vector<16xi32>
      %parallel_loop3A_416 = vector.shape_cast %parallel_loop3A_415 : vector<16xi32> to vector<16x1xi32>
      %parallel_loop3A_417 = vector.shape_cast %parallel_loop3A_416 : vector<16x1xi32> to vector<16xi32>
      %parallel_loop3A_418 = tpu.dynamic_gather %parallel_loop3A_405[%parallel_loop3A_417] in [0] : vector<16xf32>, vector<16xi32> -> vector<16xf32>
      %parallel_loop3A_419 = arith.maximumf %parallel_loop3A_405, %parallel_loop3A_418 : vector<16xf32>
      %parallel_loop3A_420 = arith.cmpf oeq, %parallel_loop3A_363, %parallel_loop3A_419 : vector<16xf32>
      %parallel_loop3A_421 = tpu.all_reduce %parallel_loop3A_420 {dim = 0 : i64, kind = #tpu.reduction_kind<find_first_set>} : vector<16xi1> -> vector<16xi32>
      %parallel_loop3A_422 = arith.cmpi eq, %iota3A, %parallel_loop3A_421 : vector<16xi32>
      %parallel_loop3A_423 = arith.constant 0xFF800000 : f32
      %parallel_loop3A_424 = vector.broadcast %parallel_loop3A_423 : f32 to vector<16xf32>
      %parallel_loop3A_425 = arith.select %parallel_loop3A_422, %parallel_loop3A_424, %parallel_loop3A_363 : vector<16xi1>, vector<16xf32>
      %parallel_loop3A_426 = arith.constant 1 : i32
      %parallel_loop3A_427 = vector.broadcast %parallel_loop3A_426 : i32 to vector<16xi32>
      %parallel_loop3A_428 = arith.xori %iota3A, %parallel_loop3A_427 : vector<16xi32>
      %parallel_loop3A_429 = arith.constant 0 : i32
      %parallel_loop3A_430 = vector.broadcast %parallel_loop3A_429 : i32 to vector<16xi32>
      %parallel_loop3A_431 = arith.cmpi slt, %parallel_loop3A_428, %parallel_loop3A_430 : vector<16xi32>
      %parallel_loop3A_432 = arith.constant 16 : i32
      %parallel_loop3A_433 = vector.broadcast %parallel_loop3A_432 : i32 to vector<16xi32>
      %parallel_loop3A_434 = arith.addi %parallel_loop3A_428, %parallel_loop3A_433 : vector<16xi32>
      %parallel_loop3A_435 = arith.select %parallel_loop3A_431, %parallel_loop3A_434, %parallel_loop3A_428 : vector<16xi1>, vector<16xi32>
      %parallel_loop3A_436 = vector.shape_cast %parallel_loop3A_435 : vector<16xi32> to vector<16x1xi32>
      %parallel_loop3A_437 = vector.shape_cast %parallel_loop3A_436 : vector<16x1xi32> to vector<16xi32>
      %parallel_loop3A_438 = tpu.dynamic_gather %parallel_loop3A_425[%parallel_loop3A_437] in [0] : vector<16xf32>, vector<16xi32> -> vector<16xf32>
      %parallel_loop3A_439 = arith.maximumf %parallel_loop3A_425, %parallel_loop3A_438 : vector<16xf32>
      %parallel_loop3A_440 = arith.constant 2 : i32
      %parallel_loop3A_441 = vector.broadcast %parallel_loop3A_440 : i32 to vector<16xi32>
      %parallel_loop3A_442 = arith.xori %iota3A, %parallel_loop3A_441 : vector<16xi32>
      %parallel_loop3A_443 = arith.constant 0 : i32
      %parallel_loop3A_444 = vector.broadcast %parallel_loop3A_443 : i32 to vector<16xi32>
      %parallel_loop3A_445 = arith.cmpi slt, %parallel_loop3A_442, %parallel_loop3A_444 : vector<16xi32>
      %parallel_loop3A_446 = arith.constant 16 : i32
      %parallel_loop3A_447 = vector.broadcast %parallel_loop3A_446 : i32 to vector<16xi32>
      %parallel_loop3A_448 = arith.addi %parallel_loop3A_442, %parallel_loop3A_447 : vector<16xi32>
      %parallel_loop3A_449 = arith.select %parallel_loop3A_445, %parallel_loop3A_448, %parallel_loop3A_442 : vector<16xi1>, vector<16xi32>
      %parallel_loop3A_450 = vector.shape_cast %parallel_loop3A_449 : vector<16xi32> to vector<16x1xi32>
      %parallel_loop3A_451 = vector.shape_cast %parallel_loop3A_450 : vector<16x1xi32> to vector<16xi32>
      %parallel_loop3A_452 = tpu.dynamic_gather %parallel_loop3A_439[%parallel_loop3A_451] in [0] : vector<16xf32>, vector<16xi32> -> vector<16xf32>
      %parallel_loop3A_453 = arith.maximumf %parallel_loop3A_439, %parallel_loop3A_452 : vector<16xf32>
      %parallel_loop3A_454 = arith.constant 4 : i32
      %parallel_loop3A_455 = vector.broadcast %parallel_loop3A_454 : i32 to vector<16xi32>
      %parallel_loop3A_456 = arith.xori %iota3A, %parallel_loop3A_455 : vector<16xi32>
      %parallel_loop3A_457 = arith.constant 0 : i32
      %parallel_loop3A_458 = vector.broadcast %parallel_loop3A_457 : i32 to vector<16xi32>
      %parallel_loop3A_459 = arith.cmpi slt, %parallel_loop3A_456, %parallel_loop3A_458 : vector<16xi32>
      %parallel_loop3A_460 = arith.constant 16 : i32
      %parallel_loop3A_461 = vector.broadcast %parallel_loop3A_460 : i32 to vector<16xi32>
      %parallel_loop3A_462 = arith.addi %parallel_loop3A_456, %parallel_loop3A_461 : vector<16xi32>
      %parallel_loop3A_463 = arith.select %parallel_loop3A_459, %parallel_loop3A_462, %parallel_loop3A_456 : vector<16xi1>, vector<16xi32>
      %parallel_loop3A_464 = vector.shape_cast %parallel_loop3A_463 : vector<16xi32> to vector<16x1xi32>
      %parallel_loop3A_465 = vector.shape_cast %parallel_loop3A_464 : vector<16x1xi32> to vector<16xi32>
      %parallel_loop3A_466 = tpu.dynamic_gather %parallel_loop3A_453[%parallel_loop3A_465] in [0] : vector<16xf32>, vector<16xi32> -> vector<16xf32>
      %parallel_loop3A_467 = arith.maximumf %parallel_loop3A_453, %parallel_loop3A_466 : vector<16xf32>
      %parallel_loop3A_468 = arith.constant 8 : i32
      %parallel_loop3A_469 = vector.broadcast %parallel_loop3A_468 : i32 to vector<16xi32>
      %parallel_loop3A_470 = arith.xori %iota3A, %parallel_loop3A_469 : vector<16xi32>
      %parallel_loop3A_471 = arith.constant 0 : i32
      %parallel_loop3A_472 = vector.broadcast %parallel_loop3A_471 : i32 to vector<16xi32>
      %parallel_loop3A_473 = arith.cmpi slt, %parallel_loop3A_470, %parallel_loop3A_472 : vector<16xi32>
      %parallel_loop3A_474 = arith.constant 16 : i32
      %parallel_loop3A_475 = vector.broadcast %parallel_loop3A_474 : i32 to vector<16xi32>
      %parallel_loop3A_476 = arith.addi %parallel_loop3A_470, %parallel_loop3A_475 : vector<16xi32>
      %parallel_loop3A_477 = arith.select %parallel_loop3A_473, %parallel_loop3A_476, %parallel_loop3A_470 : vector<16xi1>, vector<16xi32>
      %parallel_loop3A_478 = vector.shape_cast %parallel_loop3A_477 : vector<16xi32> to vector<16x1xi32>
      %parallel_loop3A_479 = vector.shape_cast %parallel_loop3A_478 : vector<16x1xi32> to vector<16xi32>
      %parallel_loop3A_480 = tpu.dynamic_gather %parallel_loop3A_467[%parallel_loop3A_479] in [0] : vector<16xf32>, vector<16xi32> -> vector<16xf32>
      %parallel_loop3A_481 = arith.maximumf %parallel_loop3A_467, %parallel_loop3A_480 : vector<16xf32>
      %parallel_loop3A_482 = arith.cmpf oeq, %parallel_loop3A_425, %parallel_loop3A_481 : vector<16xf32>
      %parallel_loop3A_483 = tpu.all_reduce %parallel_loop3A_482 {dim = 0 : i64, kind = #tpu.reduction_kind<find_first_set>} : vector<16xi1> -> vector<16xi32>
      %parallel_loop3A_484 = arith.cmpi eq, %iota3A, %parallel_loop3A_483 : vector<16xi32>
      %parallel_loop3A_485 = arith.ori %parallel_loop3A_422, %parallel_loop3A_484 : vector<16xi1>
      %parallel_loop3A_486 = arith.constant 0.000000e+00 : f32
      %parallel_loop3A_487 = vector.broadcast %parallel_loop3A_486 : f32 to vector<16xf32>
      %parallel_loop3A_488 = arith.subf %parallel_loop3A_487, %parallel_loop3A_363 : vector<16xf32>
      %parallel_loop3A_489 = math.exp %parallel_loop3A_488 : vector<16xf32>
      %parallel_loop3A_490 = arith.constant 1.000000e+00 : f32
      %parallel_loop3A_491 = vector.broadcast %parallel_loop3A_490 : f32 to vector<16xf32>
      %parallel_loop3A_492 = arith.addf %parallel_loop3A_491, %parallel_loop3A_489 : vector<16xf32>
      %parallel_loop3A_493 = arith.constant 1.000000e+00 : f32
      %parallel_loop3A_494 = vector.broadcast %parallel_loop3A_493 : f32 to vector<16xf32>
      %parallel_loop3A_495 = arith.divf %parallel_loop3A_494, %parallel_loop3A_492 : vector<16xf32>
      %parallel_loop3A_496 = arith.constant 0.000000e+00 : f32
      %parallel_loop3A_497 = vector.broadcast %parallel_loop3A_496 : f32 to vector<16xf32>
      %parallel_loop3A_498 = arith.select %parallel_loop3A_485, %parallel_loop3A_495, %parallel_loop3A_497 : vector<16xi1>, vector<16xf32>
      %parallel_loop3A_499 = arith.constant 0 : i32
      %parallel_loop3A_500 = arith.constant 0 : i32
      %parallel_loop3A_501 = tpu.memref_slice %arg7[%parallel_loop3A_218, %parallel_loop3A_499, %parallel_loop3A_500] : memref<2x128x16xf32, #tpu.memory_space<vmem>> -> memref<1x128x16xf32, #tpu.memory_space<vmem>>
      %parallel_loop3A_502 = tpu.memref_squeeze %parallel_loop3A_501 : memref<1x128x16xf32, #tpu.memory_space<vmem>> -> memref<128x16xf32, #tpu.memory_space<vmem>>
      %parallel_loop3A_503 = arith.index_cast %parallel_loop3A_356 : i32 to index
      %parallel_loop3A_504 = arith.constant 0 : index
      %parallel_loop3A_505 = tpu.vector_load %parallel_loop3A_502[%parallel_loop3A_503, %parallel_loop3A_504] {strides = array<i32>} : memref<128x16xf32, #tpu.memory_space<vmem>>, vector<16xf32>,
      tpu.vector_store %parallel_loop3A_502[%parallel_loop3A_503, %parallel_loop3A_504], %parallel_loop3A_498 {strides = array<i32>} : memref<128x16xf32, #tpu.memory_space<vmem>>, vector<16xf32>,
      %parallel_loop3A_506 = vector.broadcast %parallel_loop3A_356 : i32 to vector<16xi32>
      %parallel_loop3A_507 = arith.constant 0 : i32
      %parallel_loop3A_508 = arith.constant 1 : i32
      %parallel_loop3A_509 = vector.broadcast %parallel_loop3A_507 : i32 to vector<16xi32>
      %parallel_loop3A_510 = vector.broadcast %parallel_loop3A_508 : i32 to vector<16xi32>
      %parallel_loop3A_511 = arith.select %parallel_loop3A_422, %parallel_loop3A_509, %parallel_loop3A_510 : vector<16xi1>, vector<16xi32>
      tpu.vector_store_idx %arg8[%parallel_loop3A_506, %parallel_loop3A_511], %parallel_loop3A_495 masked %parallel_loop3A_485 : memref<128x2xf32, #tpu.memory_space<vmem>>[vector<16xi32>, vector<16xi32>], vector<16xf32>, vector<16xi1>
      tpu.vector_store_idx %arg9[%parallel_loop3A_506, %parallel_loop3A_511], %iota3A masked %parallel_loop3A_485 : memref<128x2xi32, #tpu.memory_space<vmem>>[vector<16xi32>, vector<16xi32>], vector<16xi32>, vector<16xi1>
    } {sc.loop_unroll_factor = 8 : i64, sc.parallel_access}
    %add3A_219 = arith.constant 256 : i32
    %add3A_220 = arith.addi %mul3A_2, %add3A_219 : i32
    %dma_start3A_221 = arith.constant 0 : i32
    %dma_start3A_222 = arith.constant 0 : i32
    %dma_start3A_223 = arith.constant 0 : i32
    %dma_start3A_224 = arith.constant 0 : i32
    %dma_start3A_225 = tpu.memref_slice %arg7[%dma_start3A_221, %dma_start3A_223, %dma_start3A_224] : memref<2x128x16xf32, #tpu.memory_space<vmem>> -> memref<1x128x16xf32, #tpu.memory_space<vmem>>
    %dma_start3A_226 = tpu.memref_squeeze %dma_start3A_225 : memref<1x128x16xf32, #tpu.memory_space<vmem>> -> memref<128x16xf32, #tpu.memory_space<vmem>>
    %dma_start3A_227 = arith.constant 0 : i32
    %dma_start3A_228 = tpu.memref_slice %arg3[%add3A_220, %dma_start3A_227] : memref<16384x16xf32, #tpu.memory_space<hbm>> -> memref<128x16xf32, #tpu.memory_space<hbm>>
    %dma_start3A_229 = tpu.memref_slice %arg11[%dma_start3A_222] : memref<2x!tpu.dma_semaphore, #tpu.memory_space<semaphore_mem>> -> memref<1x!tpu.dma_semaphore, #tpu.memory_space<semaphore_mem>>
    %dma_start3A_230 = tpu.memref_squeeze %dma_start3A_229 : memref<1x!tpu.dma_semaphore, #tpu.memory_space<semaphore_mem>> -> memref<!tpu.dma_semaphore, #tpu.memory_space<semaphore_mem>>
    %dma_start3A_231 = arith.constant 0 : i32
    %dma_start3A_232 = tpu.memref_slice %arg3[%add3A_220, %dma_start3A_231] : memref<16384x16xf32, #tpu.memory_space<hbm>> -> memref<128x16xf32, #tpu.memory_space<hbm>>
    %dma_start3A_233 = arith.constant 0 : i32
    %dma_start3A_234 = arith.constant 0 : i32
    %dma_start3A_235 = tpu.memref_slice %arg7[%dma_start3A_221, %dma_start3A_233, %dma_start3A_234] : memref<2x128x16xf32, #tpu.memory_space<vmem>> -> memref<1x128x16xf32, #tpu.memory_space<vmem>>
    %dma_start3A_236 = tpu.memref_squeeze %dma_start3A_235 : memref<1x128x16xf32, #tpu.memory_space<vmem>> -> memref<128x16xf32, #tpu.memory_space<vmem>>
    tpu.enqueue_dma source(%dma_start3A_236 : memref<128x16xf32, #tpu.memory_space<vmem>>) target(%dma_start3A_232 : memref<128x16xf32, #tpu.memory_space<hbm>>) target_semaphore(%dma_start3A_230 : memref<!tpu.dma_semaphore, #tpu.memory_space<semaphore_mem>>)
    %dma_start3A_237 = arith.constant 0 : i32
    %dma_start3A_238 = tpu.memref_slice %arg4[%add3A_220, %dma_start3A_237] : memref<16384x2xf32, #tpu.memory_space<hbm>> -> memref<128x2xf32, #tpu.memory_space<hbm>>
    %dma_start3A_239 = arith.constant 0 : i32
    %dma_start3A_240 = tpu.memref_slice %arg4[%add3A_220, %dma_start3A_239] : memref<16384x2xf32, #tpu.memory_space<hbm>> -> memref<128x2xf32, #tpu.memory_space<hbm>>
    tpu.enqueue_dma source(%arg8 : memref<128x2xf32, #tpu.memory_space<vmem>>) target(%dma_start3A_240 : memref<128x2xf32, #tpu.memory_space<hbm>>) target_semaphore(%arg12 : memref<!tpu.dma_semaphore, #tpu.memory_space<semaphore_mem>>)
    %dma_start3A_241 = arith.constant 0 : i32
    %dma_start3A_242 = tpu.memref_slice %arg5[%add3A_220, %dma_start3A_241] : memref<16384x2xi32, #tpu.memory_space<hbm>> -> memref<128x2xi32, #tpu.memory_space<hbm>>
    %dma_start3A_243 = arith.constant 0 : i32
    %dma_start3A_244 = tpu.memref_slice %arg5[%add3A_220, %dma_start3A_243] : memref<16384x2xi32, #tpu.memory_space<hbm>> -> memref<128x2xi32, #tpu.memory_space<hbm>>
    tpu.enqueue_dma source(%arg9 : memref<128x2xi32, #tpu.memory_space<vmem>>) target(%dma_start3A_244 : memref<128x2xi32, #tpu.memory_space<hbm>>) target_semaphore(%arg13 : memref<!tpu.dma_semaphore, #tpu.memory_space<semaphore_mem>>)
    %dma_wait3A_245 = arith.constant 1 : i32
    %dma_wait3A_246 = arith.constant 1 : i32
    %dma_wait3A_247 = arith.constant 0 : i32
    %dma_wait3A_248 = arith.constant 0 : i32
    %dma_wait3A_249 = tpu.memref_slice %arg6[%dma_wait3A_245, %dma_wait3A_247, %dma_wait3A_248] : memref<2x128x16xf32, #tpu.memory_space<vmem>> -> memref<1x128x16xf32, #tpu.memory_space<vmem>>
    %dma_wait3A_250 = tpu.memref_squeeze %dma_wait3A_249 : memref<1x128x16xf32, #tpu.memory_space<vmem>> -> memref<128x16xf32, #tpu.memory_space<vmem>>
    %dma_wait3A_251 = arith.constant 0 : i32
    %dma_wait3A_252 = tpu.memref_slice %arg2[%add3A_157, %dma_wait3A_251] : memref<16384x16xf32, #tpu.memory_space<hbm>> -> memref<128x16xf32, #tpu.memory_space<hbm>>
    %dma_wait3A_253 = tpu.memref_slice %arg10[%dma_wait3A_246] : memref<2x!tpu.dma_semaphore, #tpu.memory_space<semaphore_mem>> -> memref<1x!tpu.dma_semaphore, #tpu.memory_space<semaphore_mem>>
    %dma_wait3A_254 = tpu.memref_squeeze %dma_wait3A_253 : memref<1x!tpu.dma_semaphore, #tpu.memory_space<semaphore_mem>> -> memref<!tpu.dma_semaphore, #tpu.memory_space<semaphore_mem>>
    %dma_wait3A_255 = arith.constant 0 : i32
    %dma_wait3A_256 = arith.constant 0 : i32
    %dma_wait3A_257 = tpu.memref_slice %arg6[%dma_wait3A_245, %dma_wait3A_255, %dma_wait3A_256] : memref<2x128x16xf32, #tpu.memory_space<vmem>> -> memref<1x128x16xf32, #tpu.memory_space<vmem>>
    %dma_wait3A_258 = tpu.memref_squeeze %dma_wait3A_257 : memref<1x128x16xf32, #tpu.memory_space<vmem>> -> memref<128x16xf32, #tpu.memory_space<vmem>>
    %dma_wait3A_259 = arith.constant 0 : i32
    %dma_wait3A_260 = tpu.memref_slice %arg2[%add3A_157, %dma_wait3A_259] : memref<16384x16xf32, #tpu.memory_space<hbm>> -> memref<128x16xf32, #tpu.memory_space<hbm>>
    tpu.wait_dma2 semaphore(%dma_wait3A_254 : memref<!tpu.dma_semaphore, #tpu.memory_space<semaphore_mem>>) src(%dma_wait3A_260 : memref<128x16xf32, #tpu.memory_space<hbm>>) dst(%dma_wait3A_258 : memref<128x16xf32, #tpu.memory_space<vmem>>)
    %dma_wait3A_261 = arith.constant 1 : i32
    %dma_wait3A_262 = arith.constant 1 : i32
    %dma_wait3A_263 = arith.constant 0 : i32
    %dma_wait3A_264 = arith.constant 0 : i32
    %dma_wait3A_265 = tpu.memref_slice %arg7[%dma_wait3A_261, %dma_wait3A_263, %dma_wait3A_264] : memref<2x128x16xf32, #tpu.memory_space<vmem>> -> memref<1x128x16xf32, #tpu.memory_space<vmem>>
    %dma_wait3A_266 = tpu.memref_squeeze %dma_wait3A_265 : memref<1x128x16xf32, #tpu.memory_space<vmem>> -> memref<128x16xf32, #tpu.memory_space<vmem>>
    %dma_wait3A_267 = arith.constant 0 : i32
    %dma_wait3A_268 = tpu.memref_slice %arg3[%add3A_131, %dma_wait3A_267] : memref<16384x16xf32, #tpu.memory_space<hbm>> -> memref<128x16xf32, #tpu.memory_space<hbm>>
    %dma_wait3A_269 = tpu.memref_slice %arg11[%dma_wait3A_262] : memref<2x!tpu.dma_semaphore, #tpu.memory_space<semaphore_mem>> -> memref<1x!tpu.dma_semaphore, #tpu.memory_space<semaphore_mem>>
    %dma_wait3A_270 = tpu.memref_squeeze %dma_wait3A_269 : memref<1x!tpu.dma_semaphore, #tpu.memory_space<semaphore_mem>> -> memref<!tpu.dma_semaphore, #tpu.memory_space<semaphore_mem>>
    %dma_wait3A_271 = arith.constant 0 : i32
    %dma_wait3A_272 = tpu.memref_slice %arg3[%add3A_131, %dma_wait3A_271] : memref<16384x16xf32, #tpu.memory_space<hbm>> -> memref<128x16xf32, #tpu.memory_space<hbm>>
    %dma_wait3A_273 = arith.constant 0 : i32
    %dma_wait3A_274 = arith.constant 0 : i32
    %dma_wait3A_275 = tpu.memref_slice %arg7[%dma_wait3A_261, %dma_wait3A_273, %dma_wait3A_274] : memref<2x128x16xf32, #tpu.memory_space<vmem>> -> memref<1x128x16xf32, #tpu.memory_space<vmem>>
    %dma_wait3A_276 = tpu.memref_squeeze %dma_wait3A_275 : memref<1x128x16xf32, #tpu.memory_space<vmem>> -> memref<128x16xf32, #tpu.memory_space<vmem>>
    tpu.wait_dma2 semaphore(%dma_wait3A_270 : memref<!tpu.dma_semaphore, #tpu.memory_space<semaphore_mem>>) src(%dma_wait3A_276 : memref<128x16xf32, #tpu.memory_space<vmem>>) dst(%dma_wait3A_272 : memref<128x16xf32, #tpu.memory_space<hbm>>)
    %dma_wait3A_277 = arith.constant 0 : i32
    %dma_wait3A_278 = tpu.memref_slice %arg4[%add3A_220, %dma_wait3A_277] : memref<16384x2xf32, #tpu.memory_space<hbm>> -> memref<128x2xf32, #tpu.memory_space<hbm>>
    %dma_wait3A_279 = arith.constant 0 : i32
    %dma_wait3A_280 = tpu.memref_slice %arg4[%add3A_220, %dma_wait3A_279] : memref<16384x2xf32, #tpu.memory_space<hbm>> -> memref<128x2xf32, #tpu.memory_space<hbm>>
    tpu.wait_dma2 semaphore(%arg12 : memref<!tpu.dma_semaphore, #tpu.memory_space<semaphore_mem>>) src(%arg8 : memref<128x2xf32, #tpu.memory_space<vmem>>) dst(%dma_wait3A_280 : memref<128x2xf32, #tpu.memory_space<hbm>>)
    %dma_wait3A_281 = arith.constant 0 : i32
    %dma_wait3A_282 = tpu.memref_slice %arg5[%add3A_220, %dma_wait3A_281] : memref<16384x2xi32, #tpu.memory_space<hbm>> -> memref<128x2xi32, #tpu.memory_space<hbm>>
    %dma_wait3A_283 = arith.constant 0 : i32
    %dma_wait3A_284 = tpu.memref_slice %arg5[%add3A_220, %dma_wait3A_283] : memref<16384x2xi32, #tpu.memory_space<hbm>> -> memref<128x2xi32, #tpu.memory_space<hbm>>
    tpu.wait_dma2 semaphore(%arg13 : memref<!tpu.dma_semaphore, #tpu.memory_space<semaphore_mem>>) src(%arg9 : memref<128x2xi32, #tpu.memory_space<vmem>>) dst(%dma_wait3A_284 : memref<128x2xi32, #tpu.memory_space<hbm>>)
    %parallel_loop3A_285 = arith.constant 0 : i32
    %parallel_loop3A_286 = arith.constant 128 : i32
    %parallel_loop3A_287 = arith.constant 1 : i32
    %parallel_loop3A_288 = arith.constant 1 : i32
    %parallel_loop3A_289 = arith.constant 1 : i32
    scf.for %parallel_loop3A_356 = %parallel_loop3A_285 to %parallel_loop3A_286 step %parallel_loop3A_287  : i32 {
      %parallel_loop3A_357 = arith.constant 0 : i32
      %parallel_loop3A_358 = arith.constant 0 : i32
      %parallel_loop3A_359 = tpu.memref_slice %arg6[%parallel_loop3A_288, %parallel_loop3A_357, %parallel_loop3A_358] : memref<2x128x16xf32, #tpu.memory_space<vmem>> -> memref<1x128x16xf32, #tpu.memory_space<vmem>>
      %parallel_loop3A_360 = tpu.memref_squeeze %parallel_loop3A_359 : memref<1x128x16xf32, #tpu.memory_space<vmem>> -> memref<128x16xf32, #tpu.memory_space<vmem>>
      %parallel_loop3A_361 = arith.index_cast %parallel_loop3A_356 : i32 to index
      %parallel_loop3A_362 = arith.constant 0 : index
      %parallel_loop3A_363 = tpu.vector_load %parallel_loop3A_360[%parallel_loop3A_361, %parallel_loop3A_362] {strides = array<i32>} : memref<128x16xf32, #tpu.memory_space<vmem>>, vector<16xf32>,
      %parallel_loop3A_364 = arith.constant 1 : i32
      %parallel_loop3A_365 = vector.broadcast %parallel_loop3A_364 : i32 to vector<16xi32>
      %parallel_loop3A_366 = arith.xori %iota3A, %parallel_loop3A_365 : vector<16xi32>
      %parallel_loop3A_367 = arith.constant 0 : i32
      %parallel_loop3A_368 = vector.broadcast %parallel_loop3A_367 : i32 to vector<16xi32>
      %parallel_loop3A_369 = arith.cmpi slt, %parallel_loop3A_366, %parallel_loop3A_368 : vector<16xi32>
      %parallel_loop3A_370 = arith.constant 16 : i32
      %parallel_loop3A_371 = vector.broadcast %parallel_loop3A_370 : i32 to vector<16xi32>
      %parallel_loop3A_372 = arith.addi %parallel_loop3A_366, %parallel_loop3A_371 : vector<16xi32>
      %parallel_loop3A_373 = arith.select %parallel_loop3A_369, %parallel_loop3A_372, %parallel_loop3A_366 : vector<16xi1>, vector<16xi32>
      %parallel_loop3A_374 = vector.shape_cast %parallel_loop3A_373 : vector<16xi32> to vector<16x1xi32>
      %parallel_loop3A_375 = vector.shape_cast %parallel_loop3A_374 : vector<16x1xi32> to vector<16xi32>
      %parallel_loop3A_376 = tpu.dynamic_gather %parallel_loop3A_363[%parallel_loop3A_375] in [0] : vector<16xf32>, vector<16xi32> -> vector<16xf32>
      %parallel_loop3A_377 = arith.maximumf %parallel_loop3A_363, %parallel_loop3A_376 : vector<16xf32>
      %parallel_loop3A_378 = arith.constant 2 : i32
      %parallel_loop3A_379 = vector.broadcast %parallel_loop3A_378 : i32 to vector<16xi32>
      %parallel_loop3A_380 = arith.xori %iota3A, %parallel_loop3A_379 : vector<16xi32>
      %parallel_loop3A_381 = arith.constant 0 : i32
      %parallel_loop3A_382 = vector.broadcast %parallel_loop3A_381 : i32 to vector<16xi32>
      %parallel_loop3A_383 = arith.cmpi slt, %parallel_loop3A_380, %parallel_loop3A_382 : vector<16xi32>
      %parallel_loop3A_384 = arith.constant 16 : i32
      %parallel_loop3A_385 = vector.broadcast %parallel_loop3A_384 : i32 to vector<16xi32>
      %parallel_loop3A_386 = arith.addi %parallel_loop3A_380, %parallel_loop3A_385 : vector<16xi32>
      %parallel_loop3A_387 = arith.select %parallel_loop3A_383, %parallel_loop3A_386, %parallel_loop3A_380 : vector<16xi1>, vector<16xi32>
      %parallel_loop3A_388 = vector.shape_cast %parallel_loop3A_387 : vector<16xi32> to vector<16x1xi32>
      %parallel_loop3A_389 = vector.shape_cast %parallel_loop3A_388 : vector<16x1xi32> to vector<16xi32>
      %parallel_loop3A_390 = tpu.dynamic_gather %parallel_loop3A_377[%parallel_loop3A_389] in [0] : vector<16xf32>, vector<16xi32> -> vector<16xf32>
      %parallel_loop3A_391 = arith.maximumf %parallel_loop3A_377, %parallel_loop3A_390 : vector<16xf32>
      %parallel_loop3A_392 = arith.constant 4 : i32
      %parallel_loop3A_393 = vector.broadcast %parallel_loop3A_392 : i32 to vector<16xi32>
      %parallel_loop3A_394 = arith.xori %iota3A, %parallel_loop3A_393 : vector<16xi32>
      %parallel_loop3A_395 = arith.constant 0 : i32
      %parallel_loop3A_396 = vector.broadcast %parallel_loop3A_395 : i32 to vector<16xi32>
      %parallel_loop3A_397 = arith.cmpi slt, %parallel_loop3A_394, %parallel_loop3A_396 : vector<16xi32>
      %parallel_loop3A_398 = arith.constant 16 : i32
      %parallel_loop3A_399 = vector.broadcast %parallel_loop3A_398 : i32 to vector<16xi32>
      %parallel_loop3A_400 = arith.addi %parallel_loop3A_394, %parallel_loop3A_399 : vector<16xi32>
      %parallel_loop3A_401 = arith.select %parallel_loop3A_397, %parallel_loop3A_400, %parallel_loop3A_394 : vector<16xi1>, vector<16xi32>
      %parallel_loop3A_402 = vector.shape_cast %parallel_loop3A_401 : vector<16xi32> to vector<16x1xi32>
      %parallel_loop3A_403 = vector.shape_cast %parallel_loop3A_402 : vector<16x1xi32> to vector<16xi32>
      %parallel_loop3A_404 = tpu.dynamic_gather %parallel_loop3A_391[%parallel_loop3A_403] in [0] : vector<16xf32>, vector<16xi32> -> vector<16xf32>
      %parallel_loop3A_405 = arith.maximumf %parallel_loop3A_391, %parallel_loop3A_404 : vector<16xf32>
      %parallel_loop3A_406 = arith.constant 8 : i32
      %parallel_loop3A_407 = vector.broadcast %parallel_loop3A_406 : i32 to vector<16xi32>
      %parallel_loop3A_408 = arith.xori %iota3A, %parallel_loop3A_407 : vector<16xi32>
      %parallel_loop3A_409 = arith.constant 0 : i32
      %parallel_loop3A_410 = vector.broadcast %parallel_loop3A_409 : i32 to vector<16xi32>
      %parallel_loop3A_411 = arith.cmpi slt, %parallel_loop3A_408, %parallel_loop3A_410 : vector<16xi32>
      %parallel_loop3A_412 = arith.constant 16 : i32
      %parallel_loop3A_413 = vector.broadcast %parallel_loop3A_412 : i32 to vector<16xi32>
      %parallel_loop3A_414 = arith.addi %parallel_loop3A_408, %parallel_loop3A_413 : vector<16xi32>
      %parallel_loop3A_415 = arith.select %parallel_loop3A_411, %parallel_loop3A_414, %parallel_loop3A_408 : vector<16xi1>, vector<16xi32>
      %parallel_loop3A_416 = vector.shape_cast %parallel_loop3A_415 : vector<16xi32> to vector<16x1xi32>
      %parallel_loop3A_417 = vector.shape_cast %parallel_loop3A_416 : vector<16x1xi32> to vector<16xi32>
      %parallel_loop3A_418 = tpu.dynamic_gather %parallel_loop3A_405[%parallel_loop3A_417] in [0] : vector<16xf32>, vector<16xi32> -> vector<16xf32>
      %parallel_loop3A_419 = arith.maximumf %parallel_loop3A_405, %parallel_loop3A_418 : vector<16xf32>
      %parallel_loop3A_420 = arith.cmpf oeq, %parallel_loop3A_363, %parallel_loop3A_419 : vector<16xf32>
      %parallel_loop3A_421 = tpu.all_reduce %parallel_loop3A_420 {dim = 0 : i64, kind = #tpu.reduction_kind<find_first_set>} : vector<16xi1> -> vector<16xi32>
      %parallel_loop3A_422 = arith.cmpi eq, %iota3A, %parallel_loop3A_421 : vector<16xi32>
      %parallel_loop3A_423 = arith.constant 0xFF800000 : f32
      %parallel_loop3A_424 = vector.broadcast %parallel_loop3A_423 : f32 to vector<16xf32>
      %parallel_loop3A_425 = arith.select %parallel_loop3A_422, %parallel_loop3A_424, %parallel_loop3A_363 : vector<16xi1>, vector<16xf32>
      %parallel_loop3A_426 = arith.constant 1 : i32
      %parallel_loop3A_427 = vector.broadcast %parallel_loop3A_426 : i32 to vector<16xi32>
      %parallel_loop3A_428 = arith.xori %iota3A, %parallel_loop3A_427 : vector<16xi32>
      %parallel_loop3A_429 = arith.constant 0 : i32
      %parallel_loop3A_430 = vector.broadcast %parallel_loop3A_429 : i32 to vector<16xi32>
      %parallel_loop3A_431 = arith.cmpi slt, %parallel_loop3A_428, %parallel_loop3A_430 : vector<16xi32>
      %parallel_loop3A_432 = arith.constant 16 : i32
      %parallel_loop3A_433 = vector.broadcast %parallel_loop3A_432 : i32 to vector<16xi32>
      %parallel_loop3A_434 = arith.addi %parallel_loop3A_428, %parallel_loop3A_433 : vector<16xi32>
      %parallel_loop3A_435 = arith.select %parallel_loop3A_431, %parallel_loop3A_434, %parallel_loop3A_428 : vector<16xi1>, vector<16xi32>
      %parallel_loop3A_436 = vector.shape_cast %parallel_loop3A_435 : vector<16xi32> to vector<16x1xi32>
      %parallel_loop3A_437 = vector.shape_cast %parallel_loop3A_436 : vector<16x1xi32> to vector<16xi32>
      %parallel_loop3A_438 = tpu.dynamic_gather %parallel_loop3A_425[%parallel_loop3A_437] in [0] : vector<16xf32>, vector<16xi32> -> vector<16xf32>
      %parallel_loop3A_439 = arith.maximumf %parallel_loop3A_425, %parallel_loop3A_438 : vector<16xf32>
      %parallel_loop3A_440 = arith.constant 2 : i32
      %parallel_loop3A_441 = vector.broadcast %parallel_loop3A_440 : i32 to vector<16xi32>
      %parallel_loop3A_442 = arith.xori %iota3A, %parallel_loop3A_441 : vector<16xi32>
      %parallel_loop3A_443 = arith.constant 0 : i32
      %parallel_loop3A_444 = vector.broadcast %parallel_loop3A_443 : i32 to vector<16xi32>
      %parallel_loop3A_445 = arith.cmpi slt, %parallel_loop3A_442, %parallel_loop3A_444 : vector<16xi32>
      %parallel_loop3A_446 = arith.constant 16 : i32
      %parallel_loop3A_447 = vector.broadcast %parallel_loop3A_446 : i32 to vector<16xi32>
      %parallel_loop3A_448 = arith.addi %parallel_loop3A_442, %parallel_loop3A_447 : vector<16xi32>
      %parallel_loop3A_449 = arith.select %parallel_loop3A_445, %parallel_loop3A_448, %parallel_loop3A_442 : vector<16xi1>, vector<16xi32>
      %parallel_loop3A_450 = vector.shape_cast %parallel_loop3A_449 : vector<16xi32> to vector<16x1xi32>
      %parallel_loop3A_451 = vector.shape_cast %parallel_loop3A_450 : vector<16x1xi32> to vector<16xi32>
      %parallel_loop3A_452 = tpu.dynamic_gather %parallel_loop3A_439[%parallel_loop3A_451] in [0] : vector<16xf32>, vector<16xi32> -> vector<16xf32>
      %parallel_loop3A_453 = arith.maximumf %parallel_loop3A_439, %parallel_loop3A_452 : vector<16xf32>
      %parallel_loop3A_454 = arith.constant 4 : i32
      %parallel_loop3A_455 = vector.broadcast %parallel_loop3A_454 : i32 to vector<16xi32>
      %parallel_loop3A_456 = arith.xori %iota3A, %parallel_loop3A_455 : vector<16xi32>
      %parallel_loop3A_457 = arith.constant 0 : i32
      %parallel_loop3A_458 = vector.broadcast %parallel_loop3A_457 : i32 to vector<16xi32>
      %parallel_loop3A_459 = arith.cmpi slt, %parallel_loop3A_456, %parallel_loop3A_458 : vector<16xi32>
      %parallel_loop3A_460 = arith.constant 16 : i32
      %parallel_loop3A_461 = vector.broadcast %parallel_loop3A_460 : i32 to vector<16xi32>
      %parallel_loop3A_462 = arith.addi %parallel_loop3A_456, %parallel_loop3A_461 : vector<16xi32>
      %parallel_loop3A_463 = arith.select %parallel_loop3A_459, %parallel_loop3A_462, %parallel_loop3A_456 : vector<16xi1>, vector<16xi32>
      %parallel_loop3A_464 = vector.shape_cast %parallel_loop3A_463 : vector<16xi32> to vector<16x1xi32>
      %parallel_loop3A_465 = vector.shape_cast %parallel_loop3A_464 : vector<16x1xi32> to vector<16xi32>
      %parallel_loop3A_466 = tpu.dynamic_gather %parallel_loop3A_453[%parallel_loop3A_465] in [0] : vector<16xf32>, vector<16xi32> -> vector<16xf32>
      %parallel_loop3A_467 = arith.maximumf %parallel_loop3A_453, %parallel_loop3A_466 : vector<16xf32>
      %parallel_loop3A_468 = arith.constant 8 : i32
      %parallel_loop3A_469 = vector.broadcast %parallel_loop3A_468 : i32 to vector<16xi32>
      %parallel_loop3A_470 = arith.xori %iota3A, %parallel_loop3A_469 : vector<16xi32>
      %parallel_loop3A_471 = arith.constant 0 : i32
      %parallel_loop3A_472 = vector.broadcast %parallel_loop3A_471 : i32 to vector<16xi32>
      %parallel_loop3A_473 = arith.cmpi slt, %parallel_loop3A_470, %parallel_loop3A_472 : vector<16xi32>
      %parallel_loop3A_474 = arith.constant 16 : i32
      %parallel_loop3A_475 = vector.broadcast %parallel_loop3A_474 : i32 to vector<16xi32>
      %parallel_loop3A_476 = arith.addi %parallel_loop3A_470, %parallel_loop3A_475 : vector<16xi32>
      %parallel_loop3A_477 = arith.select %parallel_loop3A_473, %parallel_loop3A_476, %parallel_loop3A_470 : vector<16xi1>, vector<16xi32>
      %parallel_loop3A_478 = vector.shape_cast %parallel_loop3A_477 : vector<16xi32> to vector<16x1xi32>
      %parallel_loop3A_479 = vector.shape_cast %parallel_loop3A_478 : vector<16x1xi32> to vector<16xi32>
      %parallel_loop3A_480 = tpu.dynamic_gather %parallel_loop3A_467[%parallel_loop3A_479] in [0] : vector<16xf32>, vector<16xi32> -> vector<16xf32>
      %parallel_loop3A_481 = arith.maximumf %parallel_loop3A_467, %parallel_loop3A_480 : vector<16xf32>
      %parallel_loop3A_482 = arith.cmpf oeq, %parallel_loop3A_425, %parallel_loop3A_481 : vector<16xf32>
      %parallel_loop3A_483 = tpu.all_reduce %parallel_loop3A_482 {dim = 0 : i64, kind = #tpu.reduction_kind<find_first_set>} : vector<16xi1> -> vector<16xi32>
      %parallel_loop3A_484 = arith.cmpi eq, %iota3A, %parallel_loop3A_483 : vector<16xi32>
      %parallel_loop3A_485 = arith.ori %parallel_loop3A_422, %parallel_loop3A_484 : vector<16xi1>
      %parallel_loop3A_486 = arith.constant 0.000000e+00 : f32
      %parallel_loop3A_487 = vector.broadcast %parallel_loop3A_486 : f32 to vector<16xf32>
      %parallel_loop3A_488 = arith.subf %parallel_loop3A_487, %parallel_loop3A_363 : vector<16xf32>
      %parallel_loop3A_489 = math.exp %parallel_loop3A_488 : vector<16xf32>
      %parallel_loop3A_490 = arith.constant 1.000000e+00 : f32
      %parallel_loop3A_491 = vector.broadcast %parallel_loop3A_490 : f32 to vector<16xf32>
      %parallel_loop3A_492 = arith.addf %parallel_loop3A_491, %parallel_loop3A_489 : vector<16xf32>
      %parallel_loop3A_493 = arith.constant 1.000000e+00 : f32
      %parallel_loop3A_494 = vector.broadcast %parallel_loop3A_493 : f32 to vector<16xf32>
      %parallel_loop3A_495 = arith.divf %parallel_loop3A_494, %parallel_loop3A_492 : vector<16xf32>
      %parallel_loop3A_496 = arith.constant 0.000000e+00 : f32
      %parallel_loop3A_497 = vector.broadcast %parallel_loop3A_496 : f32 to vector<16xf32>
      %parallel_loop3A_498 = arith.select %parallel_loop3A_485, %parallel_loop3A_495, %parallel_loop3A_497 : vector<16xi1>, vector<16xf32>
      %parallel_loop3A_499 = arith.constant 0 : i32
      %parallel_loop3A_500 = arith.constant 0 : i32
      %parallel_loop3A_501 = tpu.memref_slice %arg7[%parallel_loop3A_289, %parallel_loop3A_499, %parallel_loop3A_500] : memref<2x128x16xf32, #tpu.memory_space<vmem>> -> memref<1x128x16xf32, #tpu.memory_space<vmem>>
      %parallel_loop3A_502 = tpu.memref_squeeze %parallel_loop3A_501 : memref<1x128x16xf32, #tpu.memory_space<vmem>> -> memref<128x16xf32, #tpu.memory_space<vmem>>
      %parallel_loop3A_503 = arith.index_cast %parallel_loop3A_356 : i32 to index
      %parallel_loop3A_504 = arith.constant 0 : index
      %parallel_loop3A_505 = tpu.vector_load %parallel_loop3A_502[%parallel_loop3A_503, %parallel_loop3A_504] {strides = array<i32>} : memref<128x16xf32, #tpu.memory_space<vmem>>, vector<16xf32>,
      tpu.vector_store %parallel_loop3A_502[%parallel_loop3A_503, %parallel_loop3A_504], %parallel_loop3A_498 {strides = array<i32>} : memref<128x16xf32, #tpu.memory_space<vmem>>, vector<16xf32>,
      %parallel_loop3A_506 = vector.broadcast %parallel_loop3A_356 : i32 to vector<16xi32>
      %parallel_loop3A_507 = arith.constant 0 : i32
      %parallel_loop3A_508 = arith.constant 1 : i32
      %parallel_loop3A_509 = vector.broadcast %parallel_loop3A_507 : i32 to vector<16xi32>
      %parallel_loop3A_510 = vector.broadcast %parallel_loop3A_508 : i32 to vector<16xi32>
      %parallel_loop3A_511 = arith.select %parallel_loop3A_422, %parallel_loop3A_509, %parallel_loop3A_510 : vector<16xi1>, vector<16xi32>
      tpu.vector_store_idx %arg8[%parallel_loop3A_506, %parallel_loop3A_511], %parallel_loop3A_495 masked %parallel_loop3A_485 : memref<128x2xf32, #tpu.memory_space<vmem>>[vector<16xi32>, vector<16xi32>], vector<16xf32>, vector<16xi1>
      tpu.vector_store_idx %arg9[%parallel_loop3A_506, %parallel_loop3A_511], %iota3A masked %parallel_loop3A_485 : memref<128x2xi32, #tpu.memory_space<vmem>>[vector<16xi32>, vector<16xi32>], vector<16xi32>, vector<16xi1>
    } {sc.loop_unroll_factor = 8 : i64, sc.parallel_access}
    %add3A_290 = arith.constant 384 : i32
    %add3A_291 = arith.addi %mul3A_2, %add3A_290 : i32
    %dma_start3A_292 = arith.constant 1 : i32
    %dma_start3A_293 = arith.constant 1 : i32
    %dma_start3A_294 = arith.constant 0 : i32
    %dma_start3A_295 = arith.constant 0 : i32
    %dma_start3A_296 = tpu.memref_slice %arg7[%dma_start3A_292, %dma_start3A_294, %dma_start3A_295] : memref<2x128x16xf32, #tpu.memory_space<vmem>> -> memref<1x128x16xf32, #tpu.memory_space<vmem>>
    %dma_start3A_297 = tpu.memref_squeeze %dma_start3A_296 : memref<1x128x16xf32, #tpu.memory_space<vmem>> -> memref<128x16xf32, #tpu.memory_space<vmem>>
    %dma_start3A_298 = arith.constant 0 : i32
    %dma_start3A_299 = tpu.memref_slice %arg3[%add3A_291, %dma_start3A_298] : memref<16384x16xf32, #tpu.memory_space<hbm>> -> memref<128x16xf32, #tpu.memory_space<hbm>>
    %dma_start3A_300 = tpu.memref_slice %arg11[%dma_start3A_293] : memref<2x!tpu.dma_semaphore, #tpu.memory_space<semaphore_mem>> -> memref<1x!tpu.dma_semaphore, #tpu.memory_space<semaphore_mem>>
    %dma_start3A_301 = tpu.memref_squeeze %dma_start3A_300 : memref<1x!tpu.dma_semaphore, #tpu.memory_space<semaphore_mem>> -> memref<!tpu.dma_semaphore, #tpu.memory_space<semaphore_mem>>
    %dma_start3A_302 = arith.constant 0 : i32
    %dma_start3A_303 = tpu.memref_slice %arg3[%add3A_291, %dma_start3A_302] : memref<16384x16xf32, #tpu.memory_space<hbm>> -> memref<128x16xf32, #tpu.memory_space<hbm>>
    %dma_start3A_304 = arith.constant 0 : i32
    %dma_start3A_305 = arith.constant 0 : i32
    %dma_start3A_306 = tpu.memref_slice %arg7[%dma_start3A_292, %dma_start3A_304, %dma_start3A_305] : memref<2x128x16xf32, #tpu.memory_space<vmem>> -> memref<1x128x16xf32, #tpu.memory_space<vmem>>
    %dma_start3A_307 = tpu.memref_squeeze %dma_start3A_306 : memref<1x128x16xf32, #tpu.memory_space<vmem>> -> memref<128x16xf32, #tpu.memory_space<vmem>>
    tpu.enqueue_dma source(%dma_start3A_307 : memref<128x16xf32, #tpu.memory_space<vmem>>) target(%dma_start3A_303 : memref<128x16xf32, #tpu.memory_space<hbm>>) target_semaphore(%dma_start3A_301 : memref<!tpu.dma_semaphore, #tpu.memory_space<semaphore_mem>>)
    %dma_start3A_308 = arith.constant 0 : i32
    %dma_start3A_309 = tpu.memref_slice %arg4[%add3A_291, %dma_start3A_308] : memref<16384x2xf32, #tpu.memory_space<hbm>> -> memref<128x2xf32, #tpu.memory_space<hbm>>
    %dma_start3A_310 = arith.constant 0 : i32
    %dma_start3A_311 = tpu.memref_slice %arg4[%add3A_291, %dma_start3A_310] : memref<16384x2xf32, #tpu.memory_space<hbm>> -> memref<128x2xf32, #tpu.memory_space<hbm>>
    tpu.enqueue_dma source(%arg8 : memref<128x2xf32, #tpu.memory_space<vmem>>) target(%dma_start3A_311 : memref<128x2xf32, #tpu.memory_space<hbm>>) target_semaphore(%arg12 : memref<!tpu.dma_semaphore, #tpu.memory_space<semaphore_mem>>)
    %dma_start3A_312 = arith.constant 0 : i32
    %dma_start3A_313 = tpu.memref_slice %arg5[%add3A_291, %dma_start3A_312] : memref<16384x2xi32, #tpu.memory_space<hbm>> -> memref<128x2xi32, #tpu.memory_space<hbm>>
    %dma_start3A_314 = arith.constant 0 : i32
    %dma_start3A_315 = tpu.memref_slice %arg5[%add3A_291, %dma_start3A_314] : memref<16384x2xi32, #tpu.memory_space<hbm>> -> memref<128x2xi32, #tpu.memory_space<hbm>>
    tpu.enqueue_dma source(%arg9 : memref<128x2xi32, #tpu.memory_space<vmem>>) target(%dma_start3A_315 : memref<128x2xi32, #tpu.memory_space<hbm>>) target_semaphore(%arg13 : memref<!tpu.dma_semaphore, #tpu.memory_space<semaphore_mem>>)
    %dma_wait3A_316 = arith.constant 0 : i32
    %dma_wait3A_317 = arith.constant 0 : i32
    %dma_wait3A_318 = arith.constant 0 : i32
    %dma_wait3A_319 = arith.constant 0 : i32
    %dma_wait3A_320 = tpu.memref_slice %arg7[%dma_wait3A_316, %dma_wait3A_318, %dma_wait3A_319] : memref<2x128x16xf32, #tpu.memory_space<vmem>> -> memref<1x128x16xf32, #tpu.memory_space<vmem>>
    %dma_wait3A_321 = tpu.memref_squeeze %dma_wait3A_320 : memref<1x128x16xf32, #tpu.memory_space<vmem>> -> memref<128x16xf32, #tpu.memory_space<vmem>>
    %dma_wait3A_322 = arith.constant 0 : i32
    %dma_wait3A_323 = tpu.memref_slice %arg3[%add3A_220, %dma_wait3A_322] : memref<16384x16xf32, #tpu.memory_space<hbm>> -> memref<128x16xf32, #tpu.memory_space<hbm>>
    %dma_wait3A_324 = tpu.memref_slice %arg11[%dma_wait3A_317] : memref<2x!tpu.dma_semaphore, #tpu.memory_space<semaphore_mem>> -> memref<1x!tpu.dma_semaphore, #tpu.memory_space<semaphore_mem>>
    %dma_wait3A_325 = tpu.memref_squeeze %dma_wait3A_324 : memref<1x!tpu.dma_semaphore, #tpu.memory_space<semaphore_mem>> -> memref<!tpu.dma_semaphore, #tpu.memory_space<semaphore_mem>>
    %dma_wait3A_326 = arith.constant 0 : i32
    %dma_wait3A_327 = tpu.memref_slice %arg3[%add3A_220, %dma_wait3A_326] : memref<16384x16xf32, #tpu.memory_space<hbm>> -> memref<128x16xf32, #tpu.memory_space<hbm>>
    %dma_wait3A_328 = arith.constant 0 : i32
    %dma_wait3A_329 = arith.constant 0 : i32
    %dma_wait3A_330 = tpu.memref_slice %arg7[%dma_wait3A_316, %dma_wait3A_328, %dma_wait3A_329] : memref<2x128x16xf32, #tpu.memory_space<vmem>> -> memref<1x128x16xf32, #tpu.memory_space<vmem>>
    %dma_wait3A_331 = tpu.memref_squeeze %dma_wait3A_330 : memref<1x128x16xf32, #tpu.memory_space<vmem>> -> memref<128x16xf32, #tpu.memory_space<vmem>>
    tpu.wait_dma2 semaphore(%dma_wait3A_325 : memref<!tpu.dma_semaphore, #tpu.memory_space<semaphore_mem>>) src(%dma_wait3A_331 : memref<128x16xf32, #tpu.memory_space<vmem>>) dst(%dma_wait3A_327 : memref<128x16xf32, #tpu.memory_space<hbm>>)
    %dma_wait3A_332 = arith.constant 1 : i32
    %dma_wait3A_333 = arith.constant 1 : i32
    %dma_wait3A_334 = arith.constant 0 : i32
    %dma_wait3A_335 = arith.constant 0 : i32
    %dma_wait3A_336 = tpu.memref_slice %arg7[%dma_wait3A_332, %dma_wait3A_334, %dma_wait3A_335] : memref<2x128x16xf32, #tpu.memory_space<vmem>> -> memref<1x128x16xf32, #tpu.memory_space<vmem>>
    %dma_wait3A_337 = tpu.memref_squeeze %dma_wait3A_336 : memref<1x128x16xf32, #tpu.memory_space<vmem>> -> memref<128x16xf32, #tpu.memory_space<vmem>>
    %dma_wait3A_338 = arith.constant 0 : i32
    %dma_wait3A_339 = tpu.memref_slice %arg3[%add3A_291, %dma_wait3A_338] : memref<16384x16xf32, #tpu.memory_space<hbm>> -> memref<128x16xf32, #tpu.memory_space<hbm>>
    %dma_wait3A_340 = tpu.memref_slice %arg11[%dma_wait3A_333] : memref<2x!tpu.dma_semaphore, #tpu.memory_space<semaphore_mem>> -> memref<1x!tpu.dma_semaphore, #tpu.memory_space<semaphore_mem>>
    %dma_wait3A_341 = tpu.memref_squeeze %dma_wait3A_340 : memref<1x!tpu.dma_semaphore, #tpu.memory_space<semaphore_mem>> -> memref<!tpu.dma_semaphore, #tpu.memory_space<semaphore_mem>>
    %dma_wait3A_342 = arith.constant 0 : i32
    %dma_wait3A_343 = tpu.memref_slice %arg3[%add3A_291, %dma_wait3A_342] : memref<16384x16xf32, #tpu.memory_space<hbm>> -> memref<128x16xf32, #tpu.memory_space<hbm>>
    %dma_wait3A_344 = arith.constant 0 : i32
    %dma_wait3A_345 = arith.constant 0 : i32
    %dma_wait3A_346 = tpu.memref_slice %arg7[%dma_wait3A_332, %dma_wait3A_344, %dma_wait3A_345] : memref<2x128x16xf32, #tpu.memory_space<vmem>> -> memref<1x128x16xf32, #tpu.memory_space<vmem>>
    %dma_wait3A_347 = tpu.memref_squeeze %dma_wait3A_346 : memref<1x128x16xf32, #tpu.memory_space<vmem>> -> memref<128x16xf32, #tpu.memory_space<vmem>>
    tpu.wait_dma2 semaphore(%dma_wait3A_341 : memref<!tpu.dma_semaphore, #tpu.memory_space<semaphore_mem>>) src(%dma_wait3A_347 : memref<128x16xf32, #tpu.memory_space<vmem>>) dst(%dma_wait3A_343 : memref<128x16xf32, #tpu.memory_space<hbm>>)
    %dma_wait3A_348 = arith.constant 0 : i32
    %dma_wait3A_349 = tpu.memref_slice %arg4[%add3A_291, %dma_wait3A_348] : memref<16384x2xf32, #tpu.memory_space<hbm>> -> memref<128x2xf32, #tpu.memory_space<hbm>>
    %dma_wait3A_350 = arith.constant 0 : i32
    %dma_wait3A_351 = tpu.memref_slice %arg4[%add3A_291, %dma_wait3A_350] : memref<16384x2xf32, #tpu.memory_space<hbm>> -> memref<128x2xf32, #tpu.memory_space<hbm>>
    tpu.wait_dma2 semaphore(%arg12 : memref<!tpu.dma_semaphore, #tpu.memory_space<semaphore_mem>>) src(%arg8 : memref<128x2xf32, #tpu.memory_space<vmem>>) dst(%dma_wait3A_351 : memref<128x2xf32, #tpu.memory_space<hbm>>)
    %dma_wait3A_352 = arith.constant 0 : i32
    %dma_wait3A_353 = tpu.memref_slice %arg5[%add3A_291, %dma_wait3A_352] : memref<16384x2xi32, #tpu.memory_space<hbm>> -> memref<128x2xi32, #tpu.memory_space<hbm>>
    %dma_wait3A_354 = arith.constant 0 : i32
    %dma_wait3A_355 = tpu.memref_slice %arg5[%add3A_291, %dma_wait3A_354] : memref<16384x2xi32, #tpu.memory_space<hbm>> -> memref<128x2xi32, #tpu.memory_space<hbm>>
    tpu.wait_dma2 semaphore(%arg13 : memref<!tpu.dma_semaphore, #tpu.memory_space<semaphore_mem>>) src(%arg9 : memref<128x2xi32, #tpu.memory_space<vmem>>) dst(%dma_wait3A_355 : memref<128x2xi32, #tpu.memory_space<hbm>>)
    return
  }
}

module attributes {stable_mosaic.version = 14 : i64} {
  func.func @_logits_body(%arg0: i32, %arg1: memref<1024x2048xf32, #tpu.memory_space<vmem>>, %arg2: memref<16x2048xf32, #tpu.memory_space<vmem>>, %arg3: memref<1024x16xf32, #tpu.memory_space<vmem>>) attributes {dimension_semantics = [#tpu.dimension_semantics<arbitrary>], iteration_bounds = array<i64: 16>, scalar_prefetch = 0 : i64, scratch_operands = 0 : i64, tpu.core_type = #tpu.core_type<tc>, window_params = [{transform_indices = @transform_0, window_bounds = array<i64: 1024, 2048>}, {pipeline_mode = #tpu.pipeline_mode<synchronous>, transform_indices = @transform_1, window_bounds = array<i64: 16, 2048>}, {transform_indices = @transform_2, window_bounds = array<i64: 1024, 16>}]} {
    %get3A = arith.constant 0 : index
    %get3A_0 = arith.constant 0 : index
    %get3A_1 = vector.load %arg1[%get3A, %get3A_0] : memref<1024x2048xf32, #tpu.memory_space<vmem>>, vector<1024x2048xf32>
    %get3A_2 = arith.constant 0 : index
    %get3A_3 = arith.constant 0 : index
    %get3A_4 = vector.load %arg2[%get3A_2, %get3A_3] : memref<16x2048xf32, #tpu.memory_space<vmem>>, vector<16x2048xf32>
    %dot_general3A = arith.constant dense<0.000000e+00> : vector<1024x16xf32>
    %dot_general3A_5 = tpu.matmul %get3A_1, %get3A_4, %dot_general3A {dimension_numbers = #tpu.dot_dimension_numbers<[1], [1], [0], [0], [0, 0, 1, 0], [], []>, transpose_lhs_hint = false} : vector<1024x2048xf32>, vector<16x2048xf32>, vector<1024x16xf32> -> vector<1024x16xf32>
    %swap3A = arith.constant 0 : index
    %swap3A_6 = arith.constant 0 : index
    %swap3A_7 = vector.load %arg3[%swap3A, %swap3A_6] : memref<1024x16xf32, #tpu.memory_space<vmem>>, vector<1024x16xf32>
    tpu.vector_store %arg3[%swap3A, %swap3A_6], %dot_general3A_5 {strides = array<i32>} : memref<1024x16xf32, #tpu.memory_space<vmem>>, vector<1024x16xf32>,
    return
  }
  func.func @transform_0(%arg0: i32) -> (i32, i32) {
    %c0_i32 = arith.constant 0 : i32
    %c0_i32_0 = arith.constant 0 : i32
    return %arg0, %c0_i32 : i32, i32
  }
  func.func @transform_1(%arg0: i32) -> (i32, i32) {
    %c0_i32 = arith.constant 0 : i32
    %c0_i32_0 = arith.constant 0 : i32
    %c0_i32_1 = arith.constant 0 : i32
    return %c0_i32, %c0_i32_0 : i32, i32
  }
  func.func @transform_2(%arg0: i32) -> (i32, i32) {
    %c0_i32 = arith.constant 0 : i32
    %c0_i32_0 = arith.constant 0 : i32
    return %arg0, %c0_i32 : i32, i32
  }
}

</mosaic_0001>

<sc_bundles>
// kernel: kernel.4.cloned.1.call-start
scs
__scs_entry_jumppad:
0x0: {  	(pc) =	sbr.rel $0x88, $3  }
0x1: {  	(tag) =	ssettag $0x0;
	lr =	simm.s32 $0x1  }
0x2: {  	[smem:$0x3F9F] =	sst lr;
	_ =	strace $0xD0000000  }
0x3: {  	_ = 	snop  }
0x4: {  	_ = 	snop  }
0x5: {  	_ = 	snop  }
0x6: {  	_ = 	snop  }
0x7: {  	_ = 	snop  }
__scs_overlays_trampoline_lowered:
0x8: {  	[smem:$0x3FAE] =	sst s0  }
0x9: {  	[smem:$0x3FAF] =	sst s1  }
0xa: {  	[smem:$0x3FB0] =	sst s2  }
0xb: {  	[smem:$0x3FB1] =	sst s3  }
0xc: {  	[smem:$0x3FB2] =	sst s4  }
0xd: {  	[smem:$0x3FB3] =	sst s5  }
0xe: {  	[smem:$0x3FB4] =	sst s6  }
0xf: {  	[smem:$0x3FB5] =	sst s7  }
0x10: {  	[smem:$0x3FB6] =	sst s8  }
0x11: {  	[smem:$0x3FB7] =	sst s9;
	s0 =	simm.s32 @!p0 $0x0  }
0x12: {  	s1 =	sld [smem:$0x3F9D];
	s0 =	simm.s32 @p0 $0x1  }
0x13: {  	[smem:$0x3FB8] =	sst s0;
	s0 =	simm.s32 @!p1 $0x0  }
0x14: {  	s2 =	sld [smem:$0x3F9C];
	s0 =	simm.s32 @p1 $0x1  }
0x15: {  	[smem:$0x3FB9] =	sst s0;
	s0 =	simm.s32 @!p2 $0x0  }
0x16: {  	s3 =	sld [smem:$0x3FDB];
	s0 =	simm.s32 @p2 $0x1  }
0x17: {  	s4 =	simm.s32 $0x1BF5;
	[smem:$0x3FBB] =	sst s0  }
0x18: {  	s0 =	sld [smem:$0x3F9E];
	_ =	swait.ge [sflag:s4], $0x0  }
0x19: {  	s7 =	sld [smem:$0x3F9F]  }
0x1a: {  	s8 =	sadd.s32 $0xFFFFE003, lr  }
0x1b: {  	s9 =	sadd.s32 $0xFFFFFEF7, lr;
	s5 =	simm.s32 $0xFFFFFFFF;
	p2 =	slt.u32 s8, $0xFFFFF086  }
0x1c: {  	p1 =	slt.u32 s9, $0xF7A;
	s5 =	simm.s32 @!p2 $0x0  }
0x1d: {  	s5 =	simm.s32 @p1 $0x1;
	p0 =	seq.s32 s7, s2  }
0x1e: {  	s7 =	smul.u32 @!p0 $0xF7A, s2;
	p2 =	seq.s32 @!p0 s5, $0x0  }
0x1f: {  	s9 =	smul.u32 $0xF7A, s1;
	s8 =	simm.s32 @!p0 $0x1BF5;
	p2 =	por !p2, p0  }
0x20: {  	[sflag:s8] =	ssyncset.s32 @!p0 $0xFFFFF086;
	s6 =	sadd.s32 @!p0 s3, s7;
	s7 =	simm.s32 @!p0 $0x108  }
0x21: {  	s3 =	sadd.s32 s3, s9;
	s6 =	sadd.s32 @!p0 $0x88, s6;
	s7 =	simm.s32 @p2 $0x1082  }
0x22: {  	[simem:s7], [sflag:s8] =	dma.local @!p0 [hbm:s6], $0xF7A  }
0x23: {  	s9 =	sor.u32 $0xD0000000, s2;
	s6 =	simm.s32 $0x108;
	_ =	swait.ge @!p0 [sflag:s8], $0x0  }
0x24: {  	s3 =	sadd.s32 $0x88, s3;
	s6 =	simm.s32 @!p1 $0x1082;
	[sflag:s4] =	ssyncset.s32 $0xFFFFF086  }
0x25: {  	[simem:s6], [sflag:s4] =	dma.local [hbm:s3], $0xF7A  }
0x26: {  	[smem:$0x3F9F] =	sst s1;
	(tag) =	ssettag s2;
	_ =	strace s9  }
0x27: {  	s1 =	sld [smem:$0x3FAF]  }
0x28: {  	s2 =	sld [smem:$0x3FB0]  }
0x29: {  	s4 =	sld [smem:$0x3FB2]  }
0x2a: {  	p0 =	seq.s32 s5, $0x0;
	s5 =	sld [smem:$0x3FB3]  }
0x2b: {  	s6 =	sld [smem:$0x3FB4]  }
0x2c: {  	s7 =	sld [smem:$0x3FB5]  }
0x2d: {  	s3 =	simm.s32 $0x108;
	s8 =	sld [smem:$0x3FB6]  }
0x2e: {  	s3 =	simm.s32 @!p0 $0x1082;
	s9 =	sld [smem:$0x3FB7]  }
0x2f: {  	lr =	sadd.s32 s0, s3;
	s0 =	sld [smem:$0x3FAE]  }
0x30: {  	s3 =	sld [smem:$0x3FB1]  }
0x31: {  	[smem:$0x3FBA] =	sst s10  }
0x32: {  	s10 =	sld [smem:$0x3FB8];
	_ =	sdelay $0x3  }
0x33: {  	p0 =	seq.s32 s10, $0x1;
	s10 =	sld [smem:$0x3FBA];
	_ =	sdelay $0x3  }
0x34: {  	[smem:$0x3FBA] =	sst s10  }
0x35: {  	s10 =	sld [smem:$0x3FB9];
	_ =	sdelay $0x3  }
0x36: {  	p1 =	seq.s32 s10, $0x1;
	s10 =	sld [smem:$0x3FBA];
	_ =	sdelay $0x3  }
0x37: {  	[smem:$0x3FBA] =	sst s10  }
0x38: {  	s10 =	sld [smem:$0x3FBB]  }
0x39: {  	_ = 	snop;
	(pc) =	sbr.ind lr, $3  }
0x3a: {  	_ = 	snop  }
0x3b: {  	_ = 	snop  }
0x3c: {  	p2 =	seq.s32 s10, $0x1;
	s10 =	sld [smem:$0x3FBA]  }
0x3d: {  	_ =	shalt  }
0x3e: {  	_ =	shalt  }
0x3f: {  	_ =	shalt  }
0x40: {  	_ =	shalt  }
0x41: {  	_ =	shalt  }
0x42: {  	_ =	shalt  }
0x43: {  	_ =	shalt  }
0x44: {  	_ =	shalt  }
0x45: {  	_ =	shalt  }
0x46: {  	_ =	shalt  }
0x47: {  	_ =	shalt  }
0x48: {  	_ =	shalt  }
0x49: {  	_ =	shalt  }
0x4a: {  	_ =	shalt  }
0x4b: {  	_ =	shalt  }
0x4c: {  	_ =	shalt  }
0x4d: {  	_ =	shalt  }
0x4e: {  	_ =	shalt  }
0x4f: {  	_ =	shalt  }
0x50: {  	_ =	shalt  }
0x51: {  	_ =	shalt  }
0x52: {  	_ =	shalt  }
0x53: {  	_ =	shalt  }
0x54: {  	_ =	shalt  }
0x55: {  	_ =	shalt  }
0x56: {  	_ =	shalt  }
0x57: {  	_ =	shalt  }
0x58: {  	_ =	shalt  }
0x59: {  	_ =	shalt  }
0x5a: {  	_ =	shalt  }
0x5b: {  	_ =	shalt  }
0x5c: {  	_ =	shalt  }
0x5d: {  	_ =	shalt  }
0x5e: {  	_ =	shalt  }
0x5f: {  	_ =	shalt  }
0x60: {  	_ =	shalt  }
0x61: {  	_ =	shalt  }
0x62: {  	_ =	shalt  }
0x63: {  	_ =	shalt  }
0x64: {  	_ =	shalt  }
0x65: {  	_ =	shalt  }
0x66: {  	_ =	shalt  }
0x67: {  	_ =	shalt  }
0x68: {  	_ =	shalt  }
0x69: {  	_ =	shalt  }
0x6a: {  	_ =	shalt  }
0x6b: {  	_ =	shalt  }
0x6c: {  	_ =	shalt  }
0x6d: {  	_ =	shalt  }
0x6e: {  	_ =	shalt  }
0x6f: {  	_ =	shalt  }
0x70: {  	_ =	shalt  }
0x71: {  	_ =	shalt  }
0x72: {  	_ =	shalt  }
0x73: {  	_ =	shalt  }
0x74: {  	_ =	shalt  }
0x75: {  	_ =	shalt  }
0x76: {  	_ =	shalt  }
0x77: {  	_ =	shalt  }
0x78: {  	_ =	shalt  }
0x79: {  	_ =	shalt  }
0x7a: {  	_ =	shalt  }
0x7b: {  	_ =	shalt  }
0x7c: {  	_ =	shalt  }
0x7d: {  	_ =	shalt  }
0x7e: {  	_ =	shalt  }
0x7f: {  	_ =	shalt  }
0x80: {  	_ =	shalt  }
0x81: {  	_ =	shalt  }
0x82: {  	_ =	shalt  }
0x83: {  	_ =	shalt  }
0x84: {  	_ =	shalt  }
0x85: {  	_ =	shalt  }
0x86: {  	_ =	shalt  }
0x87: {  	_ =	shalt  }
.Lfunc_end0:
.L_simem_size_0:
called_computation_lowered:
.L_overlay_start_0:
0x88: {  	s2 =	sld [smem:$0x3FD9]  }
0x89: {  	s3 =	sld [smem:$0x3FFE];
	_ =	sdelay $0x1  }
0x8a: {  	s1 =	srdreg.scid  }
0x8b: {  	s0 =	sand.u32 $0x1, s1  }
0x8c: {  	s16 =	sshll.u32 s0, $0xA;
	s2 =	sadd.s32 s3, s2  }
0x8d: {  	s2 =	sadd.s32 s2, s16  }
0x8e: {  	[smem:$0x3FC6] =	sst s2  }
0x8f: {  	_ = 	snop  }
0x90: {  	(tm) =	ssettm $0x1  }
0x91: {  	s17 =	sld [smem:$0x3FFB];
	_ =	sdelay $0x3  }
0x92: {  	_ =	strace s17  }
0x93: {  	s2 =	sld [smem:$0x3FFC];
	_ =	sdelay $0x3  }
0x94: {  	_ =	strace s2  }
0x95: {  	s2 =	sld [smem:$0x3FFD];
	_ =	sdelay $0x3  }
0x96: {  	_ =	strace s2  }
0x97: {  	_ =	strace $0x8FFFFFFF  }
0x98: {  	s18 =	sld [smem:$0x3FDB];
	_ =	sdelay $0x1  }
0x99: {  	s19 =	simm.s32 $_scs_section_size  }
0x9a: {  	s4 =	simm.s32 $_size__tile_overlayer_lowered;
	s5 =	simm.s32 $_tile_overlayer_lowered  }
0x9b: {  	s22 =	simm.s32 $0x1BFF;
	s21 =	sshll.u32 s5, $0x1;
	s2 =	sadd.s32 s19, s18  }
0x9c: {  	s6 =	simm.s32 $0x0;
	s20 =	sshll.u32 s4, $0x1;
	s4 =	sadd.s32 s21, s2  }
0x9d: {  	[timem:s6], [sflag:s22] =	dma.local [hbm:s4], s20  }
0x9e: {  	_ =	swait.ge [sflag:s22], s20  }
0x9f: {  	s3 =	ssub.s32 $0x0, s20;
	[sflag:s22] =	ssyncset.done $0x0  }
0xa0: {  	[sflag:s22] =	ssyncadd.s32 s3;
	_ =	sdelay $0x1  }
0xa1: {  	s23 =	simm.s32 $0x1B8B  }
0xa2: {  	_ =	swait.ge [sflag:s23], $0x1  }
0xa3: {  	[sflag:s23] =	ssyncset.done $0x0  }
0xa4: {  	s25 =	simm.s32 $0x1B8E;
	s24 =	sld [smem:$0x3FFE];
	[sflag:s23] =	ssyncadd.s32 $0xFFFFFFFF  }
0xa5: {  	s26 =	simm.s32 $execute0_lowered;
	[smem:$0x3FD2] =	sst s25  }
0xa6: {  	s4 =	sshll.u32 s26, $0x1;
	_ =	strace $0x80000046;
	[dreg:$0x1] =	wrdreg $0xFFFFFFFF  }
0xa7: {  	s28 =	simm.s32 $_size_execute0_lowered;
	s2 =	sadd.s32 s2, s4;
	[dreg:$0x0] =	wrdreg $0x0  }
0xa8: {  	s4 =	sshll.u32 s28, $0x1;
	[dreg:$0x2] =	wrdreg s2  }
0xa9: {  	[dreg:$0x3] =	wrdreg s4  }
0xaa: {  	[dreg:$0x4] =	wrdreg $0xC0  }
0xab: {  	_ =	task [dreg:s6], $0x5FFFF  }
0xac: {  	[dreg:$0x1] =	wrdreg $0xFFFFFFFF  }
0xad: {  	[dreg:$0x0] =	wrdreg $0x60  }
0xae: {  	[dreg:$0x2] =	wrdreg s24  }
0xaf: {  	[dreg:$0x3] =	wrdreg $0x9  }
0xb0: {  	_ =	task.clear_ibuf [dreg:s6], $0x4FFFF;
	_ =	strace $0x90000046  }
0xb1: {  	s29 =	simm.s32 $0x9;
	_ =	strace $0x80000048  }
0xb2: {  	_ =	swait.ge [sflag:s29], $0x1  }
0xb3: {  	[sflag:s29] =	ssyncadd.s32 $0xFFFFFFFF  }
0xb4: {  	_ =	strace $0x90000048  }
0xb5: {  	_ =	sfence  }
0xb6: {  	s30 =	sld [smem:$0x0];
	_ =	sdelay $0x2  }
0xb7: {  	s31 =	sshll.u32 s1, $0xD;
	s1 =	sshrl.u32 s1, $0x2  }
0xb8: {  	s3 =	sand.u32 $0x4000, s31;
	s1 =	sadd.s32 s1, s30  }
0xb9: {  	s0 =	sor.u32 s3, s0;
	s1 =	sshll.u32 s1, $0x11  }
0xba: {  	s0 =	sor.u32 s1, s0  }
0xbb: {  	s0 =	sadd.s32 $0x8F2B, s0  }
0xbc: {  	[sflag:s0] =	ssyncadd.remote.s32 $0x1  }
0xbd: {  	_ =	sfence.sel $0xFFFF  }
0xbe: {  	[dreg:$0x0] =	wrdreg $0xFFFFFFFF;
	(pc) =	sbr.abs _section_cstart, $3  }
0xbf: {  	[dreg:$0x1] =	wrdreg $0xFFFFFFFF  }
0xc0: {  	_ =	task.clear_ibuf [dreg:s6], $0x2FFFF;
	_ =	strace $0x9FFFFFFF  }
0xc1: {  	(tm) =	ssettm $0x7FFFFFFF  }
tec
execute0_lowered:
.L_overlay_start_1:
0x0: {  	(tag) =	ssettag $0x1  }
0x1: {  	s0 =	rddreg [dreg:$0x0];
	s1 =	simm.s32 $0x0;
	s4 =	srdreg.scid  }
0x2: {  	s7 =	stileid.u32;
	s28 =	simm.s32 $0x6;
	s30 =	simm.s32 $0x3  }
0x3: {  	s31 =	simm.s32 $0x4;
	[smem:$0x7FF] =	sst s1;
	s2 =	sadd.s32 $0x1000, s0  }
0x4: {  	s3 =	sadd.s32 $0x41000, s0;
	s5 =	sadd.s32 $0x81000, s0;
	s4 =	sand.u32 $0x1, s4  }
0x5: {  	s7 =	sshll.u32 s7, $0xE;
	s6 =	ssub.s32 $0x2, s4;
	s4 =	sshll.u32 s4, $0xD  }
0x6: {  	s0 =	sadd.s32 $0xC1000, s0;
	s8 =	sshrl.u32 s6, $0x1;
	s4 =	sor.u32 s4, s7  }
0x7: {  	v0 =	vimm.s32 $0xEFCDAB89;
	v1 =	vimm.s32 $0x67452301;
	_ =	strace $0x80000047;
	s6 =	ssub.s32 s6, s8;
	s7 =	sadd.s32 s2, s4  }
0x8: {  	v2 =	vimm.s32 $0xDCFE98BA;
	v3 =	vimm.s32 $0x54761032;
	s19 =	sor.u32 $0x800, s4;
	s21 =	sadd.s32 s3, s4;
	[dreg:$0x2] =	wrdreg s7  }
0x9: {  	v4 =	vimm.s32 $0xBA98FEDC;
	v5 =	vimm.s32 $0x32107654;
	s22 =	sor.u32 $0x1000, s4;
	s9 =	sadd.s32 s5, s4;
	[dreg:$0x4] =	wrdreg s21  }
0xa: {  	v6 =	vimm.s32 $0xFEDCBA98;
	v7 =	vimm.s32 $0x76543210;
	v0 =	vunpack.c.l.s4.s8 v0;
	s23 =	sadd.s32 s0, s4;
	s4 =	sor.u32 $0x1800, s4;
	[dreg:$0x5] =	wrdreg s9  }
0xb: {  	v1 =	vunpack.c.l.s4.s8 v1;
	v2 =	vunpack.c.l.s4.s8 v2;
	v3 =	vunpack.c.l.s4.s8 v3;
	s20 =	sadd.s32 s2, s19;
	[dreg:$0x6] =	wrdreg s23;
	s24 =	sadd.s32 s2, s22  }
0xc: {  	v4 =	vunpack.c.l.s4.s8 v4;
	v5 =	vunpack.c.l.s4.s8 v5;
	v6 =	vunpack.c.l.s4.s8 v6;
	s25 =	sadd.s32 s3, s19;
	s26 =	sadd.s32 s5, s19;
	s7 =	sadd.s32 s0, s19  }
0xd: {  	v0 =	vunpack.c.0.s8.s32 v0;
	v1 =	vunpack.c.0.s8.s32 v1;
	v2 =	vunpack.c.0.s8.s32 v2;
	s2 =	sadd.s32 s2, s4;
	s29 =	sadd.s32 s3, s22;
	[dreg:$0x3] =	wrdreg s20  }
0xe: {  	v3 =	vunpack.c.0.s8.s32 v3;
	v4 =	vunpack.c.0.s8.s32 v4;
	v5 =	vunpack.c.0.s8.s32 v5;
	s14 =	sadd.s32 s5, s22;
	s15 =	sadd.s32 s0, s22;
	[dreg:$0x7] =	wrdreg s24  }
0xf: {  	s16 =	sadd.s32 s3, s4;
	v0 =	vcombine.low v1, v0;
	s17 =	sadd.s32 s5, s4;
	v1 =	vunpack.c.l.s4.s8 v7;
	[dreg:$0x8] =	wrdreg s25  }
0x10: {  	s18 =	sadd.s32 s0, s4;
	s19 =	smax.u32 s6, $0x1;
	v2 =	vcombine.low v3, v2;
	v3 =	vcombine.low v5, v4;
	v4 =	vunpack.c.0.s8.s32 v6;
	[dreg:$0x9] =	wrdreg s26  }
0x11: {  	s21 =	simm.s32 $0x1;
	s22 =	simm.s32 $0x10000;
	[dreg:$0xa] =	wrdreg s7;
	v0 =	vand.u32 $0xF, v0;
	v5 =	vunpack.c.0.s8.s32 v1  }
0x12: {  	s23 =	simm.s32 $0x14000;
	s0 =	simm.s32 $0x0;
	[dreg:$0xb] =	wrdreg s2;
	v1 =	vand.u32 $0xF, v2;
	v2 =	vand.u32 $0xF, v3;
	v3 =	vand.u32 $0xF, v4  }
0x13: {  	[dreg:$0xc] =	wrdreg s29;
	s25 =	simm.s32 $0x2;
	s26 =	simm.s32 $0x5;
	v4 =	vlaneseq.u32;
	v3 =	vcombine.low v3, v5;
	v5 =	vimm.s32 $0x0  }
.LBB2_1:
0x14: {  	s2 =	rddreg [dreg:$0x2]  }
0x15: {  	[tilespmem:s1], [sflag:$0x1] =	stream.linear.gather [hbm4b:s2+s1], $0x4000, $0x38;
	[tilespmem:$0x18000] =	vst v63  }
0x16: {  	s13 =	rddreg [dreg:$0x3];
	s3 =	simm.s32 $0x4000  }
0x17: {  	[tilespmem:s3], [sflag:$0x2] =	stream.linear.gather [hbm4b:s13+s1], $0x4000, $0x38;
	[tilespmem:$0x18000] =	vst v63  }
0x18: {  	_ =	swait.ge [sflag:s21], $0x4000  }
0x19: {  	[sflag:s21] =	ssyncset.done $0x0  }
0x1a: {  	s20 =	simm.s32 $0x200;
	[sflag:s21] =	ssyncadd.s32 $0xFFFFC000  }
0x1b: {  	v6 =	vld [tilespmem:s20+$0x180]  }
0x1c: {  	v18 =	vld [tilespmem:s20+$0xFFFFFE80]  }
0x1d: {  	v19 =	vld [tilespmem:s20+$0xFFFFFF00]  }
0x1e: {  	v14 =	vld [tilespmem:s20+$0xFFFFFF80]  }
0x1f: {  	v15 =	vld [tilespmem:s20+$0x0]  }
0x20: {  	v9 =	vld [tilespmem:s20+$0x80]  }
0x21: {  	v22 =	vld [tilespmem:s20+$0xFFFFFE00];
	_ =	sdelay $0x2  }
0x22: {  	v7 =	vperm.xlane v6, v0;
	v8 =	vperm.xlane v18, v0;
	v10 =	vsub.f32 $0.0e+00, v18  }
0x23: {  	v12 =	vperm.xlane v19, v0;
	v13 =	vsub.f32 $0.0e+00, v19;
	v17 =	vperm.xlane v14, v0  }
0x24: {  	v21 =	vperm.xlane v15, v0;
	v23 =	vperm.xlane v9, v0;
	v56 =	vsub.f32 $0.0e+00, v22  }
0x25: {  	v25 =	vperm.xlane v22, v0;
	v31 =	vsub.f32 $0.0e+00, v14;
	v60 =	vsub.f32 $0.0e+00, v15  }
0x26: {  	v11 =	vld [tilespmem:s20+$0x100];
	v37 =	vsub.f32 $0.0e+00, v9;
	v7 =	vmax.f32 v6, v7;
	v8 =	vmax.f32 v18, v8  }
0x27: {  	v12 =	vmax.f32 v19, v12;
	v21 =	vmax.f32 v15, v21;
	v16 =	vperm.xlane v7, v1  }
0x28: {  	v23 =	vmax.f32 v9, v23;
	v62 =	vmul.f32 $1.442695020e+00, v56;
	v20 =	vperm.xlane v8, v1  }
0x29: {  	v63 =	vmul.f32 $1.442695020e+00, v60;
	v28 =	vperm.xlane v21, v1;
	v7 =	vmax.f32 v7, v16  }
0x2a: {  	v8 =	vmax.f32 v8, v20;
	v20 =	vperm.xlane v23, v1;
	v24 =	vperm.xlane v7, v2  }
0x2b: {  	v26 =	vperm.xlane v12, v1;
	v16 =	vmax.f32 v14, v17;
	v17 =	vperm.xlane v11, v0  }
0x2c: {  	v21 =	vmax.f32 v21, v28;
	v20 =	vmax.f32 v23, v20;
	v7 =	vmax.f32 v7, v24  }
0x2d: {  	v24 =	vmax.f32 v22, v25;
	v55 =	vperm.xlane v20, v2;
	v25 =	vperm.xlane v7, v3  }
0x2e: {  	v27 =	vperm.xlane v16, v1;
	v17 =	vmax.f32 v11, v17;
	v29 =	vperm.xlane v24, v1  }
0x2f: {  	v30 =	vperm.xlane v17, v1;
	v20 =	vmax.f32 v20, v55;
	v7 =	vmax.f32 v7, v25  }
0x30: {  	v25 =	vsub.f32 $0.0e+00, v6;
	v24 =	vmax.f32 v24, v29;
	v33 =	vperm.xlane v20, v3  }
0x31: {  	vm0 =	veq.f32 v6, v7;
	v7 =	vmax.f32 v12, v26;
	v54 =	vperm.xlane v24, v2  }
0x32: {  	v12 =	vmax.f32 v16, v27;
	v16 =	vmctz.xlane vm0;
	v25 =	vmul.f32 $1.442695020e+00, v25  }
0x33: {  	v17 =	vmax.f32 v17, v30;
	v26 =	vperm.xlane v7, v2;
	v27 =	vperm.xlane v12, v2  }
0x34: {  	v20 =	vmax.f32 v20, v33;
	v23 =	vmax.f32 v24, v54;
	vm0 =	veq.s32 v16, v4  }
0x35: {  	(erf) = vpow2.f32 v25;
	v25 =	vperm.xlane v8, v2;
	v7 =	vmax.f32 v7, v26  }
0x36: {  	v26 =	vperm.xlane v17, v2;
	v12 =	vmax.f32 v12, v27;
	v6 =	vsel vm0, $0xFF800000, v6  }
0x37: {  	v24 =	vperm.xlane v6, v0;
	v8 =	vmax.f32 v8, v25;
	v25 =	vperm.xlane v21, v2  }
0x38: {  	vm6 =	vne.s32 v16, v4;
	v58 =	vperm.xlane v12, v3;
	v17 =	vmax.f32 v17, v26  }
0x39: {  	v24 =	vmax.f32 v6, v24;
	v21 =	vmax.f32 v21, v25;
	v25 =	vperm.xlane v23, v3  }
0x3a: {  	v26 =	vperm.xlane v8, v3;
	v12 =	vmax.f32 v12, v58;
	v27 =	vperm.xlane v24, v1  }
0x3b: {  	v35 =	vperm.xlane v17, v3;
	vm4 =	veq.f32 v14, v12;
	v23 =	vmax.f32 v23, v25  }
0x3c: {  	v25 =	vsub.f32 $0.0e+00, v11;
	v24 =	vmax.f32 v24, v27;
	v27 =	vperm.xlane v7, v3  }
0x3d: {  	v32 =	vperm.xlane v21, v3;
	v8 =	vmax.f32 v8, v26;
	v57 =	vperm.xlane v24, v2  }
0x3e: {  	v26 =	vmul.f32 $1.442695020e+00, v13;
	v25 =	vmul.f32 $1.442695020e+00, v25;
	v34 =	vpop (erf);
	v7 =	vmax.f32 v7, v27  }
0x3f: {  	v24 =	vmax.f32 v24, v57;
	v59 =	vadd.f32 $1.000000000e+00, v34;
	vm3 =	veq.f32 v19, v7  }
0x40: {  	v17 =	vmax.f32 v17, v35;
	v36 =	vperm.xlane v24, v3;
	v12 =	vmctz.xlane vm3  }
0x41: {  	vm2 =	veq.f32 v18, v8;
	v27 =	vmul.f32 $1.442695020e+00, v31;
	(erf) = vrcp.f32 v59  }
0x42: {  	v24 =	vmax.f32 v24, v36;
	vm9 =	veq.s32 v12, v4;
	(erf) = vpow2.f32 v62  }
0x43: {  	vm1 =	veq.f32 v6, v24;
	v6 =	vmax.f32 v21, v32;
	v24 =	vmul.f32 $1.442695020e+00, v10  }
0x44: {  	v32 =	vmul.f32 $1.442695020e+00, v37;
	v21 =	vmctz.xlane vm2;
	v19 =	vsel vm9, $0xFF800000, v19  }
0x45: {  	s24 =	simm.s32 $0x380;
	v61 =	vmctz.xlane vm1;
	vm8 =	veq.f32 v15, v6;
	v6 =	vsel vm6, $0x1, v5  }
0x46: {  	vm1 =	veq.f32 v22, v23;
	v6 =	vor.u32 s24, v6;
	(erf) = vpow2.f32 v24  }
0x47: {  	v16 =	vmctz.xlane vm8;
	vm5 =	veq.s32 v61, v4;
	(erf) = vpow2.f32 v26  }
0x48: {  	vm14 =	vmor vm0, vm5;
	vm0 =	veq.f32 v9, v20;
	vm5 =	veq.f32 v11, v17  }
0x49: {  	v20 =	vmctz.xlane vm1;
	v17 =	vmctz.xlane vm4;
	vm4 =	veq.s32 v21, v4  }
0x4a: {  	vm11 =	veq.s32 v16, v4;
	(erf) = vpow2.f32 v27;
	v10 =	vmctz.xlane vm0  }
0x4b: {  	v13 =	vmctz.xlane vm5;
	v18 =	vsel vm4, $0xFF800000, v18;
	(erf) = vpow2.f32 v63  }
0x4c: {  	v15 =	vsel vm11, $0xFF800000, v15;
	vm3 =	veq.s32 v20, v4;
	(erf) = vpow2.f32 v32  }
0x4d: {  	vm13 =	veq.s32 v17, v4;
	v24 =	vperm.xlane v18, v0;
	v27 =	vperm.xlane v15, v0  }
0x4e: {  	vm0 =	veq.s32 v10, v4;
	v22 =	vsel vm3, $0xFF800000, v22;
	vm1 =	veq.s32 v13, v4  }
0x4f: {  	v7 =	vpop (erf);
	v14 =	vsel vm13, $0xFF800000, v14;
	(erf) = vpow2.f32 v25;
	v25 =	vperm.xlane v19, v0  }
0x50: {  	vm15 =	vne.s32 v10, v4;
	v8 =	vnsel vm14, $0x0, v7;
	v9 =	vsel vm0, $0xFF800000, v9  }
0x51: {  	v33 =	vperm.xlane v22, v0;
	v11 =	vsel vm1, $0xFF800000, v11;
	v26 =	vperm.xlane v14, v0  }
0x52: {  	v24 =	vmax.f32 v18, v24;
	v36 =	vpop (erf);
	v27 =	vmax.f32 v15, v27;
	v34 =	vperm.xlane v9, v0  }
0x53: {  	v35 =	vperm.xlane v11, v0;
	v25 =	vmax.f32 v19, v25;
	v30 =	vadd.f32 $1.000000000e+00, v36  }
0x54: {  	v38 =	vperm.xlane v24, v1;
	v41 =	vperm.xlane v27, v1;
	v23 =	vmax.f32 v22, v33  }
0x55: {  	v26 =	vmax.f32 v14, v26;
	v39 =	vperm.xlane v25, v1;
	v37 =	vperm.xlane v23, v1  }
0x56: {  	v28 =	vmax.f32 v9, v34;
	v29 =	vmax.f32 v11, v35;
	v40 =	vperm.xlane v26, v1  }
0x57: {  	v24 =	vmax.f32 v24, v38;
	v27 =	vmax.f32 v27, v41;
	v42 =	vperm.xlane v28, v1  }
0x58: {  	v44 =	vpop (erf);
	v43 =	vperm.xlane v29, v1;
	v25 =	vmax.f32 v25, v39;
	v47 =	vperm.xlane v24, v2  }
0x59: {  	v46 =	vpop (erf);
	v31 =	vadd.f32 $1.000000000e+00, v44;
	v51 =	vperm.xlane v27, v2;
	v23 =	vmax.f32 v23, v37  }
0x5a: {  	v26 =	vmax.f32 v26, v40;
	v49 =	vperm.xlane v25, v2;
	v32 =	vadd.f32 $1.000000000e+00, v46  }
0x5b: {  	v48 =	vpop (erf);
	(erf) = vrcp.f32 v30;
	v45 =	vperm.xlane v23, v2;
	v28 =	vmax.f32 v28, v42  }
0x5c: {  	v29 =	vmax.f32 v29, v43;
	v50 =	vperm.xlane v26, v2;
	v24 =	vmax.f32 v24, v47  }
0x5d: {  	v38 =	vpop (erf);
	v35 =	vadd.f32 $1.000000000e+00, v48;
	v27 =	vmax.f32 v27, v51;
	(erf) = vrcp.f32 v31  }
0x5e: {  	v25 =	vmax.f32 v25, v49;
	v54 =	vperm.xlane v28, v2;
	v55 =	vperm.xlane v29, v2  }
0x5f: {  	v52 =	vpop (erf);
	v38 =	vadd.f32 $1.000000000e+00, v38;
	v57 =	vperm.xlane v24, v3;
	(erf) = vrcp.f32 v32  }
0x60: {  	v60 =	vperm.xlane v27, v3;
	v23 =	vmax.f32 v23, v45;
	v26 =	vmax.f32 v26, v50  }
0x61: {  	v53 =	vpop (erf);
	v34 =	vadd.f32 $1.000000000e+00, v52;
	v58 =	vperm.xlane v25, v3;
	(erf) = vrcp.f32 v35  }
0x62: {  	v36 =	vadd.f32 $1.000000000e+00, v53;
	v28 =	vmax.f32 v28, v54;
	v56 =	vperm.xlane v23, v3  }
0x63: {  	v29 =	vmax.f32 v29, v55;
	v24 =	vmax.f32 v24, v57;
	v59 =	vperm.xlane v26, v3  }
0x64: {  	(erf) = vrcp.f32 v38;
	v27 =	vmax.f32 v27, v60;
	v61 =	vperm.xlane v28, v3  }
0x65: {  	v25 =	vmax.f32 v25, v58;
	(erf) = vrcp.f32 v34;
	v62 =	vperm.xlane v29, v3  }
0x66: {  	vm6 =	veq.f32 v18, v24;
	v23 =	vmax.f32 v23, v56;
	v26 =	vmax.f32 v26, v59  }
0x67: {  	(erf) = vrcp.f32 v36;
	vm5 =	veq.f32 v22, v23;
	v18 =	vmax.f32 v28, v61  }
0x68: {  	v22 =	vmctz.xlane vm5;
	vm5 =	veq.f32 v19, v25;
	v19 =	vmctz.xlane vm6  }
0x69: {  	vm6 =	veq.f32 v14, v26;
	v14 =	vmax.f32 v29, v62;
	v63 =	vmctz.xlane vm5  }
0x6a: {  	vm5 =	veq.f32 v15, v27;
	v24 =	vmctz.xlane vm6;
	vm6 =	veq.f32 v9, v18  }
0x6b: {  	v9 =	vmctz.xlane vm5;
	vm5 =	veq.f32 v11, v14;
	v11 =	vmctz.xlane vm6  }
0x6c: {  	vm6 =	veq.s32 v22, v4;
	v18 =	vmctz.xlane vm5;
	vm5 =	veq.s32 v19, v4  }
0x6d: {  	vm12 =	vmor vm3, vm6;
	vm2 =	veq.s32 v63, v4;
	vm10 =	veq.s32 v24, v4  }
0x6e: {  	v15 =	vpop (erf);
	vm5 =	vmor vm4, vm5;
	vm7 =	vmor vm9, vm2;
	vm9 =	veq.s32 v9, v4  }
0x6f: {  	v14 =	vpop (erf);
	vm3 =	vmor vm13, vm10;
	vm2 =	veq.s32 v11, v4;
	vm4 =	vne.s32 v20, v4  }
0x70: {  	vm6 =	vmor vm11, vm9;
	vm2 =	vmor vm0, vm2;
	vm0 =	vne.s32 v21, v4;
	v11 =	vpop (erf)  }
0x71: {  	s4 =	simm.s32 $0x8;
	s2 =	simm.s32 $0x8200;
	v26 =	vsel vm4, $0x1, v5;
	vm4 =	veq.s32 v18, v4;
	v19 =	vsel vm0, $0x1, v5;
	v9 =	vpop (erf)  }
0x72: {  	s9 =	simm.s32 $0x0;
	s6 =	simm.s32 $0x80;
	s7 =	simm.s32 $0x600;
	[tilespmem:s2+$0x180] =	vst v8;
	vm0 =	vne.s32 v12, v4;
	vm1 =	vmor vm1, vm4;
	vm4 =	vne.s32 v17, v4;
	v8 =	vpop (erf)  }
0x73: {  	s5 =	simm.s32 $0x100;
	s29 =	simm.s32 $0x280;
	s8 =	simm.s32 $0x10;
	[tilespmem:v6+s22+$0x0] =	vst.idx.msk vm14, v7;
	v24 =	vld [tilespmem:s7+$0x180];
	v17 =	vsel vm0, $0x1, v5;
	v12 =	vsel vm4, $0x1, v5;
	vm0 =	vne.s32 v16, v4;
	v7 =	vpop (erf)  }
0x74: {  	s3 =	simm.s32 $0x180;
	s20 =	simm.s32 $0x300;
	s24 =	simm.s32 $0x200;
	[tilespmem:v6+s23+$0x0] =	vst.idx.msk vm14, v4;
	vm4 =	vmmov vm3;
	v10 =	vsel vm0, $0x1, v5;
	vm0 =	vne.s32 v13, v4;
	v13 =	vld [tilespmem:s7+$0xFFFFFE80];
	v6 =	vpop (erf)  }
.LBB2_2:
0x75: {  	v16 =	vld [tilespmem:s7+$0xFFFFFF00];
	v20 =	vnsel vm12, $0x0, v15;
	v23 =	vsel vm15, $0x1, v5;
	v22 =	vsel vm0, $0x1, v5  }
0x76: {  	v18 =	vld [tilespmem:s7+$0xFFFFFF80];
	v21 =	vnsel vm5, $0x0, v14;
	v25 =	vnsel vm7, $0x0, v11;
	v27 =	vnsel vm4, $0x0, v9  }
0x77: {  	v28 =	vnsel vm6, $0x0, v8;
	v29 =	vnsel vm2, $0x0, v7;
	v33 =	vor.u32 s6, v19;
	v19 =	vld [tilespmem:s7+$0x100]  }
0x78: {  	v30 =	vnsel vm1, $0x0, v6;
	v32 =	vor.u32 s9, v26;
	v35 =	vor.u32 s5, v17;
	[tilespmem:s2+$0xFFFFFE00] =	vst v20;
	v20 =	vld [tilespmem:s7+$0x0]  }
0x79: {  	vm13 =	vmmov vm6;
	vm10 =	vmmov vm4;
	vm3 =	vmmov vm2;
	[tilespmem:s2+$0xFFFFFE80] =	vst v21;
	v21 =	vld [tilespmem:s7+$0x80]  }
0x7a: {  	v23 =	vor.u32 s29, v23;
	v22 =	vor.u32 s20, v22;
	v31 =	vperm.xlane v24, v0  }
0x7b: {  	[tilespmem:s2+$0xFFFFFF00] =	vst v25;
	v34 =	vperm.xlane v13, v0;
	v25 =	vsub.f32 $0.0e+00, v13;
	v60 =	vsub.f32 $0.0e+00, v24  }
0x7c: {  	[tilespmem:s2+$0xFFFFFF80] =	vst v27;
	v17 =	vld [tilespmem:s7+$0xFFFFFE00];
	v27 =	vperm.xlane v16, v0;
	v26 =	vsub.f32 $0.0e+00, v16;
	v51 =	vperm.xlane v18, v0  }
0x7d: {  	v56 =	vperm.xlane v19, v0;
	[tilespmem:v35+s22+$0x0] =	vst.idx.msk vm7, v11;
	v11 =	vsub.f32 $0.0e+00, v18;
	v31 =	vmax.f32 v24, v31  }
0x7e: {  	v50 =	vmax.f32 v13, v34;
	v37 =	vperm.xlane v20, v0;
	v54 =	vperm.xlane v21, v0  }
0x7f: {  	[tilespmem:s2+$0x100] =	vst v30;
	v61 =	vmul.f32 $1.442695020e+00, v60;
	v60 =	vsub.f32 $0.0e+00, v21;
	v25 =	vmul.f32 $1.442695020e+00, v25  }
0x80: {  	[tilespmem:v22+s22+$0x0] =	vst.idx.msk vm1, v6;
	v6 =	vimm.s32 $0x0;
	v36 =	vperm.xlane v31, v1;
	v52 =	vperm.xlane v50, v1  }
0x81: {  	v27 =	vmax.f32 v16, v27;
	v53 =	vmax.f32 v18, v51;
	v39 =	vperm.xlane v17, v0  }
0x82: {  	v51 =	vsub.f32 $0.0e+00, v17;
	v26 =	vmul.f32 $1.442695020e+00, v26;
	v55 =	vmax.f32 v20, v37  }
0x83: {  	v40 =	vperm.xlane v27, v1;
	v34 =	vmax.f32 v21, v54;
	v41 =	vperm.xlane v53, v1  }
0x84: {  	[tilespmem:v33+s22+$0x0] =	vst.idx.msk vm5, v14;
	v37 =	vmax.f32 v19, v56;
	(erf) = vpow2.f32 v61;
	v61 =	vsub.f32 $0.0e+00, v19  }
0x85: {  	v31 =	vmax.f32 v31, v36;
	v57 =	vmax.f32 v17, v39;
	v58 =	vperm.xlane v55, v1  }
0x86: {  	[tilespmem:s2+$0x0] =	vst v28;
	v28 =	vmax.f32 v50, v52;
	v59 =	vperm.xlane v34, v1;
	v44 =	vperm.xlane v37, v1  }
0x87: {  	v38 =	vperm.xlane v31, v2;
	v43 =	vperm.xlane v57, v1;
	v27 =	vmax.f32 v27, v40  }
0x88: {  	[tilespmem:v33+s23+$0x0] =	vst.idx.msk vm5, v4;
	v30 =	vmax.f32 v53, v41;
	v14 =	vperm.xlane v28, v2;
	v33 =	vmul.f32 $1.442695020e+00, v61  }
0x89: {  	[tilespmem:s2+$0x80] =	vst v29;
	v62 =	vmax.f32 v55, v58;
	v29 =	vmax.f32 v34, v59;
	v31 =	vmax.f32 v31, v38  }
0x8a: {  	v63 =	vmax.f32 v37, v44;
	v41 =	vperm.xlane v27, v2;
	v42 =	vperm.xlane v31, v3  }
0x8b: {  	[tilespmem:v32+s22+$0x0] =	vst.idx.msk vm12, v15;
	v59 =	vsub.f32 $0.0e+00, v20;
	v15 =	vmax.f32 v57, v43;
	v14 =	vmax.f32 v28, v14  }
0x8c: {  	v44 =	vperm.xlane v62, v2;
	v45 =	vperm.xlane v29, v2;
	v31 =	vmax.f32 v31, v42  }
0x8d: {  	v46 =	vperm.xlane v63, v2;
	v38 =	vmul.f32 $1.442695020e+00, v60;
	vm0 =	veq.f32 v24, v31  }
0x8e: {  	v40 =	vperm.xlane v15, v2;
	v27 =	vmax.f32 v27, v41;
	v31 =	vmctz.xlane vm0  }
0x8f: {  	v49 =	vperm.xlane v14, v3;
	v37 =	vmul.f32 $1.442695020e+00, v59;
	v28 =	vmax.f32 v62, v44  }
0x90: {  	v34 =	vmax.f32 v63, v46;
	v50 =	vperm.xlane v27, v3;
	vm6 =	veq.s32 v31, v4  }
0x91: {  	[tilespmem:v35+s23+$0x0] =	vst.idx.msk vm7, v4;
	v63 =	vmul.f32 $1.442695020e+00, v11;
	v42 =	vperm.xlane v30, v2;
	v24 =	vsel vm6, $0xFF800000, v24  }
0x92: {  	v29 =	vmax.f32 v29, v45;
	v54 =	vperm.xlane v28, v3;
	v43 =	vperm.xlane v24, v0  }
0x93: {  	v15 =	vmax.f32 v15, v40;
	v55 =	vperm.xlane v29, v3;
	v57 =	vperm.xlane v34, v3  }
0x94: {  	v14 =	vmax.f32 v14, v49;
	v48 =	vperm.xlane v15, v3;
	v36 =	vmax.f32 v24, v43  }
0x95: {  	v27 =	vmax.f32 v27, v50;
	vm4 =	veq.f32 v13, v14;
	v47 =	vperm.xlane v36, v1  }
0x96: {  	v30 =	vmax.f32 v30, v42;
	v56 =	vpop (erf);
	v28 =	vmax.f32 v28, v54;
	vm7 =	veq.f32 v16, v27  }
0x97: {  	[tilespmem:v32+s23+$0x0] =	vst.idx.msk vm12, v4;
	v27 =	vor.u32 s3, v12;
	v58 =	vadd.f32 $1.000000000e+00, v56;
	v32 =	vmax.f32 v36, v47  }
0x98: {  	v62 =	vmax.f32 v34, v57;
	v40 =	vmctz.xlane vm4;
	v53 =	vperm.xlane v32, v2  }
0x99: {  	v52 =	vperm.xlane v30, v3;
	v15 =	vmax.f32 v15, v48;
	(erf) = vrcp.f32 v58  }
0x9a: {  	vm8 =	veq.f32 v20, v28;
	v41 =	vmctz.xlane vm7;
	v32 =	vmax.f32 v32, v53  }
0x9b: {  	vm2 =	vne.s32 v31, v4;
	v30 =	vmax.f32 v30, v52;
	v45 =	vperm.xlane v32, v3  }
0x9c: {  	v14 =	vsel vm2, $0x1, v5;
	vm4 =	veq.s32 v41, v4;
	[tilespmem:v27+s22+$0x0] =	vst.idx.msk vm10, v9;
	v9 =	vimm.s32 $0x0  }
0x9d: {  	vm5 =	veq.f32 v18, v30;
	v9 =	vsel vm4, $0xFFFFFFFF, v9;
	v32 =	vmax.f32 v32, v45  }
0x9e: {  	s9 =	sshll.u32 s4, $0x7;
	[tilespmem:$0x1FFC0] =	vst v9;
	v9 =	vimm.s32 $0x0;
	v36 =	vor.u32 s24, v10;
	vm0 =	veq.f32 v24, v32  }
0x9f: {  	s10 =	sadd.s32 $0x380, s9;
	v24 =	vmax.f32 v29, v55;
	v32 =	vmctz.xlane vm0;
	vm0 =	veq.f32 v17, v15  }
0xa0: {  	vm2 =	veq.f32 v21, v24;
	v15 =	vor.u32 s10, v14;
	v24 =	vmul.f32 $1.442695020e+00, v51  }
0xa1: {  	v14 =	vmctz.xlane vm5;
	v39 =	vmctz.xlane vm0;
	vm9 =	veq.s32 v32, v4  }
0xa2: {  	v11 =	vpop (erf);
	vm0 =	veq.s32 v40, v4;
	(erf) = vpow2.f32 v24;
	vm6 =	vmor vm6, vm9  }
0xa3: {  	vm9 =	veq.f32 v19, v62;
	vm12 =	veq.s32 v39, v4;
	(erf) = vpow2.f32 v25  }
0xa4: {  	s2 =	sadd.s32 $0x400, s2;
	[tilespmem:v36+s22+$0x0] =	vst.idx.msk vm13, v8;
	v10 =	vnsel vm6, $0x0, v11;
	v12 =	vmctz.xlane vm9;
	(erf) = vpow2.f32 v26  }
0xa5: {  	v8 =	vsel vm12, $0xFF800000, v17;
	[tilespmem:s2+$0x180] =	vst v10;
	v10 =	vimm.s32 $0x0;
	(erf) = vpow2.f32 v63  }
0xa6: {  	v10 =	vsel vm0, $0xFFFFFFFF, v10;
	vm9 =	veq.s32 v12, v4;
	(erf) = vpow2.f32 v37  }
0xa7: {  	[tilespmem:$0x1FFB0] =	vst v10;
	v10 =	vmctz.xlane vm2;
	vm2 =	veq.s32 v14, v4;
	v17 =	vsel vm9, $0xFF800000, v19  }
0xa8: {  	[tilespmem:v23+s22+$0x0] =	vst.idx.msk vm3, v7;
	(erf) = vpow2.f32 v38;
	v9 =	vsel vm2, $0xFFFFFFFF, v9;
	v7 =	vsel vm2, $0xFF800000, v18  }
0xa9: {  	(erf) = vpow2.f32 v33;
	v18 =	vimm.s32 $0x0;
	v44 =	vperm.xlane v17, v0;
	[tilespmem:v15+s22+$0x0] =	vst.idx.msk vm6, v11  }
0xaa: {  	v11 =	vmctz.xlane vm8;
	[tilespmem:$0x1FFD0] =	vst v9;
	vm11 =	veq.s32 v10, v4;
	v9 =	vsel vm0, $0xFF800000, v13  }
0xab: {  	[tilespmem:v23+s23+$0x0] =	vst.idx.msk vm3, v4;
	v13 =	vsel vm4, $0xFF800000, v16;
	vm0 =	vne.s32 v39, v4;
	v16 =	vsel vm11, $0xFF800000, v21  }
0xac: {  	[tilespmem:v27+s23+$0x0] =	vst.idx.msk vm10, v4;
	v6 =	vsel vm0, $0xFFFFFFFF, v6;
	vm0 =	vne.s32 v40, v4;
	v19 =	vperm.xlane v13, v0  }
0xad: {  	v23 =	vmax.f32 v17, v44;
	vm10 =	veq.s32 v11, v4;
	[tilespmem:$0x1FFE0] =	vst v6;
	v6 =	vperm.xlane v8, v0  }
0xae: {  	[tilespmem:v15+s23+$0x0] =	vst.idx.msk vm6, v4;
	v18 =	vsel vm0, $0xFFFFFFFF, v18;
	v43 =	vperm.xlane v16, v0;
	v52 =	vperm.xlane v23, v1  }
0xaf: {  	v24 =	vpop (erf);
	v15 =	vsel vm10, $0xFF800000, v20;
	[tilespmem:$0x1FFF0] =	vst v18;
	v18 =	vperm.xlane v9, v0;
	v20 =	vperm.xlane v7, v0  }
0xb0: {  	[tilespmem:v22+s23+$0x0] =	vst.idx.msk vm1, v4;
	v19 =	vmax.f32 v13, v19;
	v24 =	vadd.f32 $1.000000000e+00, v24;
	v6 =	vmax.f32 v8, v6  }
0xb1: {  	v25 =	vpop (erf);
	v42 =	vperm.xlane v15, v0;
	v22 =	vmax.f32 v16, v43;
	v46 =	vperm.xlane v19, v1  }
0xb2: {  	v25 =	vadd.f32 $1.000000000e+00, v25;
	v18 =	vmax.f32 v9, v18;
	v20 =	vmax.f32 v7, v20  }
0xb3: {  	v26 =	vperm.xlane v6, v1;
	v51 =	vperm.xlane v22, v1;
	v21 =	vmax.f32 v15, v42  }
0xb4: {  	v45 =	vperm.xlane v18, v1;
	v48 =	vperm.xlane v20, v1;
	v19 =	vmax.f32 v19, v46  }
0xb5: {  	v27 =	vpop (erf);
	v6 =	vmax.f32 v6, v26;
	v49 =	vperm.xlane v21, v1;
	v22 =	vmax.f32 v22, v51  }
0xb6: {  	v47 =	vpop (erf);
	v56 =	vperm.xlane v19, v2;
	v18 =	vmax.f32 v18, v45;
	v20 =	vmax.f32 v20, v48  }
0xb7: {  	v50 =	vpop (erf);
	v54 =	vperm.xlane v6, v2;
	v59 =	vperm.xlane v22, v2;
	v21 =	vmax.f32 v21, v49  }
0xb8: {  	v53 =	vpop (erf);
	v55 =	vperm.xlane v18, v2;
	v57 =	vperm.xlane v20, v2;
	v19 =	vmax.f32 v19, v56  }
0xb9: {  	v26 =	vpop (erf);
	(erf) = vrcp.f32 v24;
	v58 =	vperm.xlane v21, v2;
	v6 =	vmax.f32 v6, v54  }
0xba: {  	(erf) = vrcp.f32 v25;
	v25 =	vperm.xlane v19, v3;
	v18 =	vmax.f32 v18, v55  }
0xbb: {  	v20 =	vmax.f32 v20, v57;
	v21 =	vmax.f32 v21, v58;
	v24 =	vperm.xlane v18, v3  }
0xbc: {  	v63 =	vperm.xlane v6, v3;
	v19 =	vmax.f32 v19, v25;
	v25 =	vperm.xlane v21, v3  }
0xbd: {  	v23 =	vmax.f32 v23, v52;
	v18 =	vmax.f32 v18, v24;
	v24 =	vperm.xlane v20, v3  }
0xbe: {  	v22 =	vmax.f32 v22, v59;
	v6 =	vmax.f32 v6, v63;
	v21 =	vmax.f32 v21, v25  }
0xbf: {  	v20 =	vmax.f32 v20, v24;
	v24 =	vperm.xlane v22, v3;
	vm15 =	veq.f32 v15, v21  }
0xc0: {  	vm3 =	veq.f32 v13, v19;
	v19 =	vmctz.xlane vm15;
	vm15 =	vne.s32 v10, v4;
	v10 =	vld [tilespmem:$0x1FFB0]  }
0xc1: {  	v60 =	vperm.xlane v23, v2;
	vm0 =	veq.f32 v8, v6;
	v6 =	vmax.f32 v22, v24  }
0xc2: {  	vm1 =	veq.f32 v16, v6;
	v6 =	vmctz.xlane vm0  }
0xc3: {  	v23 =	vmax.f32 v23, v60  }
0xc4: {  	v25 =	vperm.xlane v23, v3;
	vm7 =	veq.s32 v6, v4  }
0xc5: {  	vm12 =	vmor vm12, vm7;
	vm7 =	vnez.u8 v10;
	v10 =	vld [tilespmem:$0x1FFC0]  }
0xc6: {  	vm2 =	veq.f32 v9, v18;
	vm6 =	veq.f32 v7, v20;
	v7 =	vmax.f32 v23, v25  }
0xc7: {  	vm4 =	veq.f32 v17, v7;
	v7 =	vmctz.xlane vm2;
	_ =	sdelay $0x1  }
0xc8: {  	vm5 =	veq.s32 v7, v4  }
0xc9: {  	vm5 =	vmor vm7, vm5;
	vm7 =	vnez.u8 v10;
	v10 =	vld [tilespmem:$0x1FFD0]  }
0xca: {  	v27 =	vadd.f32 $1.000000000e+00, v27  }
0xcb: {  	v30 =	vadd.f32 $1.000000000e+00, v47;
	v61 =	vadd.f32 $1.000000000e+00, v50;
	v18 =	vmctz.xlane vm3  }
0xcc: {  	v62 =	vadd.f32 $1.000000000e+00, v53;
	v26 =	vadd.f32 $1.000000000e+00, v26;
	(erf) = vrcp.f32 v27  }
0xcd: {  	(erf) = vrcp.f32 v30;
	v13 =	vmctz.xlane vm6;
	vm6 =	veq.s32 v18, v4  }
0xce: {  	(erf) = vrcp.f32 v61;
	vm7 =	vmor vm7, vm6;
	vm6 =	vnez.u8 v10;
	v10 =	vld [tilespmem:$0x1FFE0]  }
0xcf: {  	(erf) = vrcp.f32 v62  }
0xd0: {  	(erf) = vrcp.f32 v26  }
0xd1: {  	v17 =	vmctz.xlane vm4  }
0xd2: {  	v16 =	vmctz.xlane vm1;
	vm4 =	veq.s32 v13, v4;
	vm1 =	veq.s32 v19, v4  }
0xd3: {  	v15 =	vpop (erf);
	vm4 =	vmor vm6, vm4;
	vm6 =	vmor vm10, vm1;
	vm1 =	vnez.u8 v10;
	v10 =	vld [tilespmem:$0x1FFF0]  }
0xd4: {  	p0 =	slt.u32 s8, $0x78;
	vm14 =	vne.s32 v14, v4;
	v14 =	vpop (erf)  }
.Ltmp0:
0xd5: {  	s4 =	smov.u32 s8;
	vm8 =	vne.s32 v11, v4;
	v11 =	vpop (erf);
	(pc) =	sbr.rel @p0 .LBB2_2-.Ltmp0, $4  }
0xd6: {  	s8 =	sadd.s32 $0x8, s8;
	s6 =	sadd.s32 $0x80, s9;
	s5 =	sadd.s32 $0x100, s9;
	[tilespmem:v36+s23+$0x0] =	vst.idx.msk vm13, v4;
	vm13 =	vne.s32 v41, v4;
	vm0 =	vne.s32 v12, v4;
	v12 =	vsel vm14, $0x1, v5;
	v9 =	vpop (erf)  }
0xd7: {  	s11 =	sadd.s32 $0x180, s9;
	s13 =	sadd.s32 $0x280, s9;
	s7 =	sadd.s32 $0x400, s7;
	vm3 =	veq.s32 v17, v4;
	v17 =	vsel vm13, $0x1, v5;
	v8 =	vpop (erf);
	vm2 =	veq.s32 v16, v4  }
0xd8: {  	s12 =	sadd.s32 $0x200, s9;
	s29 =	smov.u32 s13;
	s10 =	sadd.s32 $0x300, s9;
	v24 =	vld [tilespmem:s7+$0x180];
	v7 =	vpop (erf);
	vm2 =	vmor vm11, vm2;
	v26 =	vsel vm1, $0x1, v5;
	vm1 =	vnez.u8 v10  }
0xd9: {  	s3 =	smov.u32 s11;
	s24 =	smov.u32 s12;
	s20 =	smov.u32 s10;
	v13 =	vld [tilespmem:s7+$0xFFFFFE80];
	v6 =	vpop (erf);
	v10 =	vsel vm8, $0x1, v5;
	v19 =	vsel vm1, $0x1, v5;
	vm1 =	vmor vm9, vm3  }
0xda: {  	v34 =	vld [tilespmem:s7+$0xFFFFFF00];
	v31 =	vnsel vm12, $0x0, v15  }
0xdb: {  	v22 =	vsel vm15, $0x1, v5;
	v20 =	vsel vm0, $0x1, v5;
	v28 =	vnsel vm5, $0x0, v14;
	v36 =	vld [tilespmem:s7+$0x0]  }
0xdc: {  	v25 =	vnsel vm7, $0x0, v11;
	v21 =	vnsel vm4, $0x0, v9;
	v37 =	vld [tilespmem:s7+$0x80];
	v33 =	vor.u32 s9, v26  }
0xdd: {  	v38 =	vld [tilespmem:s7+$0x100];
	v50 =	vimm.s32 $0x0;
	vm11 =	vmmov vm4;
	vm15 =	vmmov vm6  }
0xde: {  	v39 =	vld [tilespmem:s7+$0xFFFFFE00];
	v17 =	vor.u32 s5, v17;
	v12 =	vor.u32 s3, v12;
	v50 =	vsel vm2, $0xFFFFFFFF, v50  }
0xdf: {  	v35 =	vld [tilespmem:s7+$0xFFFFFF80];
	v10 =	vor.u32 s24, v10;
	[tilespmem:$0x1FFA0] =	vst v50;
	v16 =	vperm.xlane v24, v0;
	v47 =	vsub.f32 $0.0e+00, v24  }
0xe0: {  	[tilespmem:s2+$0xFFFFFE80] =	vst v28;
	v28 =	vnsel vm1, $0x0, v6;
	v26 =	vperm.xlane v13, v0;
	v29 =	vsub.f32 $0.0e+00, v13  }
0xe1: {  	v16 =	vmax.f32 v24, v16;
	v30 =	vperm.xlane v34, v0;
	v42 =	vperm.xlane v36, v0  }
0xe2: {  	v32 =	vsub.f32 $0.0e+00, v34;
	v43 =	vperm.xlane v37, v0;
	v56 =	vperm.xlane v38, v0  }
0xe3: {  	[tilespmem:s2+$0xFFFFFE00] =	vst v31;
	v44 =	vperm.xlane v39, v0;
	v58 =	vmul.f32 $1.442695020e+00, v47;
	v26 =	vmax.f32 v13, v26  }
0xe4: {  	[tilespmem:v33+s22+$0x0] =	vst.idx.msk vm12, v15;
	v15 =	vor.u32 s6, v19;
	v18 =	vperm.xlane v16, v1;
	v41 =	vperm.xlane v26, v1  }
0xe5: {  	v30 =	vmax.f32 v34, v30;
	v43 =	vmax.f32 v37, v43;
	v44 =	vmax.f32 v39, v44  }
0xe6: {  	(erf) = vpow2.f32 v58;
	v23 =	vmax.f32 v16, v18;
	v49 =	vperm.xlane v44, v1  }
0xe7: {  	v18 =	vnsel vm6, $0x0, v8;
	v57 =	vperm.xlane v30, v1;
	v60 =	vperm.xlane v43, v1  }
0xe8: {  	v27 =	vperm.xlane v23, v2;
	v26 =	vmax.f32 v26, v41;
	v44 =	vmax.f32 v44, v49  }
0xe9: {  	v30 =	vmax.f32 v30, v57;
	v43 =	vmax.f32 v43, v60;
	v53 =	vperm.xlane v26, v2  }
0xea: {  	v23 =	vmax.f32 v23, v27;
	v27 =	vperm.xlane v35, v0;
	v52 =	vperm.xlane v44, v2  }
0xeb: {  	v16 =	vnsel vm2, $0x0, v7;
	v54 =	vperm.xlane v30, v2;
	v49 =	vperm.xlane v43, v2  }
0xec: {  	v40 =	vperm.xlane v23, v3;
	v26 =	vmax.f32 v26, v53;
	v53 =	vsub.f32 $0.0e+00, v35  }
0xed: {  	v27 =	vmax.f32 v35, v27;
	v30 =	vmax.f32 v30, v54;
	v43 =	vmax.f32 v43, v49  }
0xee: {  	v60 =	vperm.xlane v26, v3;
	v23 =	vmax.f32 v23, v40;
	v46 =	vperm.xlane v27, v1  }
0xef: {  	v40 =	vmax.f32 v38, v56;
	v54 =	vperm.xlane v43, v3;
	vm0 =	veq.f32 v24, v23  }
0xf0: {  	v23 =	vmax.f32 v36, v42;
	v61 =	vperm.xlane v40, v1;
	v42 =	vmax.f32 v44, v52  }
0xf1: {  	v26 =	vmax.f32 v26, v60;
	v60 =	vmul.f32 $1.442695020e+00, v29;
	v45 =	vmctz.xlane vm0  }
0xf2: {  	v48 =	vperm.xlane v23, v1;
	v27 =	vmax.f32 v27, v46;
	v43 =	vmax.f32 v43, v54  }
0xf3: {  	vm3 =	veq.f32 v13, v26;
	v40 =	vmax.f32 v40, v61;
	v55 =	vperm.xlane v27, v2  }
0xf4: {  	v61 =	vperm.xlane v30, v3;
	vm0 =	veq.s32 v45, v4;
	v23 =	vmax.f32 v23, v48  }
0xf5: {  	v57 =	vperm.xlane v40, v2;
	vm8 =	vne.s32 v45, v4;
	v24 =	vsel vm0, $0xFF800000, v24  }
0xf6: {  	v56 =	vperm.xlane v23, v2;
	v27 =	vmax.f32 v27, v55;
	v30 =	vmax.f32 v30, v61  }
0xf7: {  	s4 =	sshll.u32 s4, $0x7;
	v61 =	vmul.f32 $1.442695020e+00, v32;
	v48 =	vsel vm8, $0x1, v5;
	v59 =	vperm.xlane v24, v0  }
0xf8: {  	s12 =	sadd.s32 $0x380, s4;
	v40 =	vmax.f32 v40, v57;
	v57 =	vsub.f32 $0.0e+00, v38;
	vm4 =	veq.f32 v34, v30  }
0xf9: {  	[tilespmem:v15+s22+$0x0] =	vst.idx.msk vm5, v14;
	v30 =	vmctz.xlane vm3;
	v14 =	vor.u32 s12, v48;
	v23 =	vmax.f32 v23, v56  }
0xfa: {  	v55 =	vperm.xlane v40, v3;
	v56 =	vsub.f32 $0.0e+00, v36;
	v29 =	vmctz.xlane vm4  }
0xfb: {  	v62 =	vmax.f32 v24, v59;
	v59 =	vperm.xlane v42, v3;
	v52 =	vperm.xlane v23, v3  }
0xfc: {  	vm4 =	veq.s32 v30, v4;
	v63 =	vperm.xlane v62, v1;
	v40 =	vmax.f32 v40, v55  }
0xfd: {  	vm13 =	veq.s32 v29, v4;
	v13 =	vsel vm4, $0xFF800000, v13;
	v42 =	vmax.f32 v42, v59  }
0xfe: {  	v23 =	vmax.f32 v23, v52;
	vm3 =	veq.f32 v38, v40;
	v34 =	vsel vm13, $0xFF800000, v34  }
0xff: {  	v50 =	vperm.xlane v13, v0;
	v41 =	vmax.f32 v62, v63;
	v63 =	vsub.f32 $0.0e+00, v39  }
0x100: {  	v62 =	vpop (erf);
	vm10 =	veq.f32 v36, v23;
	v23 =	vmctz.xlane vm3;
	v46 =	vperm.xlane v41, v2  }
0x101: {  	v51 =	vperm.xlane v34, v0;
	v49 =	vadd.f32 $1.000000000e+00, v62;
	v62 =	vmul.f32 $1.442695020e+00, v56  }
0x102: {  	v26 =	vmctz.xlane vm10;
	v59 =	vmul.f32 $1.442695020e+00, v63;
	v41 =	vmax.f32 v41, v46  }
0x103: {  	vm8 =	veq.s32 v23, v4;
	(erf) = vrcp.f32 v49;
	v58 =	vperm.xlane v41, v3  }
0x104: {  	v46 =	vmul.f32 $1.442695020e+00, v53;
	v38 =	vsel vm8, $0xFF800000, v38;
	(erf) = vpow2.f32 v59  }
0x105: {  	v56 =	vperm.xlane v38, v0;
	(erf) = vpow2.f32 v60;
	v41 =	vmax.f32 v41, v58  }
0x106: {  	(erf) = vpow2.f32 v61;
	vm2 =	veq.f32 v24, v41;
	v24 =	vperm.xlane v27, v3  }
0x107: {  	v47 =	vmax.f32 v38, v56;
	v41 =	vmul.f32 $1.442695020e+00, v57;
	(erf) = vpow2.f32 v46  }
0x108: {  	v31 =	vperm.xlane v47, v1;
	v58 =	vmctz.xlane vm2;
	vm2 =	veq.f32 v39, v42  }
0x109: {  	(erf) = vpow2.f32 v62;
	v42 =	vmax.f32 v34, v51;
	v24 =	vmax.f32 v27, v24  }
0x10a: {  	v27 =	vsub.f32 $0.0e+00, v37;
	v32 =	vmctz.xlane vm2;
	vm2 =	veq.f32 v37, v43  }
0x10b: {  	v31 =	vmax.f32 v47, v31;
	vm6 =	veq.f32 v35, v24;
	vm9 =	veq.s32 v58, v4  }
0x10c: {  	v24 =	vmctz.xlane vm2;
	v58 =	vperm.xlane v42, v1;
	vm14 =	vmor vm0, vm9  }
0x10d: {  	v63 =	vmul.f32 $1.442695020e+00, v27;
	v27 =	vmctz.xlane vm6;
	vm0 =	veq.s32 v32, v4  }
0x10e: {  	vm9 =	veq.s32 v26, v4;
	vm6 =	veq.s32 v24, v4;
	v39 =	vsel vm0, $0xFF800000, v39  }
0x10f: {  	[tilespmem:s2+$0xFFFFFF00] =	vst v25;
	v36 =	vsel vm9, $0xFF800000, v36;
	v42 =	vmax.f32 v42, v58;
	vm10 =	veq.s32 v27, v4  }
0x110: {  	[tilespmem:v17+s22+$0x0] =	vst.idx.msk vm7, v11;
	(erf) = vpow2.f32 v63;
	v37 =	vsel vm6, $0xFF800000, v37;
	v49 =	vperm.xlane v39, v0  }
0x111: {  	[tilespmem:v33+s23+$0x0] =	vst.idx.msk vm12, v4;
	v53 =	vperm.xlane v36, v0;
	v35 =	vsel vm10, $0xFF800000, v35;
	(erf) = vpow2.f32 v41  }
0x112: {  	v41 =	vmax.f32 v13, v50;
	v54 =	vperm.xlane v37, v0;
	v52 =	vperm.xlane v35, v0  }
0x113: {  	v40 =	vmax.f32 v39, v49;
	v57 =	vperm.xlane v41, v1;
	v44 =	vmax.f32 v36, v53  }
0x114: {  	v49 =	vperm.xlane v42, v2;
	v55 =	vperm.xlane v40, v1;
	v45 =	vmax.f32 v37, v54  }
0x115: {  	v60 =	vperm.xlane v44, v1;
	v43 =	vmax.f32 v35, v52;
	v41 =	vmax.f32 v41, v57  }
0x116: {  	v61 =	vperm.xlane v45, v1;
	v42 =	vmax.f32 v42, v49;
	v59 =	vperm.xlane v43, v1;
	v52 =	vpop (erf)  }
0x117: {  	v40 =	vmax.f32 v40, v55;
	v63 =	vperm.xlane v41, v2;
	v55 =	vperm.xlane v31, v2;
	v54 =	vpop (erf)  }
0x118: {  	[tilespmem:s2+$0xFFFFFF80] =	vst v21;
	v44 =	vmax.f32 v44, v60;
	v60 =	vperm.xlane v42, v3;
	v62 =	vperm.xlane v40, v2;
	v56 =	vpop (erf)  }
0x119: {  	[tilespmem:s2+$0x100] =	vst v28;
	v19 =	vmax.f32 v45, v61;
	v51 =	vperm.xlane v44, v2;
	v43 =	vmax.f32 v43, v59;
	v57 =	vpop (erf)  }
0x11a: {  	[tilespmem:v15+s23+$0x0] =	vst.idx.msk vm5, v4;
	v41 =	vmax.f32 v41, v63;
	v46 =	vadd.f32 $1.000000000e+00, v54;
	v15 =	vadd.f32 $1.000000000e+00, v57  }
0x11b: {  	[tilespmem:v17+s23+$0x0] =	vst.idx.msk vm7, v4;
	v53 =	vperm.xlane v19, v2;
	v31 =	vmax.f32 v31, v55;
	v47 =	vadd.f32 $1.000000000e+00, v56  }
0x11c: {  	[tilespmem:v12+s22+$0x0] =	vst.idx.msk vm11, v9;
	v59 =	vnsel vm14, $0x0, v52;
	v61 =	vmax.f32 v42, v60;
	(erf) = vrcp.f32 v46  }
0x11d: {  	[tilespmem:v12+s23+$0x0] =	vst.idx.msk vm11, v4;
	v40 =	vmax.f32 v40, v62;
	v50 =	vperm.xlane v43, v2;
	(erf) = vrcp.f32 v47  }
0x11e: {  	s13 =	sadd.s32 $0x400, s2;
	[tilespmem:s2+$0x0] =	vst v18;
	v44 =	vmax.f32 v44, v51;
	v25 =	vperm.xlane v41, v3;
	(erf) = vrcp.f32 v15;
	v15 =	vpop (erf)  }
0x11f: {  	[tilespmem:s13+$0x180] =	vst v59;
	v19 =	vmax.f32 v19, v53;
	v58 =	vperm.xlane v40, v3;
	v17 =	vpop (erf);
	v15 =	vadd.f32 $1.000000000e+00, v15  }
0x120: {  	[tilespmem:v14+s22+$0x0] =	vst.idx.msk vm14, v52;
	v21 =	vperm.xlane v44, v3;
	v43 =	vmax.f32 v43, v50;
	v17 =	vadd.f32 $1.000000000e+00, v17  }
0x121: {  	[tilespmem:s2+$0x80] =	vst v16;
	v25 =	vmax.f32 v41, v25;
	v11 =	vmax.f32 v40, v58;
	v62 =	vperm.xlane v43, v3  }
0x122: {  	[tilespmem:v14+s23+$0x0] =	vst.idx.msk vm14, v4;
	v14 =	vor.u32 s20, v20;
	v9 =	vperm.xlane v19, v3;
	vm2 =	veq.f32 v39, v11  }
0x123: {  	[tilespmem:v10+s22+$0x0] =	vst.idx.msk vm15, v8;
	v11 =	vmax.f32 v44, v21;
	v20 =	vmax.f32 v43, v62;
	(erf) = vrcp.f32 v15;
	v15 =	vpop (erf)  }
0x124: {  	[tilespmem:v10+s23+$0x0] =	vst.idx.msk vm15, v4;
	v12 =	vmctz.xlane vm2;
	(erf) = vrcp.f32 v17;
	v17 =	vpop (erf);
	v15 =	vadd.f32 $1.000000000e+00, v15  }
0x125: {  	v10 =	vld [tilespmem:$0x1FFA0];
	vm2 =	veq.f32 v13, v25;
	v13 =	vperm.xlane v31, v3;
	v17 =	vadd.f32 $1.000000000e+00, v17  }
0x126: {  	(erf) = vrcp.f32 v15;
	v15 =	vmctz.xlane vm2;
	vm2 =	veq.f32 v34, v61  }
0x127: {  	v8 =	vmax.f32 v31, v13;
	v16 =	vmctz.xlane vm2;
	vm2 =	veq.f32 v35, v20  }
0x128: {  	(erf) = vrcp.f32 v17;
	v17 =	vmctz.xlane vm2;
	vm2 =	veq.f32 v36, v11  }
0x129: {  	v9 =	vmax.f32 v19, v9;
	vm3 =	veq.f32 v38, v8;
	v11 =	vmctz.xlane vm2  }
0x12a: {  	vm2 =	veq.f32 v37, v9;
	v9 =	vmctz.xlane vm3;
	vm3 =	vnez.u8 v10  }
0x12b: {  	v22 =	vor.u32 s29, v22  }
0x12c: {  	vm15 =	vne.s32 v32, v4;
	v8 =	vmctz.xlane vm2;
	vm2 =	veq.s32 v12, v4  }
0x12d: {  	[tilespmem:v14+s22+$0x0] =	vst.idx.msk vm1, v6;
	v6 =	vpop (erf);
	v12 =	vsel vm15, $0x1, v5;
	vm5 =	vmor vm0, vm2  }
0x12e: {  	[tilespmem:v14+s23+$0x0] =	vst.idx.msk vm1, v4;
	v12 =	vor.u32 s4, v12;
	vm7 =	veq.s32 v8, v4;
	v8 =	vnsel vm5, $0x0, v6  }
0x12f: {  	vm0 =	veq.s32 v15, v4;
	[tilespmem:s13+$0xFFFFFE00] =	vst v8  }
0x130: {  	vm2 =	veq.s32 v16, v4;
	vm4 =	vmor vm4, vm0;
	[tilespmem:v22+s22+$0x0] =	vst.idx.msk vm3, v7;
	v7 =	vpop (erf)  }
0x131: {  	vm0 =	veq.s32 v17, v4;
	[tilespmem:v22+s23+$0x0] =	vst.idx.msk vm3, v4;
	vm3 =	veq.s32 v11, v4;
	v8 =	vnsel vm4, $0x0, v7  }
0x132: {  	vm2 =	vmor vm13, vm2;
	vm0 =	vmor vm10, vm0;
	v10 =	vpop (erf);
	vm1 =	vmor vm9, vm3;
	[tilespmem:s13+$0xFFFFFE80] =	vst v8  }
0x133: {  	vm3 =	vmor vm6, vm7;
	vm6 =	vne.s32 v30, v4;
	v11 =	vpop (erf);
	v13 =	vnsel vm2, $0x0, v10;
	[tilespmem:v12+s22+$0x0] =	vst.idx.msk vm5, v6  }
0x134: {  	s20 =	sadd.s32 $0x80, s4;
	vm7 =	vne.s32 v29, v4;
	v14 =	vnsel vm0, $0x0, v11;
	[tilespmem:s13+$0xFFFFFF00] =	vst v13;
	v15 =	vsel vm6, $0x1, v5;
	v8 =	vpop (erf)  }
0x135: {  	vm6 =	veq.s32 v9, v4;
	[tilespmem:v12+s23+$0x0] =	vst.idx.msk vm5, v4;
	v15 =	vor.u32 s20, v15;
	v9 =	vnsel vm1, $0x0, v8  }
0x136: {  	s24 =	sadd.s32 $0x100, s4;
	vm6 =	vmor vm8, vm6;
	v13 =	vpop (erf);
	[tilespmem:s13+$0x0] =	vst v9;
	v9 =	vsel vm7, $0x1, v5  }
0x137: {  	[tilespmem:s13+$0xFFFFFF80] =	vst v14;
	v14 =	vpop (erf);
	v16 =	vnsel vm3, $0x0, v13;
	vm7 =	vne.s32 v27, v4;
	v9 =	vor.u32 s24, v9  }
0x138: {  	s29 =	sadd.s32 $0x180, s4;
	v17 =	vnsel vm6, $0x0, v14;
	[tilespmem:s13+$0x80] =	vst v16;
	v16 =	vsel vm7, $0x1, v5  }
0x139: {  	vm7 =	vne.s32 v26, v4;
	[tilespmem:s13+$0x100] =	vst v17;
	v6 =	vor.u32 s29, v16  }
0x13a: {  	s3 =	sadd.s32 $0x200, s4;
	v12 =	vsel vm7, $0x1, v5;
	[tilespmem:v15+s22+$0x0] =	vst.idx.msk vm4, v7  }
0x13b: {  	vm5 =	vne.s32 v24, v4;
	v7 =	vor.u32 s3, v12;
	[tilespmem:v15+s23+$0x0] =	vst.idx.msk vm4, v4  }
0x13c: {  	s5 =	sadd.s32 $0x280, s4;
	v12 =	vsel vm5, $0x1, v5;
	vm4 =	vne.s32 v23, v4;
	[tilespmem:v9+s22+$0x0] =	vst.idx.msk vm2, v10  }
0x13d: {  	s6 =	sadd.s32 $0x300, s4;
	v10 =	vsel vm4, $0x1, v5;
	[tilespmem:v9+s23+$0x0] =	vst.idx.msk vm2, v4;
	v9 =	vor.u32 s5, v12  }
0x13e: {  	[tilespmem:v6+s22+$0x0] =	vst.idx.msk vm0, v11;
	v10 =	vor.u32 s6, v10  }
0x13f: {  	[tilespmem:v6+s23+$0x0] =	vst.idx.msk vm0, v4  }
0x140: {  	[tilespmem:v7+s22+$0x0] =	vst.idx.msk vm1, v8  }
0x141: {  	[tilespmem:v7+s23+$0x0] =	vst.idx.msk vm1, v4  }
0x142: {  	[tilespmem:v9+s22+$0x0] =	vst.idx.msk vm3, v13  }
0x143: {  	[tilespmem:v10+s22+$0x0] =	vst.idx.msk vm6, v14  }
0x144: {  	[tilespmem:v9+s23+$0x0] =	vst.idx.msk vm3, v4  }
0x145: {  	[tilespmem:v10+s23+$0x0] =	vst.idx.msk vm6, v4  }
0x146: {  	s7 =	simm.s32 $0x0;
	s8 =	simm.s32 $0x8000;
	s3 =	rddreg [dreg:$0x4]  }
0x147: {  	[hbm4b:s3+s7] =	stream.linear.scatter [tilespmem:s8], [sflag:$0x3], $0x4000, $0x38;
	[tilespmem:$0x18000] =	vst v63  }
0x148: {  	s9 =	rddreg [dreg:$0x5]  }
0x149: {  	[hbm4b:s9+s7] =	stream.linear.scatter [tilespmem:s22], [sflag:$0x5], $0x4000, $0x38;
	[tilespmem:$0x18000] =	vst v63  }
0x14a: {  	s10 =	rddreg [dreg:$0x6]  }
0x14b: {  	[hbm4b:s10+s7] =	stream.linear.scatter [tilespmem:s23], [sflag:$0x6], $0x4000, $0x38;
	[tilespmem:$0x18000] =	vst v63  }
0x14c: {  	s11 =	rddreg [dreg:$0x7]  }
0x14d: {  	[tilespmem:s7], [sflag:$0x1] =	stream.linear.gather [hbm4b:s11+s7], $0x4000, $0x38;
	[tilespmem:$0x18000] =	vst v63  }
0x14e: {  	_ =	swait.ge [sflag:s25], $0x4000  }
0x14f: {  	[sflag:s25] =	ssyncset.done $0x0  }
0x150: {  	[sflag:s25] =	ssyncadd.s32 $0xFFFFC000  }
0x151: {  	_ =	swait.ge [sflag:s26], $0x4000  }
0x152: {  	[sflag:s26] =	ssyncset.done $0x0  }
0x153: {  	[sflag:s26] =	ssyncadd.s32 $0xFFFFC000  }
0x154: {  	_ =	swait.ge [sflag:s28], $0x4000  }
0x155: {  	[sflag:s28] =	ssyncset.done $0x0  }
0x156: {  	s2 =	simm.s32 $0x0;
	[sflag:s28] =	ssyncadd.s32 $0xFFFFC000  }
0x157: {  	v7 =	vld [tilespmem:s2+$0x4300]  }
0x158: {  	v6 =	vld [tilespmem:s2+$0x4200]  }
0x159: {  	v8 =	vld [tilespmem:s2+$0x4280]  }
0x15a: {  	v13 =	vld [tilespmem:s2+$0x4380]  }
0x15b: {  	v10 =	vld [tilespmem:s2+$0x4080]  }
0x15c: {  	v11 =	vld [tilespmem:s2+$0x4100];
	_ =	sdelay $0x2  }
0x15d: {  	v12 =	vsub.f32 $0.0e+00, v7;
	v14 =	vperm.xlane v6, v0;
	v15 =	vsub.f32 $0.0e+00, v6  }
0x15e: {  	v16 =	vperm.xlane v8, v0;
	v17 =	vsub.f32 $0.0e+00, v8;
	v18 =	vperm.xlane v7, v0  }
0x15f: {  	v20 =	vperm.xlane v13, v0;
	v22 =	vsub.f32 $0.0e+00, v10;
	v24 =	vsub.f32 $0.0e+00, v11  }
0x160: {  	v9 =	vld [tilespmem:s2+$0x4000];
	v29 =	vperm.xlane v11, v0;
	v19 =	vmul.f32 $1.442695020e+00, v12;
	v18 =	vmax.f32 v7, v18  }
0x161: {  	v14 =	vmax.f32 v6, v14;
	v15 =	vmul.f32 $1.442695020e+00, v15;
	v23 =	vperm.xlane v18, v1  }
0x162: {  	v20 =	vmax.f32 v13, v20;
	v17 =	vmul.f32 $1.442695020e+00, v17;
	v22 =	vmul.f32 $1.442695020e+00, v22  }
0x163: {  	v24 =	vmul.f32 $1.442695020e+00, v24;
	v25 =	vperm.xlane v20, v1;
	v18 =	vmax.f32 v18, v23  }
0x164: {  	v12 =	vld [tilespmem:s2+$0x4180];
	v16 =	vmax.f32 v8, v16;
	(erf) = vpow2.f32 v15;
	v23 =	vperm.xlane v18, v2  }
0x165: {  	v21 =	vperm.xlane v14, v1;
	v15 =	vsub.f32 $0.0e+00, v9;
	v20 =	vmax.f32 v20, v25  }
0x166: {  	(erf) = vpow2.f32 v17;
	v28 =	vperm.xlane v20, v2;
	v18 =	vmax.f32 v18, v23  }
0x167: {  	v26 =	vsub.f32 $0.0e+00, v13;
	v17 =	vperm.xlane v16, v1;
	v23 =	vperm.xlane v18, v3  }
0x168: {  	v14 =	vmax.f32 v14, v21;
	v15 =	vmul.f32 $1.442695020e+00, v15;
	v20 =	vmax.f32 v20, v28  }
0x169: {  	v27 =	vsub.f32 $0.0e+00, v12;
	v28 =	vperm.xlane v20, v3;
	v18 =	vmax.f32 v18, v23  }
0x16a: {  	v25 =	vperm.xlane v12, v0;
	v23 =	vmul.f32 $1.442695020e+00, v26;
	vm0 =	veq.f32 v7, v18  }
0x16b: {  	v16 =	vmax.f32 v16, v17;
	v18 =	vmax.f32 v20, v28;
	v20 =	vmctz.xlane vm0  }
0x16c: {  	v26 =	vmul.f32 $1.442695020e+00, v27;
	vm0 =	veq.f32 v13, v18;
	(erf) = vpow2.f32 v23  }
0x16d: {  	v18 =	vmax.f32 v11, v29;
	v27 =	vpop (erf);
	v23 =	vmctz.xlane vm0;
	vm0 =	veq.s32 v20, v4  }
0x16e: {  	(erf) = vpow2.f32 v19;
	v19 =	vadd.f32 $1.000000000e+00, v27;
	v7 =	vsel vm0, $0xFF800000, v7  }
0x16f: {  	vm2 =	vne.s32 v20, v4;
	vm1 =	veq.s32 v23, v4;
	v27 =	vperm.xlane v7, v0  }
0x170: {  	v20 =	vmax.f32 v12, v25;
	v25 =	vperm.xlane v18, v1;
	v28 =	vsel vm1, $0xFF800000, v13  }
0x171: {  	(erf) = vpow2.f32 v15;
	v13 =	vperm.xlane v28, v0;
	v15 =	vmax.f32 v7, v27  }
0x172: {  	v29 =	vperm.xlane v16, v2;
	v18 =	vmax.f32 v18, v25;
	v21 =	vperm.xlane v15, v1  }
0x173: {  	vm3 =	vne.s32 v23, v4;
	v25 =	vperm.xlane v18, v2;
	v23 =	vmax.f32 v28, v13  }
0x174: {  	v16 =	vmax.f32 v16, v29;
	v17 =	vperm.xlane v23, v1;
	v15 =	vmax.f32 v15, v21  }
0x175: {  	(erf) = vpow2.f32 v26;
	v26 =	vpop (erf);
	v18 =	vmax.f32 v18, v25;
	v25 =	vperm.xlane v15, v2  }
0x176: {  	v27 =	vperm.xlane v14, v2;
	v17 =	vmax.f32 v23, v17;
	v23 =	vperm.xlane v18, v3;
	v21 =	vpop (erf)  }
0x177: {  	v21 =	vadd.f32 $1.000000000e+00, v21;
	v15 =	vmax.f32 v15, v25;
	v25 =	vperm.xlane v17, v2  }
0x178: {  	v26 =	vadd.f32 $1.000000000e+00, v26;
	v13 =	vsel vm3, $0x1, v5;
	v30 =	vperm.xlane v15, v3  }
0x179: {  	v14 =	vmax.f32 v14, v27;
	v18 =	vmax.f32 v18, v23;
	v17 =	vmax.f32 v17, v25  }
0x17a: {  	(erf) = vrcp.f32 v21;
	v15 =	vmax.f32 v15, v30;
	v25 =	vperm.xlane v17, v3  }
0x17b: {  	vm5 =	veq.f32 v11, v18;
	(erf) = vpow2.f32 v22;
	v21 =	vpop (erf);
	vm3 =	veq.f32 v7, v15  }
0x17c: {  	v7 =	vperm.xlane v16, v3;
	v23 =	vpop (erf);
	v15 =	vmctz.xlane vm3;
	v17 =	vmax.f32 v17, v25  }
0x17d: {  	v22 =	vperm.xlane v20, v1;
	v23 =	vadd.f32 $1.000000000e+00, v23;
	vm3 =	veq.f32 v28, v17  }
0x17e: {  	v7 =	vmax.f32 v16, v7;
	vm4 =	veq.s32 v15, v4;
	v15 =	vmctz.xlane vm3  }
0x17f: {  	v17 =	vmax.f32 v20, v22;
	v20 =	vperm.xlane v10, v0;
	vm3 =	veq.f32 v8, v7  }
0x180: {  	v16 =	vpop (erf);
	vm0 =	vmor vm0, vm4;
	vm4 =	veq.s32 v15, v4;
	v15 =	vperm.xlane v14, v3  }
0x181: {  	v16 =	vadd.f32 $1.000000000e+00, v16;
	(erf) = vrcp.f32 v23;
	v7 =	vmctz.xlane vm3  }
0x182: {  	v23 =	vperm.xlane v17, v2;
	(erf) = vpow2.f32 v24;
	vm7 =	vmor vm1, vm4  }
0x183: {  	(erf) = vrcp.f32 v19;
	v19 =	vmctz.xlane vm5;
	v18 =	vpop (erf);
	v14 =	vmax.f32 v14, v15  }
0x184: {  	vm1 =	veq.s32 v7, v4;
	vm3 =	veq.f32 v6, v14;
	v14 =	vadd.f32 $1.000000000e+00, v21;
	v15 =	vpop (erf)  }
0x185: {  	v8 =	vsel vm1, $0xFF800000, v8;
	v21 =	vperm.xlane v9, v0;
	v24 =	vadd.f32 $1.000000000e+00, v15  }
0x186: {  	v15 =	vmax.f32 v17, v23;
	v17 =	vmax.f32 v10, v20;
	(erf) = vrcp.f32 v14  }
0x187: {  	v20 =	vmctz.xlane vm3;
	v21 =	vmax.f32 v9, v21;
	v14 =	vperm.xlane v15, v3  }
0x188: {  	v23 =	vsel vm2, $0x1, v5;
	(erf) = vrcp.f32 v16;
	v25 =	vperm.xlane v17, v1  }
0x189: {  	vm3 =	veq.s32 v19, v4;
	v16 =	vperm.xlane v8, v0;
	v28 =	vperm.xlane v21, v1  }
0x18a: {  	vm5 =	veq.s32 v20, v4;
	v14 =	vmax.f32 v15, v14;
	v15 =	vmax.f32 v17, v25  }
0x18b: {  	(erf) = vrcp.f32 v26;
	v16 =	vmax.f32 v8, v16;
	v25 =	vperm.xlane v15, v2  }
0x18c: {  	v26 =	vsel vm5, $0xFF800000, v6;
	vm2 =	veq.f32 v12, v14;
	v27 =	vperm.xlane v16, v1  }
0x18d: {  	v14 =	vperm.xlane v26, v0;
	v17 =	vmctz.xlane vm2;
	v15 =	vmax.f32 v15, v25  }
0x18e: {  	s12 =	simm.s32 $0x300;
	v6 =	vpop (erf);
	v21 =	vmax.f32 v21, v28;
	v16 =	vmax.f32 v16, v27;
	v27 =	vperm.xlane v15, v3  }
0x18f: {  	v29 =	vmax.f32 v26, v14;
	v14 =	vor.u32 s12, v23;
	vm4 =	vne.s32 v17, v4;
	v25 =	vpop (erf)  }
0x190: {  	vm2 =	veq.s32 v17, v4;
	v17 =	vadd.f32 $1.000000000e+00, v25;
	v25 =	vmax.f32 v15, v27  }
0x191: {  	v23 =	vperm.xlane v16, v2;
	v27 =	vperm.xlane v21, v2;
	vm6 =	veq.f32 v10, v25  }
0x192: {  	v15 =	vsel vm2, $0xFF800000, v12;
	v12 =	vsel vm4, $0x1, v5;
	v28 =	vmctz.xlane vm6  }
0x193: {  	vm4 =	vne.s32 v19, v4;
	v19 =	vmax.f32 v16, v23;
	v16 =	vmax.f32 v21, v27  }
0x194: {  	s13 =	simm.s32 $0x380;
	v11 =	vsel vm3, $0xFF800000, v11;
	v23 =	vperm.xlane v16, v3;
	vm8 =	veq.s32 v28, v4  }
0x195: {  	v13 =	vor.u32 s13, v13;
	v30 =	vperm.xlane v11, v0;
	v10 =	vsel vm8, $0xFF800000, v10  }
0x196: {  	v25 =	vperm.xlane v15, v0;
	v16 =	vmax.f32 v16, v23;
	v23 =	vperm.xlane v10, v0  }
0x197: {  	(erf) = vrcp.f32 v24;
	v21 =	vperm.xlane v29, v1;
	v27 =	vsel vm4, $0x1, v5  }
0x198: {  	(erf) = vrcp.f32 v17;
	v25 =	vmax.f32 v15, v25;
	v23 =	vmax.f32 v10, v23  }
0x199: {  	v21 =	vmax.f32 v29, v21;
	v29 =	vmax.f32 v11, v30;
	v31 =	vperm.xlane v23, v1  }
0x19a: {  	v30 =	vperm.xlane v21, v2;
	v24 =	vperm.xlane v29, v1;
	vm4 =	veq.f32 v9, v16  }
0x19b: {  	vm6 =	vne.s32 v28, v4;
	v16 =	vmctz.xlane vm4;
	v23 =	vmax.f32 v23, v31  }
0x19c: {  	v21 =	vmax.f32 v21, v30;
	v24 =	vmax.f32 v29, v24;
	v30 =	vperm.xlane v23, v2  }
0x19d: {  	v28 =	vperm.xlane v21, v3;
	v63 =	vperm.xlane v24, v2;
	vm4 =	veq.s32 v16, v4  }
0x19e: {  	v29 =	vsel vm6, $0x1, v5;
	v9 =	vsel vm4, $0xFF800000, v9;
	v23 =	vmax.f32 v23, v30  }
0x19f: {  	v21 =	vmax.f32 v21, v28;
	v24 =	vmax.f32 v24, v63;
	v28 =	vperm.xlane v23, v3  }
0x1a0: {  	v17 =	vperm.xlane v9, v0;
	vm6 =	veq.f32 v26, v21;
	v26 =	vperm.xlane v24, v3  }
0x1a1: {  	v30 =	vmctz.xlane vm6;
	vm6 =	vne.s32 v16, v4;
	v16 =	vmax.f32 v23, v28  }
0x1a2: {  	v31 =	vperm.xlane v25, v1;
	v21 =	vsel vm6, $0x1, v5;
	vm6 =	veq.f32 v10, v16  }
0x1a3: {  	v17 =	vmax.f32 v9, v17;
	v23 =	vmax.f32 v24, v26;
	v16 =	vmctz.xlane vm6  }
0x1a4: {  	v22 =	vnsel vm7, $0x0, v18;
	vm6 =	veq.f32 v11, v23;
	v11 =	vperm.xlane v17, v1  }
0x1a5: {  	v25 =	vmax.f32 v25, v31;
	v10 =	vmctz.xlane vm6;
	vm6 =	veq.s32 v30, v4  }
0x1a6: {  	s20 =	simm.s32 $0x100;
	[tilespmem:s2+$0xC380] =	vst v22;
	v23 =	vperm.xlane v25, v2;
	vm6 =	vmor vm5, vm6;
	v22 =	vmax.f32 v17, v11  }
0x1a7: {  	[tilespmem:v13+s22+$0x0] =	vst.idx.msk vm7, v18;
	vm5 =	veq.s32 v16, v4;
	v17 =	vor.u32 s20, v27;
	v18 =	vperm.xlane v22, v2;
	v16 =	vpop (erf)  }
0x1a8: {  	vm5 =	vmor vm8, vm5;
	vm8 =	vne.s32 v20, v4;
	v20 =	vmax.f32 v25, v23;
	v30 =	vpop (erf)  }
0x1a9: {  	[tilespmem:v13+s23+$0x0] =	vst.idx.msk vm7, v4;
	v23 =	vperm.xlane v19, v3;
	v25 =	vperm.xlane v20, v3;
	v28 =	vnsel vm6, $0x0, v16;
	v13 =	vpop (erf)  }
0x1aa: {  	s29 =	simm.s32 $0x200;
	v24 =	vsel vm8, $0x1, v5;
	v26 =	vmax.f32 v22, v18;
	v31 =	vnsel vm0, $0x0, v30;
	[tilespmem:s2+$0xC200] =	vst v28;
	v11 =	vpop (erf)  }
0x1ab: {  	s24 =	simm.s32 $0x80;
	v24 =	vor.u32 s29, v24;
	v25 =	vmax.f32 v20, v25;
	v27 =	vperm.xlane v26, v3;
	[tilespmem:s2+$0xC300] =	vst v31;
	v18 =	vpop (erf)  }
0x1ac: {  	s4 =	simm.s32 $0x1000;
	s6 =	simm.s32 $0x0;
	s3 =	simm.s32 $0x8;
	v28 =	vmax.f32 v19, v23;
	v20 =	vor.u32 s24, v29;
	[tilespmem:v14+s22+$0x0] =	vst.idx.msk vm0, v30;
	v19 =	vpop (erf);
	v23 =	vnsel vm5, $0x0, v18  }
.LBB2_4:
0x1ad: {  	s7 =	sshra.s32 s4, $0x2  }
0x1ae: {  	p0 =	slt.u32 s3, $0x78;
	v26 =	vmax.f32 v26, v27;
	vm7 =	veq.s32 v10, v4;
	vm8 =	veq.f32 v8, v28;
	s5 =	smov.u32 s3;
	s3 =	sadd.s32 $0x8, s3  }
0x1af: {  	vm10 =	vne.s32 v7, v4;
	v22 =	vld [tilespmem:s7+$0x4380];
	vm9 =	veq.f32 v9, v26;
	v7 =	vmctz.xlane vm8  }
0x1b0: {  	vm8 =	veq.f32 v15, v25;
	v15 =	vsel vm10, $0x1, v5;
	v26 =	vld [tilespmem:s7+$0x4300];
	v9 =	vmctz.xlane vm9;
	[tilespmem:v14+s23+$0x0] =	vst.idx.msk vm0, v4  }
0x1b1: {  	vm3 =	vmor vm3, vm7;
	v25 =	vmctz.xlane vm8;
	v14 =	vld [tilespmem:s7+$0x4200];
	vm0 =	veq.s32 v7, v4  }
0x1b2: {  	v7 =	vnsel vm3, $0x0, v19;
	v8 =	vld [tilespmem:s7+$0x4280];
	vm7 =	veq.s32 v9, v4;
	vm1 =	vmor vm1, vm0  }
0x1b3: {  	v21 =	vor.u32 s6, v21;
	s8 =	sadd.s32 $0x180, s6;
	v10 =	vld [tilespmem:s7+$0x4080];
	vm0 =	vmor vm4, vm7;
	[tilespmem:v24+s22+$0x0] =	vst.idx.msk vm6, v16;
	v16 =	vnsel vm1, $0x0, v11  }
0x1b4: {  	s6 =	sadd.s32 $0x280, s6;
	vm4 =	veq.s32 v25, v4;
	v25 =	vor.u32 s8, v12;
	v9 =	vld [tilespmem:s7+$0x4000];
	v27 =	vnsel vm0, $0x0, v6;
	[tilespmem:s2+$0xC280] =	vst v16  }
0x1b5: {  	vm2 =	vmor vm2, vm4;
	v12 =	vld [tilespmem:s7+$0x4180];
	v16 =	vsub.f32 $0.0e+00, v26;
	[tilespmem:v24+s23+$0x0] =	vst.idx.msk vm6, v4;
	v24 =	vor.u32 s6, v15  }
0x1b6: {  	v15 =	vld [tilespmem:s7+$0x4100];
	v28 =	vperm.xlane v14, v0;
	v29 =	vsub.f32 $0.0e+00, v14;
	[tilespmem:s2+$0xC100] =	vst v7;
	v7 =	vnsel vm2, $0x0, v13  }
0x1b7: {  	v32 =	vperm.xlane v26, v0;
	v30 =	vperm.xlane v8, v0;
	v31 =	vsub.f32 $0.0e+00, v8;
	[tilespmem:s2+$0xC080] =	vst v23  }
0x1b8: {  	v16 =	vmul.f32 $1.442695020e+00, v16;
	v23 =	vmax.f32 v14, v28;
	v28 =	vperm.xlane v22, v0;
	[tilespmem:v20+s22+$0x0] =	vst.idx.msk vm5, v18  }
0x1b9: {  	v32 =	vmax.f32 v26, v32;
	v29 =	vmul.f32 $1.442695020e+00, v29;
	v18 =	vperm.xlane v23, v1;
	[tilespmem:s2+$0xC000] =	vst v27  }
0x1ba: {  	v33 =	vperm.xlane v32, v1;
	v27 =	vsub.f32 $0.0e+00, v10;
	v28 =	vmax.f32 v22, v28;
	[tilespmem:s2+$0xC180] =	vst v7;
	s2 =	smov.u32 s7  }
0x1bb: {  	v35 =	vsub.f32 $0.0e+00, v22;
	v7 =	vsub.f32 $0.0e+00, v15;
	v34 =	vperm.xlane v28, v1;
	[tilespmem:v25+s22+$0x0] =	vst.idx.msk vm2, v13  }
0x1bc: {  	v13 =	vmul.f32 $1.442695020e+00, v31;
	v31 =	vmax.f32 v32, v33;
	(erf) = vpow2.f32 v29;
	[tilespmem:v25+s23+$0x0] =	vst.idx.msk vm2, v4  }
0x1bd: {  	v25 =	vsub.f32 $0.0e+00, v9;
	v29 =	vperm.xlane v31, v2;
	v28 =	vmax.f32 v28, v34;
	[tilespmem:v17+s22+$0x0] =	vst.idx.msk vm3, v19  }
0x1be: {  	v32 =	vsub.f32 $0.0e+00, v12;
	v19 =	vperm.xlane v12, v0;
	v33 =	vperm.xlane v28, v2;
	[tilespmem:v17+s23+$0x0] =	vst.idx.msk vm3, v4  }
0x1bf: {  	v17 =	vmul.f32 $1.442695020e+00, v25;
	v25 =	vperm.xlane v15, v0;
	v29 =	vmax.f32 v31, v29;
	[tilespmem:v24+s22+$0x0] =	vst.idx.msk vm1, v11  }
0x1c0: {  	v11 =	vmul.f32 $1.442695020e+00, v27;
	v27 =	vperm.xlane v29, v3;
	v28 =	vmax.f32 v28, v33;
	[tilespmem:v24+s23+$0x0] =	vst.idx.msk vm1, v4  }
0x1c1: {  	v24 =	vmax.f32 v8, v30;
	v30 =	vperm.xlane v28, v3;
	(erf) = vpow2.f32 v13;
	[tilespmem:v20+s23+$0x0] =	vst.idx.msk vm5, v4  }
0x1c2: {  	v13 =	vperm.xlane v24, v1;
	v20 =	vmax.f32 v29, v27;
	v29 =	vmul.f32 $1.442695020e+00, v35;
	[tilespmem:v21+s22+$0x0] =	vst.idx.msk vm0, v6  }
0x1c3: {  	v6 =	vmul.f32 $1.442695020e+00, v32;
	vm1 =	veq.f32 v26, v20;
	v20 =	vmax.f32 v28, v30;
	[tilespmem:v21+s23+$0x0] =	vst.idx.msk vm0, v4  }
0x1c4: {  	v21 =	vmctz.xlane vm1;
	vm0 =	veq.f32 v22, v20;
	(erf) = vpow2.f32 v29  }
0x1c5: {  	v20 =	vmax.f32 v15, v25;
	v25 =	vmctz.xlane vm0;
	v27 =	vpop (erf);
	(erf) = vpow2.f32 v16  }
0x1c6: {  	vm2 =	vne.s32 v21, v4;
	vm0 =	veq.s32 v21, v4;
	v16 =	vadd.f32 $1.000000000e+00, v27  }
0x1c7: {  	v19 =	vmax.f32 v12, v19;
	v21 =	vsel vm0, $0xFF800000, v26;
	vm1 =	veq.s32 v25, v4  }
0x1c8: {  	v26 =	vperm.xlane v20, v1;
	v27 =	vperm.xlane v21, v0;
	v22 =	vsel vm1, $0xFF800000, v22  }
0x1c9: {  	vm3 =	vne.s32 v25, v4;
	v25 =	vperm.xlane v22, v0;
	(erf) = vpow2.f32 v17  }
0x1ca: {  	v18 =	vmax.f32 v23, v18;
	v17 =	vmax.f32 v21, v27;
	(erf) = vpow2.f32 v6;
	v6 =	vpop (erf)  }
0x1cb: {  	v20 =	vmax.f32 v20, v26;
	v23 =	vperm.xlane v17, v1;
	v25 =	vmax.f32 v22, v25  }
0x1cc: {  	v13 =	vmax.f32 v24, v13;
	v26 =	vperm.xlane v20, v2;
	v24 =	vperm.xlane v25, v1  }
0x1cd: {  	v27 =	vperm.xlane v18, v2;
	v23 =	vmax.f32 v17, v23;
	v17 =	vsel vm3, $0x1, v5;
	v28 =	vpop (erf)  }
0x1ce: {  	v20 =	vmax.f32 v20, v26;
	v26 =	vperm.xlane v23, v2;
	v24 =	vmax.f32 v25, v24;
	v25 =	vpop (erf)  }
0x1cf: {  	v30 =	vperm.xlane v13, v2;
	v29 =	vperm.xlane v20, v3;
	v28 =	vadd.f32 $1.000000000e+00, v28  }
0x1d0: {  	v7 =	vmul.f32 $1.442695020e+00, v7;
	v23 =	vmax.f32 v23, v26;
	v32 =	vperm.xlane v24, v2  }
0x1d1: {  	v31 =	vadd.f32 $1.000000000e+00, v6;
	v6 =	vperm.xlane v23, v3;
	(erf) = vrcp.f32 v28  }
0x1d2: {  	v13 =	vmax.f32 v13, v30;
	v20 =	vmax.f32 v20, v29;
	v24 =	vmax.f32 v24, v32;
	v26 =	vpop (erf)  }
0x1d3: {  	v18 =	vmax.f32 v18, v27;
	v6 =	vmax.f32 v23, v6;
	v23 =	vperm.xlane v24, v3;
	v27 =	vpop (erf)  }
0x1d4: {  	v26 =	vadd.f32 $1.000000000e+00, v26;
	vm3 =	veq.f32 v21, v6;
	(erf) = vpow2.f32 v11  }
0x1d5: {  	v6 =	vperm.xlane v13, v3;
	v11 =	vmctz.xlane vm3;
	v21 =	vmax.f32 v24, v23  }
0x1d6: {  	v23 =	vperm.xlane v19, v1;
	vm3 =	veq.f32 v22, v21;
	(erf) = vrcp.f32 v26  }
0x1d7: {  	vm4 =	veq.s32 v11, v4;
	v11 =	vmctz.xlane vm3;
	(erf) = vpow2.f32 v7  }
0x1d8: {  	v6 =	vmax.f32 v13, v6;
	v22 =	vmax.f32 v19, v23;
	vm0 =	vmor vm0, vm4  }
0x1d9: {  	v13 =	vperm.xlane v10, v0;
	vm3 =	veq.f32 v8, v6;
	vm4 =	veq.s32 v11, v4  }
0x1da: {  	vm6 =	veq.f32 v15, v20;
	v20 =	vperm.xlane v18, v3;
	vm5 =	vmor vm1, vm4;
	v19 =	vpop (erf)  }
0x1db: {  	v7 =	vmctz.xlane vm3;
	v21 =	vnsel vm5, $0x0, v19;
	(erf) = vrcp.f32 v16  }
0x1dc: {  	v18 =	vmax.f32 v18, v20;
	v23 =	vmctz.xlane vm6;
	v11 =	vperm.xlane v22, v2  }
0x1dd: {  	vm3 =	veq.f32 v14, v18;
	vm1 =	veq.s32 v7, v4;
	v16 =	vadd.f32 $1.000000000e+00, v25;
	v6 =	vpop (erf)  }
0x1de: {  	v18 =	vperm.xlane v9, v0;
	v11 =	vmax.f32 v22, v11;
	v24 =	vadd.f32 $1.000000000e+00, v6  }
0x1df: {  	v13 =	vmax.f32 v10, v13;
	v22 =	vadd.f32 $1.000000000e+00, v27;
	v6 =	vpop (erf);
	(erf) = vrcp.f32 v16  }
0x1e0: {  	v20 =	vmctz.xlane vm3;
	v8 =	vsel vm1, $0xFF800000, v8;
	v16 =	vperm.xlane v11, v3;
	v25 =	vpop (erf)  }
0x1e1: {  	v26 =	vsel vm2, $0x1, v5;
	v18 =	vmax.f32 v9, v18;
	(erf) = vrcp.f32 v22  }
0x1e2: {  	vm6 =	veq.s32 v20, v4;
	v22 =	vperm.xlane v8, v0;
	(erf) = vrcp.f32 v31  }
0x1e3: {  	v27 =	vperm.xlane v13, v1;
	v28 =	vsel vm6, $0xFF800000, v14;
	v11 =	vmax.f32 v11, v16  }
0x1e4: {  	vm2 =	veq.f32 v12, v11;
	v11 =	vperm.xlane v28, v0;
	v14 =	vmax.f32 v8, v22;
	v16 =	vpop (erf)  }
0x1e5: {  	v13 =	vmax.f32 v13, v27;
	v31 =	vmctz.xlane vm2;
	v27 =	vperm.xlane v14, v1  }
0x1e6: {  	s6 =	sshll.u32 s5, $0x7;
	vm3 =	veq.s32 v23, v4;
	v29 =	vperm.xlane v18, v1;
	v30 =	vmax.f32 v28, v11  }
0x1e7: {  	s5 =	sadd.s32 $0x300, s6;
	v11 =	vperm.xlane v13, v2;
	vm4 =	vne.s32 v31, v4;
	v27 =	vmax.f32 v14, v27  }
0x1e8: {  	v18 =	vmax.f32 v18, v29;
	vm2 =	veq.s32 v31, v4;
	v14 =	vor.u32 s5, v26;
	v22 =	vpop (erf)  }
0x1e9: {  	v25 =	vadd.f32 $1.000000000e+00, v25;
	v26 =	vmax.f32 v13, v11;
	v29 =	vperm.xlane v27, v2  }
0x1ea: {  	v32 =	vsel vm3, $0xFF800000, v15;
	v15 =	vsel vm2, $0xFF800000, v12;
	v31 =	vperm.xlane v26, v3;
	v13 =	vpop (erf)  }
0x1eb: {  	v33 =	vperm.xlane v18, v2;
	v12 =	vsel vm4, $0x1, v5;
	v34 =	vperm.xlane v15, v0;
	v11 =	vpop (erf)  }
0x1ec: {  	vm4 =	vne.s32 v23, v4;
	v26 =	vmax.f32 v26, v31;
	v23 =	vmax.f32 v27, v29  }
0x1ed: {  	v18 =	vmax.f32 v18, v33;
	v27 =	vsel vm4, $0x1, v5;
	v29 =	vperm.xlane v30, v1  }
0x1ee: {  	v31 =	vperm.xlane v18, v3;
	vm4 =	veq.f32 v10, v26;
	v26 =	vperm.xlane v32, v0  }
0x1ef: {  	v33 =	vmctz.xlane vm4;
	v29 =	vmax.f32 v30, v29;
	v30 =	vperm.xlane v23, v3  }
0x1f0: {  	v18 =	vmax.f32 v18, v31;
	v26 =	vmax.f32 v32, v26;
	v31 =	vperm.xlane v29, v2  }
0x1f1: {  	vm4 =	veq.f32 v9, v18;
	vm7 =	veq.s32 v33, v4;
	(erf) = vrcp.f32 v24  }
0x1f2: {  	v18 =	vperm.xlane v26, v1;
	v10 =	vsel vm7, $0xFF800000, v10;
	v24 =	vmctz.xlane vm4  }
0x1f3: {  	v34 =	vmax.f32 v15, v34;
	v29 =	vmax.f32 v29, v31;
	v35 =	vperm.xlane v10, v0  }
0x1f4: {  	vm8 =	vne.s32 v33, v4;
	v18 =	vmax.f32 v26, v18;
	vm4 =	veq.s32 v24, v4  }
0x1f5: {  	v31 =	vperm.xlane v29, v3;
	v26 =	vmax.f32 v10, v35;
	v9 =	vsel vm4, $0xFF800000, v9  }
0x1f6: {  	v36 =	vperm.xlane v34, v1;
	v35 =	vsel vm8, $0x1, v5;
	v33 =	vperm.xlane v26, v1  }
0x1f7: {  	s5 =	sadd.s32 $0x380, s6;
	v37 =	vperm.xlane v18, v2;
	v29 =	vmax.f32 v29, v31;
	(erf) = vrcp.f32 v25  }
0x1f8: {  	v31 =	vor.u32 s5, v17;
	v26 =	vmax.f32 v26, v33;
	v25 =	vperm.xlane v9, v0  }
0x1f9: {  	v34 =	vmax.f32 v34, v36;
	vm8 =	veq.f32 v28, v29;
	v33 =	vperm.xlane v26, v2  }
0x1fa: {  	s5 =	sadd.s32 $0x100, s6;
	v28 =	vmax.f32 v18, v37;
	v29 =	vmctz.xlane vm8;
	v25 =	vmax.f32 v9, v25;
	v18 =	vpop (erf)  }
0x1fb: {  	v17 =	vor.u32 s5, v27;
	v27 =	vperm.xlane v34, v2;
	v36 =	vperm.xlane v25, v1  }
0x1fc: {  	vm8 =	vne.s32 v24, v4;
	v24 =	vmax.f32 v26, v33;
	v26 =	vperm.xlane v28, v3  }
0x1fd: {  	v27 =	vmax.f32 v34, v27;
	vm9 =	veq.s32 v29, v4;
	v33 =	vperm.xlane v24, v3;
	[tilespmem:s2+$0xC380] =	vst v21  }
0x1fe: {  	v26 =	vmax.f32 v28, v26;
	v25 =	vmax.f32 v25, v36;
	v21 =	vsel vm8, $0x1, v5;
	[tilespmem:v31+s22+$0x0] =	vst.idx.msk vm5, v19  }
0x1ff: {  	v33 =	vmax.f32 v24, v33;
	v28 =	vperm.xlane v25, v2;
	vm8 =	veq.f32 v32, v26  }
0x200: {  	v29 =	vnsel vm0, $0x0, v22;
	v24 =	vperm.xlane v27, v3;
	vm10 =	veq.f32 v10, v33;
	[tilespmem:v31+s23+$0x0] =	vst.idx.msk vm5, v4;
	v19 =	vpop (erf)  }
.Ltmp1:
0x201: {  	vm6 =	vmor vm6, vm9;
	v10 =	vmctz.xlane vm8;
	v31 =	vmctz.xlane vm10;
	(pc) =	sbr.rel @p0 .LBB2_4-.Ltmp1, $4  }
0x202: {  	v26 =	vmax.f32 v25, v28;
	v25 =	vmax.f32 v27, v24;
	v24 =	vnsel vm6, $0x0, v16  }
0x203: {  	vm8 =	vne.s32 v20, v4;
	v27 =	vperm.xlane v26, v3;
	vm5 =	veq.s32 v31, v4;
	[tilespmem:s2+$0xC200] =	vst v24  }
0x204: {  	s7 =	sadd.s32 $0x200, s6;
	s5 =	sadd.s32 $0x80, s6;
	v28 =	vmax.f32 v23, v30;
	vm5 =	vmor vm7, vm5;
	v24 =	vsel vm8, $0x1, v5;
	[tilespmem:s2+$0xC300] =	vst v29  }
0x205: {  	s4 =	sadd.s32 $0x1000, s4;
	v20 =	vor.u32 s5, v35;
	v23 =	vnsel vm5, $0x0, v18;
	v24 =	vor.u32 s7, v24;
	[tilespmem:v14+s22+$0x0] =	vst.idx.msk vm0, v22  }
0x206: {  	_ =	sdelay $0x3  }
0x207: {  	vm7 =	veq.f32 v8, v28  }
0x208: {  	[tilespmem:v14+s23+$0x0] =	vst.idx.msk vm0, v4;
	v8 =	vmctz.xlane vm7  }
0x209: {  	[tilespmem:v24+s22+$0x0] =	vst.idx.msk vm6, v16;
	vm7 =	veq.f32 v15, v25  }
0x20a: {  	[tilespmem:s2+$0xC080] =	vst v23;
	v14 =	vmctz.xlane vm7;
	vm8 =	veq.s32 v8, v4;
	v8 =	vmax.f32 v26, v27  }
0x20b: {  	[tilespmem:v24+s23+$0x0] =	vst.idx.msk vm6, v4;
	vm0 =	vmor vm1, vm8;
	vm1 =	veq.s32 v10, v4;
	vm7 =	veq.f32 v9, v8  }
0x20c: {  	[tilespmem:v20+s22+$0x0] =	vst.idx.msk vm5, v18;
	v9 =	vmctz.xlane vm7;
	vm1 =	vmor vm3, vm1;
	vm3 =	veq.s32 v14, v4  }
0x20d: {  	s3 =	sadd.s32 $0x180, s6;
	[tilespmem:v20+s23+$0x0] =	vst.idx.msk vm5, v4;
	v8 =	vnsel vm0, $0x0, v11;
	vm2 =	vmor vm2, vm3  }
0x20e: {  	[tilespmem:s2+$0xC280] =	vst v8;
	v8 =	vnsel vm1, $0x0, v19;
	vm3 =	veq.s32 v9, v4;
	v9 =	vor.u32 s3, v12  }
0x20f: {  	[tilespmem:s2+$0xC100] =	vst v8;
	v10 =	vnsel vm2, $0x0, v13;
	vm3 =	vmor vm4, vm3;
	vm4 =	vne.s32 v7, v4  }
0x210: {  	s7 =	sadd.s32 $0x280, s6;
	[tilespmem:s2+$0xC180] =	vst v10;
	v7 =	vnsel vm3, $0x0, v6;
	v8 =	vsel vm4, $0x1, v5  }
0x211: {  	[tilespmem:s2+$0xC000] =	vst v7;
	v7 =	vor.u32 s7, v8  }
0x212: {  	v8 =	vor.u32 s6, v21;
	[tilespmem:v17+s22+$0x0] =	vst.idx.msk vm1, v19  }
0x213: {  	[tilespmem:v9+s22+$0x0] =	vst.idx.msk vm2, v13  }
0x214: {  	[tilespmem:v17+s23+$0x0] =	vst.idx.msk vm1, v4  }
0x215: {  	[tilespmem:v9+s23+$0x0] =	vst.idx.msk vm2, v4  }
0x216: {  	[tilespmem:v7+s22+$0x0] =	vst.idx.msk vm0, v11  }
0x217: {  	[tilespmem:v8+s22+$0x0] =	vst.idx.msk vm3, v6  }
0x218: {  	[tilespmem:v7+s23+$0x0] =	vst.idx.msk vm0, v4  }
0x219: {  	[tilespmem:v8+s23+$0x0] =	vst.idx.msk vm3, v4  }
0x21a: {  	s8 =	simm.s32 $0x0;
	s4 =	simm.s32 $0xC000;
	s9 =	rddreg [dreg:$0x8]  }
0x21b: {  	[hbm4b:s9+s8] =	stream.linear.scatter [tilespmem:s4], [sflag:$0x4], $0x4000, $0x38;
	[tilespmem:$0x18000] =	vst v63  }
0x21c: {  	s10 =	rddreg [dreg:$0x9]  }
0x21d: {  	[hbm4b:s10+s8] =	stream.linear.scatter [tilespmem:s22], [sflag:$0x5], $0x4000, $0x38;
	[tilespmem:$0x18000] =	vst v63  }
0x21e: {  	s11 =	rddreg [dreg:$0xa]  }
0x21f: {  	[hbm4b:s11+s8] =	stream.linear.scatter [tilespmem:s23], [sflag:$0x6], $0x4000, $0x38;
	[tilespmem:$0x18000] =	vst v63  }
0x220: {  	s13 =	simm.s32 $0x4000;
	s12 =	rddreg [dreg:$0xb]  }
0x221: {  	[tilespmem:s13], [sflag:$0x2] =	stream.linear.gather [hbm4b:s12+s8], $0x4000, $0x38;
	[tilespmem:$0x18000] =	vst v63  }
0x222: {  	_ =	swait.ge [sflag:s21], $0x4000  }
0x223: {  	[sflag:s21] =	ssyncset.done $0x0  }
0x224: {  	[sflag:s21] =	ssyncadd.s32 $0xFFFFC000  }
0x225: {  	_ =	swait.ge [sflag:s30], $0x4000  }
0x226: {  	[sflag:s30] =	ssyncset.done $0x0  }
0x227: {  	[sflag:s30] =	ssyncadd.s32 $0xFFFFC000  }
0x228: {  	_ =	swait.ge [sflag:s26], $0x4000  }
0x229: {  	[sflag:s26] =	ssyncset.done $0x0  }
0x22a: {  	[sflag:s26] =	ssyncadd.s32 $0xFFFFC000  }
0x22b: {  	_ =	swait.ge [sflag:s28], $0x4000  }
0x22c: {  	[sflag:s28] =	ssyncset.done $0x0  }
0x22d: {  	s20 =	simm.s32 $0x200;
	[sflag:s28] =	ssyncadd.s32 $0xFFFFC000  }
0x22e: {  	v6 =	vld [tilespmem:s20+$0x180]  }
0x22f: {  	v18 =	vld [tilespmem:s20+$0xFFFFFE80]  }
0x230: {  	v19 =	vld [tilespmem:s20+$0xFFFFFF00]  }
0x231: {  	v14 =	vld [tilespmem:s20+$0xFFFFFF80]  }
0x232: {  	v15 =	vld [tilespmem:s20+$0x0]  }
0x233: {  	v9 =	vld [tilespmem:s20+$0x80]  }
0x234: {  	v22 =	vld [tilespmem:s20+$0xFFFFFE00];
	_ =	sdelay $0x2  }
0x235: {  	v7 =	vperm.xlane v6, v0;
	v8 =	vperm.xlane v18, v0;
	v10 =	vsub.f32 $0.0e+00, v18  }
0x236: {  	v12 =	vperm.xlane v19, v0;
	v13 =	vsub.f32 $0.0e+00, v19;
	v17 =	vperm.xlane v14, v0  }
0x237: {  	v51 =	vperm.xlane v15, v0;
	v52 =	vperm.xlane v9, v0;
	v56 =	vsub.f32 $0.0e+00, v22  }
0x238: {  	v25 =	vperm.xlane v22, v0;
	v31 =	vsub.f32 $0.0e+00, v14;
	v60 =	vsub.f32 $0.0e+00, v15  }
0x239: {  	v11 =	vld [tilespmem:s20+$0x100];
	v37 =	vsub.f32 $0.0e+00, v9;
	v7 =	vmax.f32 v6, v7;
	v8 =	vmax.f32 v18, v8  }
0x23a: {  	v12 =	vmax.f32 v19, v12;
	v21 =	vmax.f32 v15, v51;
	v16 =	vperm.xlane v7, v1  }
0x23b: {  	v23 =	vmax.f32 v9, v52;
	v62 =	vmul.f32 $1.442695020e+00, v56;
	v20 =	vperm.xlane v8, v1  }
0x23c: {  	v63 =	vmul.f32 $1.442695020e+00, v60;
	v53 =	vperm.xlane v21, v1;
	v7 =	vmax.f32 v7, v16  }
0x23d: {  	v8 =	vmax.f32 v8, v20;
	v20 =	vperm.xlane v23, v1;
	v24 =	vperm.xlane v7, v2  }
0x23e: {  	v26 =	vperm.xlane v12, v1;
	v16 =	vmax.f32 v14, v17;
	v17 =	vperm.xlane v11, v0  }
0x23f: {  	v21 =	vmax.f32 v21, v53;
	v20 =	vmax.f32 v23, v20;
	v7 =	vmax.f32 v7, v24  }
0x240: {  	v24 =	vmax.f32 v22, v25;
	v55 =	vperm.xlane v20, v2;
	v25 =	vperm.xlane v7, v3  }
0x241: {  	v27 =	vperm.xlane v16, v1;
	v17 =	vmax.f32 v11, v17;
	v29 =	vperm.xlane v24, v1  }
0x242: {  	v30 =	vperm.xlane v17, v1;
	v20 =	vmax.f32 v20, v55;
	v7 =	vmax.f32 v7, v25  }
0x243: {  	v25 =	vsub.f32 $0.0e+00, v6;
	v24 =	vmax.f32 v24, v29;
	v33 =	vperm.xlane v20, v3  }
0x244: {  	vm0 =	veq.f32 v6, v7;
	v7 =	vmax.f32 v12, v26;
	v54 =	vperm.xlane v24, v2  }
0x245: {  	v12 =	vmax.f32 v16, v27;
	v16 =	vmctz.xlane vm0;
	v25 =	vmul.f32 $1.442695020e+00, v25  }
0x246: {  	v17 =	vmax.f32 v17, v30;
	v26 =	vperm.xlane v7, v2;
	v27 =	vperm.xlane v12, v2  }
0x247: {  	v20 =	vmax.f32 v20, v33;
	v23 =	vmax.f32 v24, v54;
	vm0 =	veq.s32 v16, v4  }
0x248: {  	(erf) = vpow2.f32 v25;
	v25 =	vperm.xlane v8, v2;
	v7 =	vmax.f32 v7, v26  }
0x249: {  	v26 =	vperm.xlane v17, v2;
	v12 =	vmax.f32 v12, v27;
	v6 =	vsel vm0, $0xFF800000, v6  }
0x24a: {  	v24 =	vperm.xlane v6, v0;
	v8 =	vmax.f32 v8, v25;
	v25 =	vperm.xlane v21, v2  }
0x24b: {  	vm6 =	vne.s32 v16, v4;
	v58 =	vperm.xlane v12, v3;
	v17 =	vmax.f32 v17, v26  }
0x24c: {  	v24 =	vmax.f32 v6, v24;
	v21 =	vmax.f32 v21, v25;
	v25 =	vperm.xlane v23, v3  }
0x24d: {  	v26 =	vperm.xlane v8, v3;
	v12 =	vmax.f32 v12, v58;
	v27 =	vperm.xlane v24, v1  }
0x24e: {  	v35 =	vperm.xlane v17, v3;
	vm4 =	veq.f32 v14, v12;
	v23 =	vmax.f32 v23, v25  }
0x24f: {  	v25 =	vsub.f32 $0.0e+00, v11;
	v24 =	vmax.f32 v24, v27;
	v27 =	vperm.xlane v7, v3  }
0x250: {  	v32 =	vperm.xlane v21, v3;
	v8 =	vmax.f32 v8, v26;
	v57 =	vperm.xlane v24, v2  }
0x251: {  	v26 =	vmul.f32 $1.442695020e+00, v13;
	v25 =	vmul.f32 $1.442695020e+00, v25;
	v34 =	vpop (erf);
	v7 =	vmax.f32 v7, v27  }
0x252: {  	v24 =	vmax.f32 v24, v57;
	v59 =	vadd.f32 $1.000000000e+00, v34;
	vm3 =	veq.f32 v19, v7  }
0x253: {  	v17 =	vmax.f32 v17, v35;
	v36 =	vperm.xlane v24, v3;
	v12 =	vmctz.xlane vm3  }
0x254: {  	vm2 =	veq.f32 v18, v8;
	v27 =	vmul.f32 $1.442695020e+00, v31;
	(erf) = vrcp.f32 v59  }
0x255: {  	v24 =	vmax.f32 v24, v36;
	vm9 =	veq.s32 v12, v4;
	(erf) = vpow2.f32 v62  }
0x256: {  	vm1 =	veq.f32 v6, v24;
	v6 =	vmax.f32 v21, v32;
	v24 =	vmul.f32 $1.442695020e+00, v10  }
0x257: {  	v32 =	vmul.f32 $1.442695020e+00, v37;
	v21 =	vmctz.xlane vm2;
	v19 =	vsel vm9, $0xFF800000, v19  }
0x258: {  	s24 =	simm.s32 $0x380;
	v61 =	vmctz.xlane vm1;
	vm8 =	veq.f32 v15, v6;
	v6 =	vsel vm6, $0x1, v5  }
0x259: {  	vm1 =	veq.f32 v22, v23;
	v6 =	vor.u32 s24, v6;
	(erf) = vpow2.f32 v24  }
0x25a: {  	v16 =	vmctz.xlane vm8;
	vm5 =	veq.s32 v61, v4;
	(erf) = vpow2.f32 v26  }
0x25b: {  	vm14 =	vmor vm0, vm5;
	vm0 =	veq.f32 v9, v20;
	vm5 =	veq.f32 v11, v17  }
0x25c: {  	v20 =	vmctz.xlane vm1;
	v17 =	vmctz.xlane vm4;
	vm4 =	veq.s32 v21, v4  }
0x25d: {  	vm11 =	veq.s32 v16, v4;
	(erf) = vpow2.f32 v27;
	v10 =	vmctz.xlane vm0  }
0x25e: {  	v13 =	vmctz.xlane vm5;
	v18 =	vsel vm4, $0xFF800000, v18;
	(erf) = vpow2.f32 v63  }
0x25f: {  	v15 =	vsel vm11, $0xFF800000, v15;
	vm3 =	veq.s32 v20, v4;
	(erf) = vpow2.f32 v32  }
0x260: {  	vm13 =	veq.s32 v17, v4;
	v24 =	vperm.xlane v18, v0;
	v27 =	vperm.xlane v15, v0  }
0x261: {  	vm0 =	veq.s32 v10, v4;
	v22 =	vsel vm3, $0xFF800000, v22;
	vm1 =	veq.s32 v13, v4  }
0x262: {  	v7 =	vpop (erf);
	v14 =	vsel vm13, $0xFF800000, v14;
	(erf) = vpow2.f32 v25;
	v25 =	vperm.xlane v19, v0  }
0x263: {  	vm15 =	vne.s32 v10, v4;
	v8 =	vnsel vm14, $0x0, v7;
	v9 =	vsel vm0, $0xFF800000, v9  }
0x264: {  	v33 =	vperm.xlane v22, v0;
	v11 =	vsel vm1, $0xFF800000, v11;
	v26 =	vperm.xlane v14, v0  }
0x265: {  	v24 =	vmax.f32 v18, v24;
	v36 =	vpop (erf);
	v27 =	vmax.f32 v15, v27;
	v34 =	vperm.xlane v9, v0  }
0x266: {  	v35 =	vperm.xlane v11, v0;
	v25 =	vmax.f32 v19, v25;
	v30 =	vadd.f32 $1.000000000e+00, v36  }
0x267: {  	v38 =	vperm.xlane v24, v1;
	v41 =	vperm.xlane v27, v1;
	v23 =	vmax.f32 v22, v33  }
0x268: {  	v26 =	vmax.f32 v14, v26;
	v39 =	vperm.xlane v25, v1;
	v37 =	vperm.xlane v23, v1  }
0x269: {  	v28 =	vmax.f32 v9, v34;
	v29 =	vmax.f32 v11, v35;
	v40 =	vperm.xlane v26, v1  }
0x26a: {  	v24 =	vmax.f32 v24, v38;
	v27 =	vmax.f32 v27, v41;
	v42 =	vperm.xlane v28, v1  }
0x26b: {  	v44 =	vpop (erf);
	v43 =	vperm.xlane v29, v1;
	v25 =	vmax.f32 v25, v39;
	v47 =	vperm.xlane v24, v2  }
0x26c: {  	v46 =	vpop (erf);
	v31 =	vadd.f32 $1.000000000e+00, v44;
	v51 =	vperm.xlane v27, v2;
	v23 =	vmax.f32 v23, v37  }
0x26d: {  	v26 =	vmax.f32 v26, v40;
	v49 =	vperm.xlane v25, v2;
	v32 =	vadd.f32 $1.000000000e+00, v46  }
0x26e: {  	v48 =	vpop (erf);
	(erf) = vrcp.f32 v30;
	v45 =	vperm.xlane v23, v2;
	v28 =	vmax.f32 v28, v42  }
0x26f: {  	v29 =	vmax.f32 v29, v43;
	v50 =	vperm.xlane v26, v2;
	v24 =	vmax.f32 v24, v47  }
0x270: {  	v38 =	vpop (erf);
	v35 =	vadd.f32 $1.000000000e+00, v48;
	v27 =	vmax.f32 v27, v51;
	(erf) = vrcp.f32 v31  }
0x271: {  	v25 =	vmax.f32 v25, v49;
	v54 =	vperm.xlane v28, v2;
	v55 =	vperm.xlane v29, v2  }
0x272: {  	v52 =	vpop (erf);
	v38 =	vadd.f32 $1.000000000e+00, v38;
	v57 =	vperm.xlane v24, v3;
	(erf) = vrcp.f32 v32  }
0x273: {  	v60 =	vperm.xlane v27, v3;
	v23 =	vmax.f32 v23, v45;
	v26 =	vmax.f32 v26, v50  }
0x274: {  	v53 =	vpop (erf);
	v34 =	vadd.f32 $1.000000000e+00, v52;
	v58 =	vperm.xlane v25, v3;
	(erf) = vrcp.f32 v35  }
0x275: {  	v36 =	vadd.f32 $1.000000000e+00, v53;
	v28 =	vmax.f32 v28, v54;
	v56 =	vperm.xlane v23, v3  }
0x276: {  	v29 =	vmax.f32 v29, v55;
	v24 =	vmax.f32 v24, v57;
	v59 =	vperm.xlane v26, v3  }
0x277: {  	(erf) = vrcp.f32 v38;
	v27 =	vmax.f32 v27, v60;
	v61 =	vperm.xlane v28, v3  }
0x278: {  	v25 =	vmax.f32 v25, v58;
	(erf) = vrcp.f32 v34;
	v62 =	vperm.xlane v29, v3  }
0x279: {  	vm6 =	veq.f32 v18, v24;
	v23 =	vmax.f32 v23, v56;
	v26 =	vmax.f32 v26, v59  }
0x27a: {  	(erf) = vrcp.f32 v36;
	vm5 =	veq.f32 v22, v23;
	v18 =	vmax.f32 v28, v61  }
0x27b: {  	v22 =	vmctz.xlane vm5;
	vm5 =	veq.f32 v19, v25;
	v19 =	vmctz.xlane vm6  }
0x27c: {  	vm6 =	veq.f32 v14, v26;
	v14 =	vmax.f32 v29, v62;
	v63 =	vmctz.xlane vm5  }
0x27d: {  	vm5 =	veq.f32 v15, v27;
	v24 =	vmctz.xlane vm6;
	vm6 =	veq.f32 v9, v18  }
0x27e: {  	v9 =	vmctz.xlane vm5;
	vm5 =	veq.f32 v11, v14;
	v11 =	vmctz.xlane vm6  }
0x27f: {  	vm6 =	veq.s32 v22, v4;
	v18 =	vmctz.xlane vm5;
	vm5 =	veq.s32 v19, v4  }
0x280: {  	vm12 =	vmor vm3, vm6;
	vm2 =	veq.s32 v63, v4;
	vm10 =	veq.s32 v24, v4  }
0x281: {  	v15 =	vpop (erf);
	vm5 =	vmor vm4, vm5;
	vm7 =	vmor vm9, vm2;
	vm9 =	veq.s32 v9, v4  }
0x282: {  	v14 =	vpop (erf);
	vm3 =	vmor vm13, vm10;
	vm2 =	veq.s32 v11, v4;
	vm4 =	vne.s32 v20, v4  }
0x283: {  	vm6 =	vmor vm11, vm9;
	vm2 =	vmor vm0, vm2;
	vm0 =	vne.s32 v21, v4;
	v11 =	vpop (erf)  }
0x284: {  	s5 =	simm.s32 $0x100;
	s2 =	simm.s32 $0x8200;
	v26 =	vsel vm4, $0x1, v5;
	vm4 =	veq.s32 v18, v4;
	v19 =	vsel vm0, $0x1, v5;
	v9 =	vpop (erf)  }
0x285: {  	s29 =	simm.s32 $0x280;
	s3 =	simm.s32 $0x180;
	s7 =	simm.s32 $0x600;
	[tilespmem:s2+$0x180] =	vst v8;
	vm0 =	vne.s32 v12, v4;
	vm1 =	vmor vm1, vm4;
	vm4 =	vne.s32 v17, v4;
	v8 =	vpop (erf)  }
0x286: {  	s6 =	simm.s32 $0x80;
	s4 =	simm.s32 $0x8;
	s9 =	simm.s32 $0x0;
	[tilespmem:v6+s22+$0x0] =	vst.idx.msk vm14, v7;
	v24 =	vld [tilespmem:s7+$0x180];
	v17 =	vsel vm0, $0x1, v5;
	v12 =	vsel vm4, $0x1, v5;
	vm0 =	vne.s32 v16, v4;
	v7 =	vpop (erf)  }
0x287: {  	s8 =	simm.s32 $0x10;
	s20 =	simm.s32 $0x300;
	s24 =	simm.s32 $0x200;
	[tilespmem:v6+s23+$0x0] =	vst.idx.msk vm14, v4;
	vm4 =	vmmov vm3;
	v10 =	vsel vm0, $0x1, v5;
	vm0 =	vne.s32 v13, v4;
	v13 =	vld [tilespmem:s7+$0xFFFFFE80];
	v6 =	vpop (erf)  }
.LBB2_6:
0x288: {  	v16 =	vld [tilespmem:s7+$0xFFFFFF00];
	v20 =	vnsel vm12, $0x0, v15;
	v23 =	vsel vm15, $0x1, v5;
	v22 =	vsel vm0, $0x1, v5  }
0x289: {  	v18 =	vld [tilespmem:s7+$0xFFFFFF80];
	v21 =	vnsel vm5, $0x0, v14;
	v25 =	vnsel vm7, $0x0, v11;
	v27 =	vnsel vm4, $0x0, v9  }
0x28a: {  	v28 =	vnsel vm6, $0x0, v8;
	v29 =	vnsel vm2, $0x0, v7;
	v33 =	vor.u32 s6, v19;
	v19 =	vld [tilespmem:s7+$0x100]  }
0x28b: {  	v30 =	vnsel vm1, $0x0, v6;
	v32 =	vor.u32 s9, v26;
	v35 =	vor.u32 s5, v17;
	[tilespmem:s2+$0xFFFFFE00] =	vst v20;
	v20 =	vld [tilespmem:s7+$0x0]  }
0x28c: {  	vm13 =	vmmov vm6;
	vm10 =	vmmov vm4;
	vm3 =	vmmov vm2;
	[tilespmem:s2+$0xFFFFFE80] =	vst v21;
	v21 =	vld [tilespmem:s7+$0x80]  }
0x28d: {  	v23 =	vor.u32 s29, v23;
	v22 =	vor.u32 s20, v22;
	v31 =	vperm.xlane v24, v0  }
0x28e: {  	[tilespmem:s2+$0xFFFFFF00] =	vst v25;
	v34 =	vperm.xlane v13, v0;
	v25 =	vsub.f32 $0.0e+00, v13;
	v60 =	vsub.f32 $0.0e+00, v24  }
0x28f: {  	[tilespmem:s2+$0xFFFFFF80] =	vst v27;
	v17 =	vld [tilespmem:s7+$0xFFFFFE00];
	v27 =	vperm.xlane v16, v0;
	v26 =	vsub.f32 $0.0e+00, v16;
	v51 =	vperm.xlane v18, v0  }
0x290: {  	v56 =	vperm.xlane v19, v0;
	[tilespmem:v35+s22+$0x0] =	vst.idx.msk vm7, v11;
	v11 =	vsub.f32 $0.0e+00, v18;
	v31 =	vmax.f32 v24, v31  }
0x291: {  	v50 =	vmax.f32 v13, v34;
	v37 =	vperm.xlane v20, v0;
	v54 =	vperm.xlane v21, v0  }
0x292: {  	[tilespmem:s2+$0x100] =	vst v30;
	v61 =	vmul.f32 $1.442695020e+00, v60;
	v60 =	vsub.f32 $0.0e+00, v21;
	v25 =	vmul.f32 $1.442695020e+00, v25  }
0x293: {  	[tilespmem:v22+s22+$0x0] =	vst.idx.msk vm1, v6;
	v6 =	vimm.s32 $0x0;
	v36 =	vperm.xlane v31, v1;
	v52 =	vperm.xlane v50, v1  }
0x294: {  	v27 =	vmax.f32 v16, v27;
	v53 =	vmax.f32 v18, v51;
	v39 =	vperm.xlane v17, v0  }
0x295: {  	v51 =	vsub.f32 $0.0e+00, v17;
	v26 =	vmul.f32 $1.442695020e+00, v26;
	v55 =	vmax.f32 v20, v37  }
0x296: {  	v40 =	vperm.xlane v27, v1;
	v34 =	vmax.f32 v21, v54;
	v41 =	vperm.xlane v53, v1  }
0x297: {  	[tilespmem:v33+s22+$0x0] =	vst.idx.msk vm5, v14;
	v37 =	vmax.f32 v19, v56;
	(erf) = vpow2.f32 v61;
	v61 =	vsub.f32 $0.0e+00, v19  }
0x298: {  	v31 =	vmax.f32 v31, v36;
	v57 =	vmax.f32 v17, v39;
	v58 =	vperm.xlane v55, v1  }
0x299: {  	[tilespmem:s2+$0x0] =	vst v28;
	v28 =	vmax.f32 v50, v52;
	v59 =	vperm.xlane v34, v1;
	v44 =	vperm.xlane v37, v1  }
0x29a: {  	v38 =	vperm.xlane v31, v2;
	v43 =	vperm.xlane v57, v1;
	v27 =	vmax.f32 v27, v40  }
0x29b: {  	[tilespmem:v33+s23+$0x0] =	vst.idx.msk vm5, v4;
	v30 =	vmax.f32 v53, v41;
	v14 =	vperm.xlane v28, v2;
	v33 =	vmul.f32 $1.442695020e+00, v61  }
0x29c: {  	[tilespmem:s2+$0x80] =	vst v29;
	v62 =	vmax.f32 v55, v58;
	v29 =	vmax.f32 v34, v59;
	v31 =	vmax.f32 v31, v38  }
0x29d: {  	v63 =	vmax.f32 v37, v44;
	v41 =	vperm.xlane v27, v2;
	v42 =	vperm.xlane v31, v3  }
0x29e: {  	[tilespmem:v32+s22+$0x0] =	vst.idx.msk vm12, v15;
	v59 =	vsub.f32 $0.0e+00, v20;
	v15 =	vmax.f32 v57, v43;
	v14 =	vmax.f32 v28, v14  }
0x29f: {  	v44 =	vperm.xlane v62, v2;
	v45 =	vperm.xlane v29, v2;
	v31 =	vmax.f32 v31, v42  }
0x2a0: {  	v46 =	vperm.xlane v63, v2;
	v38 =	vmul.f32 $1.442695020e+00, v60;
	vm0 =	veq.f32 v24, v31  }
0x2a1: {  	v40 =	vperm.xlane v15, v2;
	v27 =	vmax.f32 v27, v41;
	v31 =	vmctz.xlane vm0  }
0x2a2: {  	v49 =	vperm.xlane v14, v3;
	v37 =	vmul.f32 $1.442695020e+00, v59;
	v28 =	vmax.f32 v62, v44  }
0x2a3: {  	v34 =	vmax.f32 v63, v46;
	v50 =	vperm.xlane v27, v3;
	vm6 =	veq.s32 v31, v4  }
0x2a4: {  	[tilespmem:v35+s23+$0x0] =	vst.idx.msk vm7, v4;
	v63 =	vmul.f32 $1.442695020e+00, v11;
	v42 =	vperm.xlane v30, v2;
	v24 =	vsel vm6, $0xFF800000, v24  }
0x2a5: {  	v29 =	vmax.f32 v29, v45;
	v54 =	vperm.xlane v28, v3;
	v43 =	vperm.xlane v24, v0  }
0x2a6: {  	v15 =	vmax.f32 v15, v40;
	v55 =	vperm.xlane v29, v3;
	v57 =	vperm.xlane v34, v3  }
0x2a7: {  	v14 =	vmax.f32 v14, v49;
	v48 =	vperm.xlane v15, v3;
	v36 =	vmax.f32 v24, v43  }
0x2a8: {  	v27 =	vmax.f32 v27, v50;
	vm4 =	veq.f32 v13, v14;
	v47 =	vperm.xlane v36, v1  }
0x2a9: {  	v30 =	vmax.f32 v30, v42;
	v56 =	vpop (erf);
	v28 =	vmax.f32 v28, v54;
	vm7 =	veq.f32 v16, v27  }
0x2aa: {  	[tilespmem:v32+s23+$0x0] =	vst.idx.msk vm12, v4;
	v27 =	vor.u32 s3, v12;
	v58 =	vadd.f32 $1.000000000e+00, v56;
	v32 =	vmax.f32 v36, v47  }
0x2ab: {  	v62 =	vmax.f32 v34, v57;
	v40 =	vmctz.xlane vm4;
	v53 =	vperm.xlane v32, v2  }
0x2ac: {  	v52 =	vperm.xlane v30, v3;
	v15 =	vmax.f32 v15, v48;
	(erf) = vrcp.f32 v58  }
0x2ad: {  	vm8 =	veq.f32 v20, v28;
	v41 =	vmctz.xlane vm7;
	v32 =	vmax.f32 v32, v53  }
0x2ae: {  	vm2 =	vne.s32 v31, v4;
	v30 =	vmax.f32 v30, v52;
	v45 =	vperm.xlane v32, v3  }
0x2af: {  	v14 =	vsel vm2, $0x1, v5;
	vm4 =	veq.s32 v41, v4;
	[tilespmem:v27+s22+$0x0] =	vst.idx.msk vm10, v9;
	v9 =	vimm.s32 $0x0  }
0x2b0: {  	vm5 =	veq.f32 v18, v30;
	v9 =	vsel vm4, $0xFFFFFFFF, v9;
	v32 =	vmax.f32 v32, v45  }
0x2b1: {  	s9 =	sshll.u32 s4, $0x7;
	[tilespmem:$0x1FF60] =	vst v9;
	v9 =	vimm.s32 $0x0;
	v36 =	vor.u32 s24, v10;
	vm0 =	veq.f32 v24, v32  }
0x2b2: {  	s10 =	sadd.s32 $0x380, s9;
	v24 =	vmax.f32 v29, v55;
	v32 =	vmctz.xlane vm0;
	vm0 =	veq.f32 v17, v15  }
0x2b3: {  	vm2 =	veq.f32 v21, v24;
	v15 =	vor.u32 s10, v14;
	v24 =	vmul.f32 $1.442695020e+00, v51  }
0x2b4: {  	v14 =	vmctz.xlane vm5;
	v39 =	vmctz.xlane vm0;
	vm9 =	veq.s32 v32, v4  }
0x2b5: {  	v11 =	vpop (erf);
	vm0 =	veq.s32 v40, v4;
	(erf) = vpow2.f32 v24;
	vm6 =	vmor vm6, vm9  }
0x2b6: {  	vm9 =	veq.f32 v19, v62;
	vm12 =	veq.s32 v39, v4;
	(erf) = vpow2.f32 v25  }
0x2b7: {  	s2 =	sadd.s32 $0x400, s2;
	[tilespmem:v36+s22+$0x0] =	vst.idx.msk vm13, v8;
	v10 =	vnsel vm6, $0x0, v11;
	v12 =	vmctz.xlane vm9;
	(erf) = vpow2.f32 v26  }
0x2b8: {  	v8 =	vsel vm12, $0xFF800000, v17;
	[tilespmem:s2+$0x180] =	vst v10;
	v10 =	vimm.s32 $0x0;
	(erf) = vpow2.f32 v63  }
0x2b9: {  	v10 =	vsel vm0, $0xFFFFFFFF, v10;
	vm9 =	veq.s32 v12, v4;
	(erf) = vpow2.f32 v37  }
0x2ba: {  	[tilespmem:$0x1FF50] =	vst v10;
	v10 =	vmctz.xlane vm2;
	vm2 =	veq.s32 v14, v4;
	v17 =	vsel vm9, $0xFF800000, v19  }
0x2bb: {  	[tilespmem:v23+s22+$0x0] =	vst.idx.msk vm3, v7;
	(erf) = vpow2.f32 v38;
	v9 =	vsel vm2, $0xFFFFFFFF, v9;
	v7 =	vsel vm2, $0xFF800000, v18  }
0x2bc: {  	(erf) = vpow2.f32 v33;
	v18 =	vimm.s32 $0x0;
	v44 =	vperm.xlane v17, v0;
	[tilespmem:v15+s22+$0x0] =	vst.idx.msk vm6, v11  }
0x2bd: {  	v11 =	vmctz.xlane vm8;
	[tilespmem:$0x1FF70] =	vst v9;
	vm11 =	veq.s32 v10, v4;
	v9 =	vsel vm0, $0xFF800000, v13  }
0x2be: {  	[tilespmem:v23+s23+$0x0] =	vst.idx.msk vm3, v4;
	v13 =	vsel vm4, $0xFF800000, v16;
	vm0 =	vne.s32 v39, v4;
	v16 =	vsel vm11, $0xFF800000, v21  }
0x2bf: {  	[tilespmem:v27+s23+$0x0] =	vst.idx.msk vm10, v4;
	v6 =	vsel vm0, $0xFFFFFFFF, v6;
	vm0 =	vne.s32 v40, v4;
	v19 =	vperm.xlane v13, v0  }
0x2c0: {  	v23 =	vmax.f32 v17, v44;
	vm10 =	veq.s32 v11, v4;
	[tilespmem:$0x1FF80] =	vst v6;
	v6 =	vperm.xlane v8, v0  }
0x2c1: {  	[tilespmem:v15+s23+$0x0] =	vst.idx.msk vm6, v4;
	v18 =	vsel vm0, $0xFFFFFFFF, v18;
	v43 =	vperm.xlane v16, v0;
	v52 =	vperm.xlane v23, v1  }
0x2c2: {  	v24 =	vpop (erf);
	v15 =	vsel vm10, $0xFF800000, v20;
	[tilespmem:$0x1FF90] =	vst v18;
	v18 =	vperm.xlane v9, v0;
	v20 =	vperm.xlane v7, v0  }
0x2c3: {  	[tilespmem:v22+s23+$0x0] =	vst.idx.msk vm1, v4;
	v19 =	vmax.f32 v13, v19;
	v24 =	vadd.f32 $1.000000000e+00, v24;
	v6 =	vmax.f32 v8, v6  }
0x2c4: {  	v25 =	vpop (erf);
	v42 =	vperm.xlane v15, v0;
	v22 =	vmax.f32 v16, v43;
	v46 =	vperm.xlane v19, v1  }
0x2c5: {  	v25 =	vadd.f32 $1.000000000e+00, v25;
	v18 =	vmax.f32 v9, v18;
	v20 =	vmax.f32 v7, v20  }
0x2c6: {  	v26 =	vperm.xlane v6, v1;
	v51 =	vperm.xlane v22, v1;
	v21 =	vmax.f32 v15, v42  }
0x2c7: {  	v45 =	vperm.xlane v18, v1;
	v48 =	vperm.xlane v20, v1;
	v19 =	vmax.f32 v19, v46  }
0x2c8: {  	v27 =	vpop (erf);
	v6 =	vmax.f32 v6, v26;
	v49 =	vperm.xlane v21, v1;
	v22 =	vmax.f32 v22, v51  }
0x2c9: {  	v47 =	vpop (erf);
	v56 =	vperm.xlane v19, v2;
	v18 =	vmax.f32 v18, v45;
	v20 =	vmax.f32 v20, v48  }
0x2ca: {  	v50 =	vpop (erf);
	v54 =	vperm.xlane v6, v2;
	v59 =	vperm.xlane v22, v2;
	v21 =	vmax.f32 v21, v49  }
0x2cb: {  	v53 =	vpop (erf);
	v55 =	vperm.xlane v18, v2;
	v57 =	vperm.xlane v20, v2;
	v19 =	vmax.f32 v19, v56  }
0x2cc: {  	v26 =	vpop (erf);
	(erf) = vrcp.f32 v24;
	v58 =	vperm.xlane v21, v2;
	v6 =	vmax.f32 v6, v54  }
0x2cd: {  	(erf) = vrcp.f32 v25;
	v25 =	vperm.xlane v19, v3;
	v18 =	vmax.f32 v18, v55  }
0x2ce: {  	v20 =	vmax.f32 v20, v57;
	v21 =	vmax.f32 v21, v58;
	v24 =	vperm.xlane v18, v3  }
0x2cf: {  	v63 =	vperm.xlane v6, v3;
	v19 =	vmax.f32 v19, v25;
	v25 =	vperm.xlane v21, v3  }
0x2d0: {  	v23 =	vmax.f32 v23, v52;
	v18 =	vmax.f32 v18, v24;
	v24 =	vperm.xlane v20, v3  }
0x2d1: {  	v22 =	vmax.f32 v22, v59;
	v6 =	vmax.f32 v6, v63;
	v21 =	vmax.f32 v21, v25  }
0x2d2: {  	v20 =	vmax.f32 v20, v24;
	v24 =	vperm.xlane v22, v3;
	vm15 =	veq.f32 v15, v21  }
0x2d3: {  	vm3 =	veq.f32 v13, v19;
	v19 =	vmctz.xlane vm15;
	vm15 =	vne.s32 v10, v4;
	v10 =	vld [tilespmem:$0x1FF50]  }
0x2d4: {  	v60 =	vperm.xlane v23, v2;
	vm0 =	veq.f32 v8, v6;
	v6 =	vmax.f32 v22, v24  }
0x2d5: {  	vm1 =	veq.f32 v16, v6;
	v6 =	vmctz.xlane vm0  }
0x2d6: {  	v23 =	vmax.f32 v23, v60  }
0x2d7: {  	v25 =	vperm.xlane v23, v3;
	vm7 =	veq.s32 v6, v4  }
0x2d8: {  	vm12 =	vmor vm12, vm7;
	vm7 =	vnez.u8 v10;
	v10 =	vld [tilespmem:$0x1FF60]  }
0x2d9: {  	vm2 =	veq.f32 v9, v18;
	vm6 =	veq.f32 v7, v20;
	v7 =	vmax.f32 v23, v25  }
0x2da: {  	vm4 =	veq.f32 v17, v7;
	v7 =	vmctz.xlane vm2;
	_ =	sdelay $0x1  }
0x2db: {  	vm5 =	veq.s32 v7, v4  }
0x2dc: {  	vm5 =	vmor vm7, vm5;
	vm7 =	vnez.u8 v10;
	v10 =	vld [tilespmem:$0x1FF70]  }
0x2dd: {  	v27 =	vadd.f32 $1.000000000e+00, v27  }
0x2de: {  	v30 =	vadd.f32 $1.000000000e+00, v47;
	v61 =	vadd.f32 $1.000000000e+00, v50;
	v18 =	vmctz.xlane vm3  }
0x2df: {  	v62 =	vadd.f32 $1.000000000e+00, v53;
	v26 =	vadd.f32 $1.000000000e+00, v26;
	(erf) = vrcp.f32 v27  }
0x2e0: {  	(erf) = vrcp.f32 v30;
	v13 =	vmctz.xlane vm6;
	vm6 =	veq.s32 v18, v4  }
0x2e1: {  	(erf) = vrcp.f32 v61;
	vm7 =	vmor vm7, vm6;
	vm6 =	vnez.u8 v10;
	v10 =	vld [tilespmem:$0x1FF80]  }
0x2e2: {  	(erf) = vrcp.f32 v62  }
0x2e3: {  	(erf) = vrcp.f32 v26  }
0x2e4: {  	v17 =	vmctz.xlane vm4  }
0x2e5: {  	v16 =	vmctz.xlane vm1;
	vm4 =	veq.s32 v13, v4;
	vm1 =	veq.s32 v19, v4  }
0x2e6: {  	v15 =	vpop (erf);
	vm4 =	vmor vm6, vm4;
	vm6 =	vmor vm10, vm1;
	vm1 =	vnez.u8 v10;
	v10 =	vld [tilespmem:$0x1FF90]  }
0x2e7: {  	p0 =	slt.u32 s8, $0x78;
	vm14 =	vne.s32 v14, v4;
	v14 =	vpop (erf)  }
.Ltmp2:
0x2e8: {  	s4 =	smov.u32 s8;
	vm8 =	vne.s32 v11, v4;
	v11 =	vpop (erf);
	(pc) =	sbr.rel @p0 .LBB2_6-.Ltmp2, $4  }
0x2e9: {  	s8 =	sadd.s32 $0x8, s8;
	s6 =	sadd.s32 $0x80, s9;
	s5 =	sadd.s32 $0x100, s9;
	[tilespmem:v36+s23+$0x0] =	vst.idx.msk vm13, v4;
	vm13 =	vne.s32 v41, v4;
	vm0 =	vne.s32 v12, v4;
	v12 =	vsel vm14, $0x1, v5;
	v9 =	vpop (erf)  }
0x2ea: {  	s11 =	sadd.s32 $0x180, s9;
	s13 =	sadd.s32 $0x280, s9;
	s7 =	sadd.s32 $0x400, s7;
	vm3 =	veq.s32 v17, v4;
	v17 =	vsel vm13, $0x1, v5;
	v8 =	vpop (erf);
	vm2 =	veq.s32 v16, v4  }
0x2eb: {  	s12 =	sadd.s32 $0x200, s9;
	s29 =	smov.u32 s13;
	s10 =	sadd.s32 $0x300, s9;
	v24 =	vld [tilespmem:s7+$0x180];
	v7 =	vpop (erf);
	vm2 =	vmor vm11, vm2;
	v26 =	vsel vm1, $0x1, v5;
	vm1 =	vnez.u8 v10  }
0x2ec: {  	s3 =	smov.u32 s11;
	s24 =	smov.u32 s12;
	s20 =	smov.u32 s10;
	v13 =	vld [tilespmem:s7+$0xFFFFFE80];
	v6 =	vpop (erf);
	v10 =	vsel vm8, $0x1, v5;
	v19 =	vsel vm1, $0x1, v5;
	vm1 =	vmor vm9, vm3  }
0x2ed: {  	v34 =	vld [tilespmem:s7+$0xFFFFFF00];
	v31 =	vnsel vm12, $0x0, v15  }
0x2ee: {  	v22 =	vsel vm15, $0x1, v5;
	v20 =	vsel vm0, $0x1, v5;
	v28 =	vnsel vm5, $0x0, v14;
	v36 =	vld [tilespmem:s7+$0x0]  }
0x2ef: {  	v25 =	vnsel vm7, $0x0, v11;
	v21 =	vnsel vm4, $0x0, v9;
	v37 =	vld [tilespmem:s7+$0x80];
	v33 =	vor.u32 s9, v26  }
0x2f0: {  	v38 =	vld [tilespmem:s7+$0x100];
	v50 =	vimm.s32 $0x0;
	vm11 =	vmmov vm4;
	vm15 =	vmmov vm6  }
0x2f1: {  	v39 =	vld [tilespmem:s7+$0xFFFFFE00];
	v17 =	vor.u32 s5, v17;
	v12 =	vor.u32 s3, v12;
	v50 =	vsel vm2, $0xFFFFFFFF, v50  }
0x2f2: {  	v35 =	vld [tilespmem:s7+$0xFFFFFF80];
	v10 =	vor.u32 s24, v10;
	[tilespmem:$0x1FF40] =	vst v50;
	v16 =	vperm.xlane v24, v0;
	v47 =	vsub.f32 $0.0e+00, v24  }
0x2f3: {  	[tilespmem:s2+$0xFFFFFE80] =	vst v28;
	v28 =	vnsel vm1, $0x0, v6;
	v26 =	vperm.xlane v13, v0;
	v29 =	vsub.f32 $0.0e+00, v13  }
0x2f4: {  	v16 =	vmax.f32 v24, v16;
	v30 =	vperm.xlane v34, v0;
	v42 =	vperm.xlane v36, v0  }
0x2f5: {  	v32 =	vsub.f32 $0.0e+00, v34;
	v43 =	vperm.xlane v37, v0;
	v56 =	vperm.xlane v38, v0  }
0x2f6: {  	[tilespmem:s2+$0xFFFFFE00] =	vst v31;
	v44 =	vperm.xlane v39, v0;
	v58 =	vmul.f32 $1.442695020e+00, v47;
	v26 =	vmax.f32 v13, v26  }
0x2f7: {  	[tilespmem:v33+s22+$0x0] =	vst.idx.msk vm12, v15;
	v15 =	vor.u32 s6, v19;
	v18 =	vperm.xlane v16, v1;
	v41 =	vperm.xlane v26, v1  }
0x2f8: {  	v30 =	vmax.f32 v34, v30;
	v43 =	vmax.f32 v37, v43;
	v44 =	vmax.f32 v39, v44  }
0x2f9: {  	(erf) = vpow2.f32 v58;
	v23 =	vmax.f32 v16, v18;
	v49 =	vperm.xlane v44, v1  }
0x2fa: {  	v18 =	vnsel vm6, $0x0, v8;
	v57 =	vperm.xlane v30, v1;
	v60 =	vperm.xlane v43, v1  }
0x2fb: {  	v27 =	vperm.xlane v23, v2;
	v26 =	vmax.f32 v26, v41;
	v44 =	vmax.f32 v44, v49  }
0x2fc: {  	v30 =	vmax.f32 v30, v57;
	v43 =	vmax.f32 v43, v60;
	v53 =	vperm.xlane v26, v2  }
0x2fd: {  	v23 =	vmax.f32 v23, v27;
	v27 =	vperm.xlane v35, v0;
	v52 =	vperm.xlane v44, v2  }
0x2fe: {  	v16 =	vnsel vm2, $0x0, v7;
	v54 =	vperm.xlane v30, v2;
	v49 =	vperm.xlane v43, v2  }
0x2ff: {  	v40 =	vperm.xlane v23, v3;
	v26 =	vmax.f32 v26, v53;
	v53 =	vsub.f32 $0.0e+00, v35  }
0x300: {  	v27 =	vmax.f32 v35, v27;
	v30 =	vmax.f32 v30, v54;
	v43 =	vmax.f32 v43, v49  }
0x301: {  	v60 =	vperm.xlane v26, v3;
	v23 =	vmax.f32 v23, v40;
	v46 =	vperm.xlane v27, v1  }
0x302: {  	v40 =	vmax.f32 v38, v56;
	v54 =	vperm.xlane v43, v3;
	vm0 =	veq.f32 v24, v23  }
0x303: {  	v23 =	vmax.f32 v36, v42;
	v61 =	vperm.xlane v40, v1;
	v42 =	vmax.f32 v44, v52  }
0x304: {  	v26 =	vmax.f32 v26, v60;
	v60 =	vmul.f32 $1.442695020e+00, v29;
	v45 =	vmctz.xlane vm0  }
0x305: {  	v48 =	vperm.xlane v23, v1;
	v27 =	vmax.f32 v27, v46;
	v43 =	vmax.f32 v43, v54  }
0x306: {  	vm3 =	veq.f32 v13, v26;
	v40 =	vmax.f32 v40, v61;
	v55 =	vperm.xlane v27, v2  }
0x307: {  	v61 =	vperm.xlane v30, v3;
	vm0 =	veq.s32 v45, v4;
	v23 =	vmax.f32 v23, v48  }
0x308: {  	v57 =	vperm.xlane v40, v2;
	vm8 =	vne.s32 v45, v4;
	v24 =	vsel vm0, $0xFF800000, v24  }
0x309: {  	v56 =	vperm.xlane v23, v2;
	v27 =	vmax.f32 v27, v55;
	v30 =	vmax.f32 v30, v61  }
0x30a: {  	s4 =	sshll.u32 s4, $0x7;
	v61 =	vmul.f32 $1.442695020e+00, v32;
	v48 =	vsel vm8, $0x1, v5;
	v59 =	vperm.xlane v24, v0  }
0x30b: {  	s12 =	sadd.s32 $0x380, s4;
	v40 =	vmax.f32 v40, v57;
	v57 =	vsub.f32 $0.0e+00, v38;
	vm4 =	veq.f32 v34, v30  }
0x30c: {  	[tilespmem:v15+s22+$0x0] =	vst.idx.msk vm5, v14;
	v30 =	vmctz.xlane vm3;
	v14 =	vor.u32 s12, v48;
	v23 =	vmax.f32 v23, v56  }
0x30d: {  	v55 =	vperm.xlane v40, v3;
	v56 =	vsub.f32 $0.0e+00, v36;
	v29 =	vmctz.xlane vm4  }
0x30e: {  	v62 =	vmax.f32 v24, v59;
	v59 =	vperm.xlane v42, v3;
	v52 =	vperm.xlane v23, v3  }
0x30f: {  	vm4 =	veq.s32 v30, v4;
	v63 =	vperm.xlane v62, v1;
	v40 =	vmax.f32 v40, v55  }
0x310: {  	vm13 =	veq.s32 v29, v4;
	v13 =	vsel vm4, $0xFF800000, v13;
	v42 =	vmax.f32 v42, v59  }
0x311: {  	v23 =	vmax.f32 v23, v52;
	vm3 =	veq.f32 v38, v40;
	v34 =	vsel vm13, $0xFF800000, v34  }
0x312: {  	v50 =	vperm.xlane v13, v0;
	v41 =	vmax.f32 v62, v63;
	v63 =	vsub.f32 $0.0e+00, v39  }
0x313: {  	v62 =	vpop (erf);
	vm10 =	veq.f32 v36, v23;
	v23 =	vmctz.xlane vm3;
	v46 =	vperm.xlane v41, v2  }
0x314: {  	v51 =	vperm.xlane v34, v0;
	v49 =	vadd.f32 $1.000000000e+00, v62;
	v62 =	vmul.f32 $1.442695020e+00, v56  }
0x315: {  	v26 =	vmctz.xlane vm10;
	v59 =	vmul.f32 $1.442695020e+00, v63;
	v41 =	vmax.f32 v41, v46  }
0x316: {  	vm8 =	veq.s32 v23, v4;
	(erf) = vrcp.f32 v49;
	v58 =	vperm.xlane v41, v3  }
0x317: {  	v46 =	vmul.f32 $1.442695020e+00, v53;
	v38 =	vsel vm8, $0xFF800000, v38;
	(erf) = vpow2.f32 v59  }
0x318: {  	v56 =	vperm.xlane v38, v0;
	(erf) = vpow2.f32 v60;
	v41 =	vmax.f32 v41, v58  }
0x319: {  	(erf) = vpow2.f32 v61;
	vm2 =	veq.f32 v24, v41;
	v24 =	vperm.xlane v27, v3  }
0x31a: {  	v47 =	vmax.f32 v38, v56;
	v41 =	vmul.f32 $1.442695020e+00, v57;
	(erf) = vpow2.f32 v46  }
0x31b: {  	v31 =	vperm.xlane v47, v1;
	v58 =	vmctz.xlane vm2;
	vm2 =	veq.f32 v39, v42  }
0x31c: {  	(erf) = vpow2.f32 v62;
	v42 =	vmax.f32 v34, v51;
	v24 =	vmax.f32 v27, v24  }
0x31d: {  	v27 =	vsub.f32 $0.0e+00, v37;
	v32 =	vmctz.xlane vm2;
	vm2 =	veq.f32 v37, v43  }
0x31e: {  	v31 =	vmax.f32 v47, v31;
	vm6 =	veq.f32 v35, v24;
	vm9 =	veq.s32 v58, v4  }
0x31f: {  	v24 =	vmctz.xlane vm2;
	v58 =	vperm.xlane v42, v1;
	vm14 =	vmor vm0, vm9  }
0x320: {  	v63 =	vmul.f32 $1.442695020e+00, v27;
	v27 =	vmctz.xlane vm6;
	vm0 =	veq.s32 v32, v4  }
0x321: {  	vm9 =	veq.s32 v26, v4;
	vm6 =	veq.s32 v24, v4;
	v39 =	vsel vm0, $0xFF800000, v39  }
0x322: {  	[tilespmem:s2+$0xFFFFFF00] =	vst v25;
	v36 =	vsel vm9, $0xFF800000, v36;
	v42 =	vmax.f32 v42, v58;
	vm10 =	veq.s32 v27, v4  }
0x323: {  	[tilespmem:v17+s22+$0x0] =	vst.idx.msk vm7, v11;
	(erf) = vpow2.f32 v63;
	v37 =	vsel vm6, $0xFF800000, v37;
	v49 =	vperm.xlane v39, v0  }
0x324: {  	[tilespmem:v33+s23+$0x0] =	vst.idx.msk vm12, v4;
	v53 =	vperm.xlane v36, v0;
	v35 =	vsel vm10, $0xFF800000, v35;
	(erf) = vpow2.f32 v41  }
0x325: {  	v41 =	vmax.f32 v13, v50;
	v54 =	vperm.xlane v37, v0;
	v52 =	vperm.xlane v35, v0  }
0x326: {  	v40 =	vmax.f32 v39, v49;
	v57 =	vperm.xlane v41, v1;
	v44 =	vmax.f32 v36, v53  }
0x327: {  	v49 =	vperm.xlane v42, v2;
	v55 =	vperm.xlane v40, v1;
	v45 =	vmax.f32 v37, v54  }
0x328: {  	v60 =	vperm.xlane v44, v1;
	v43 =	vmax.f32 v35, v52;
	v41 =	vmax.f32 v41, v57  }
0x329: {  	v61 =	vperm.xlane v45, v1;
	v42 =	vmax.f32 v42, v49;
	v59 =	vperm.xlane v43, v1;
	v52 =	vpop (erf)  }
0x32a: {  	v40 =	vmax.f32 v40, v55;
	v63 =	vperm.xlane v41, v2;
	v55 =	vperm.xlane v31, v2;
	v54 =	vpop (erf)  }
0x32b: {  	[tilespmem:s2+$0xFFFFFF80] =	vst v21;
	v44 =	vmax.f32 v44, v60;
	v60 =	vperm.xlane v42, v3;
	v62 =	vperm.xlane v40, v2;
	v56 =	vpop (erf)  }
0x32c: {  	[tilespmem:s2+$0x100] =	vst v28;
	v19 =	vmax.f32 v45, v61;
	v51 =	vperm.xlane v44, v2;
	v43 =	vmax.f32 v43, v59;
	v57 =	vpop (erf)  }
0x32d: {  	[tilespmem:v15+s23+$0x0] =	vst.idx.msk vm5, v4;
	v41 =	vmax.f32 v41, v63;
	v46 =	vadd.f32 $1.000000000e+00, v54;
	v15 =	vadd.f32 $1.000000000e+00, v57  }
0x32e: {  	[tilespmem:v17+s23+$0x0] =	vst.idx.msk vm7, v4;
	v53 =	vperm.xlane v19, v2;
	v31 =	vmax.f32 v31, v55;
	v47 =	vadd.f32 $1.000000000e+00, v56  }
0x32f: {  	[tilespmem:v12+s22+$0x0] =	vst.idx.msk vm11, v9;
	v59 =	vnsel vm14, $0x0, v52;
	v61 =	vmax.f32 v42, v60;
	(erf) = vrcp.f32 v46  }
0x330: {  	[tilespmem:v12+s23+$0x0] =	vst.idx.msk vm11, v4;
	v40 =	vmax.f32 v40, v62;
	v50 =	vperm.xlane v43, v2;
	(erf) = vrcp.f32 v47  }
0x331: {  	s13 =	sadd.s32 $0x400, s2;
	[tilespmem:s2+$0x0] =	vst v18;
	v44 =	vmax.f32 v44, v51;
	v25 =	vperm.xlane v41, v3;
	(erf) = vrcp.f32 v15;
	v15 =	vpop (erf)  }
0x332: {  	[tilespmem:s13+$0x180] =	vst v59;
	v19 =	vmax.f32 v19, v53;
	v58 =	vperm.xlane v40, v3;
	v17 =	vpop (erf);
	v15 =	vadd.f32 $1.000000000e+00, v15  }
0x333: {  	[tilespmem:v14+s22+$0x0] =	vst.idx.msk vm14, v52;
	v21 =	vperm.xlane v44, v3;
	v43 =	vmax.f32 v43, v50;
	v17 =	vadd.f32 $1.000000000e+00, v17  }
0x334: {  	[tilespmem:s2+$0x80] =	vst v16;
	v25 =	vmax.f32 v41, v25;
	v11 =	vmax.f32 v40, v58;
	v62 =	vperm.xlane v43, v3  }
0x335: {  	[tilespmem:v14+s23+$0x0] =	vst.idx.msk vm14, v4;
	v14 =	vor.u32 s20, v20;
	v9 =	vperm.xlane v19, v3;
	vm2 =	veq.f32 v39, v11  }
0x336: {  	[tilespmem:v10+s22+$0x0] =	vst.idx.msk vm15, v8;
	v11 =	vmax.f32 v44, v21;
	v20 =	vmax.f32 v43, v62;
	(erf) = vrcp.f32 v15;
	v15 =	vpop (erf)  }
0x337: {  	[tilespmem:v10+s23+$0x0] =	vst.idx.msk vm15, v4;
	v12 =	vmctz.xlane vm2;
	(erf) = vrcp.f32 v17;
	v17 =	vpop (erf);
	v15 =	vadd.f32 $1.000000000e+00, v15  }
0x338: {  	v10 =	vld [tilespmem:$0x1FF40];
	vm2 =	veq.f32 v13, v25;
	v13 =	vperm.xlane v31, v3;
	v17 =	vadd.f32 $1.000000000e+00, v17  }
0x339: {  	(erf) = vrcp.f32 v15;
	v15 =	vmctz.xlane vm2;
	vm2 =	veq.f32 v34, v61  }
0x33a: {  	v8 =	vmax.f32 v31, v13;
	v16 =	vmctz.xlane vm2;
	vm2 =	veq.f32 v35, v20  }
0x33b: {  	(erf) = vrcp.f32 v17;
	v17 =	vmctz.xlane vm2;
	vm2 =	veq.f32 v36, v11  }
0x33c: {  	v9 =	vmax.f32 v19, v9;
	vm3 =	veq.f32 v38, v8;
	v11 =	vmctz.xlane vm2  }
0x33d: {  	vm2 =	veq.f32 v37, v9;
	v9 =	vmctz.xlane vm3;
	vm3 =	vnez.u8 v10  }
0x33e: {  	v22 =	vor.u32 s29, v22  }
0x33f: {  	vm15 =	vne.s32 v32, v4;
	v8 =	vmctz.xlane vm2;
	vm2 =	veq.s32 v12, v4  }
0x340: {  	[tilespmem:v14+s22+$0x0] =	vst.idx.msk vm1, v6;
	v6 =	vpop (erf);
	v12 =	vsel vm15, $0x1, v5;
	vm5 =	vmor vm0, vm2  }
0x341: {  	[tilespmem:v14+s23+$0x0] =	vst.idx.msk vm1, v4;
	v12 =	vor.u32 s4, v12;
	vm7 =	veq.s32 v8, v4;
	v8 =	vnsel vm5, $0x0, v6  }
0x342: {  	vm0 =	veq.s32 v15, v4;
	[tilespmem:s13+$0xFFFFFE00] =	vst v8  }
0x343: {  	vm2 =	veq.s32 v16, v4;
	vm4 =	vmor vm4, vm0;
	[tilespmem:v22+s22+$0x0] =	vst.idx.msk vm3, v7;
	v7 =	vpop (erf)  }
0x344: {  	vm0 =	veq.s32 v17, v4;
	[tilespmem:v22+s23+$0x0] =	vst.idx.msk vm3, v4;
	vm3 =	veq.s32 v11, v4;
	v8 =	vnsel vm4, $0x0, v7  }
0x345: {  	vm2 =	vmor vm13, vm2;
	vm0 =	vmor vm10, vm0;
	v10 =	vpop (erf);
	vm1 =	vmor vm9, vm3;
	[tilespmem:s13+$0xFFFFFE80] =	vst v8  }
0x346: {  	vm3 =	vmor vm6, vm7;
	vm6 =	vne.s32 v30, v4;
	v11 =	vpop (erf);
	v13 =	vnsel vm2, $0x0, v10;
	[tilespmem:v12+s22+$0x0] =	vst.idx.msk vm5, v6  }
0x347: {  	s29 =	sadd.s32 $0x80, s4;
	vm7 =	vne.s32 v29, v4;
	v14 =	vnsel vm0, $0x0, v11;
	[tilespmem:s13+$0xFFFFFF00] =	vst v13;
	v15 =	vsel vm6, $0x1, v5;
	v8 =	vpop (erf)  }
0x348: {  	vm6 =	veq.s32 v9, v4;
	[tilespmem:v12+s23+$0x0] =	vst.idx.msk vm5, v4;
	v15 =	vor.u32 s29, v15;
	v9 =	vnsel vm1, $0x0, v8  }
0x349: {  	s5 =	sadd.s32 $0x100, s4;
	vm6 =	vmor vm8, vm6;
	v13 =	vpop (erf);
	[tilespmem:s13+$0x0] =	vst v9;
	v9 =	vsel vm7, $0x1, v5  }
0x34a: {  	[tilespmem:s13+$0xFFFFFF80] =	vst v14;
	v14 =	vpop (erf);
	v16 =	vnsel vm3, $0x0, v13;
	vm7 =	vne.s32 v27, v4;
	v9 =	vor.u32 s5, v9  }
0x34b: {  	s6 =	sadd.s32 $0x180, s4;
	v17 =	vnsel vm6, $0x0, v14;
	[tilespmem:s13+$0x80] =	vst v16;
	v16 =	vsel vm7, $0x1, v5  }
0x34c: {  	vm7 =	vne.s32 v26, v4;
	[tilespmem:s13+$0x100] =	vst v17;
	v6 =	vor.u32 s6, v16  }
0x34d: {  	s7 =	sadd.s32 $0x200, s4;
	v12 =	vsel vm7, $0x1, v5;
	[tilespmem:v15+s22+$0x0] =	vst.idx.msk vm4, v7  }
0x34e: {  	vm5 =	vne.s32 v24, v4;
	v7 =	vor.u32 s7, v12;
	[tilespmem:v15+s23+$0x0] =	vst.idx.msk vm4, v4  }
0x34f: {  	s8 =	sadd.s32 $0x280, s4;
	v12 =	vsel vm5, $0x1, v5;
	vm4 =	vne.s32 v23, v4;
	[tilespmem:v9+s22+$0x0] =	vst.idx.msk vm2, v10  }
0x350: {  	s9 =	sadd.s32 $0x300, s4;
	v10 =	vsel vm4, $0x1, v5;
	[tilespmem:v9+s23+$0x0] =	vst.idx.msk vm2, v4;
	v9 =	vor.u32 s8, v12  }
0x351: {  	[tilespmem:v6+s22+$0x0] =	vst.idx.msk vm0, v11;
	v10 =	vor.u32 s9, v10  }
0x352: {  	[tilespmem:v6+s23+$0x0] =	vst.idx.msk vm0, v4  }
0x353: {  	[tilespmem:v7+s22+$0x0] =	vst.idx.msk vm1, v8  }
0x354: {  	[tilespmem:v7+s23+$0x0] =	vst.idx.msk vm1, v4  }
0x355: {  	[tilespmem:v9+s22+$0x0] =	vst.idx.msk vm3, v13  }
0x356: {  	[tilespmem:v10+s22+$0x0] =	vst.idx.msk vm6, v14  }
0x357: {  	[tilespmem:v9+s23+$0x0] =	vst.idx.msk vm3, v4  }
0x358: {  	[tilespmem:v10+s23+$0x0] =	vst.idx.msk vm6, v4  }
0x359: {  	s10 =	simm.s32 $0x0;
	s11 =	simm.s32 $0x8000;
	s3 =	rddreg [dreg:$0xc]  }
0x35a: {  	[hbm4b:s3+s10] =	stream.linear.scatter [tilespmem:s11], [sflag:$0x3], $0x4000, $0x38;
	[tilespmem:$0x18000] =	vst v63  }
0x35b: {  	_ = 	snop  }
0x35c: {  	[hbm4b:s14+s10] =	stream.linear.scatter [tilespmem:s22], [sflag:$0x5], $0x4000, $0x38;
	[tilespmem:$0x18000] =	vst v63  }
0x35d: {  	_ = 	snop  }
0x35e: {  	[hbm4b:s15+s10] =	stream.linear.scatter [tilespmem:s23], [sflag:$0x6], $0x4000, $0x38;
	[tilespmem:$0x18000] =	vst v63  }
0x35f: {  	_ =	swait.ge [sflag:s25], $0x4000  }
0x360: {  	[sflag:s25] =	ssyncset.done $0x0  }
0x361: {  	[sflag:s25] =	ssyncadd.s32 $0xFFFFC000  }
0x362: {  	_ =	swait.ge [sflag:s31], $0x4000  }
0x363: {  	[sflag:s31] =	ssyncset.done $0x0  }
0x364: {  	[sflag:s31] =	ssyncadd.s32 $0xFFFFC000  }
0x365: {  	_ =	swait.ge [sflag:s26], $0x4000  }
0x366: {  	[sflag:s26] =	ssyncset.done $0x0  }
0x367: {  	[sflag:s26] =	ssyncadd.s32 $0xFFFFC000  }
0x368: {  	_ =	swait.ge [sflag:s28], $0x4000  }
0x369: {  	[sflag:s28] =	ssyncset.done $0x0  }
0x36a: {  	s2 =	simm.s32 $0x0;
	[sflag:s28] =	ssyncadd.s32 $0xFFFFC000  }
0x36b: {  	v7 =	vld [tilespmem:s2+$0x4300]  }
0x36c: {  	v6 =	vld [tilespmem:s2+$0x4200]  }
0x36d: {  	v8 =	vld [tilespmem:s2+$0x4280]  }
0x36e: {  	v13 =	vld [tilespmem:s2+$0x4380]  }
0x36f: {  	v10 =	vld [tilespmem:s2+$0x4080]  }
0x370: {  	v11 =	vld [tilespmem:s2+$0x4100];
	_ =	sdelay $0x2  }
0x371: {  	v12 =	vsub.f32 $0.0e+00, v7;
	v14 =	vperm.xlane v6, v0;
	v15 =	vsub.f32 $0.0e+00, v6  }
0x372: {  	v16 =	vperm.xlane v8, v0;
	v17 =	vsub.f32 $0.0e+00, v8;
	v18 =	vperm.xlane v7, v0  }
0x373: {  	v20 =	vperm.xlane v13, v0;
	v22 =	vsub.f32 $0.0e+00, v10;
	v24 =	vsub.f32 $0.0e+00, v11  }
0x374: {  	v9 =	vld [tilespmem:s2+$0x4000];
	v29 =	vperm.xlane v11, v0;
	v19 =	vmul.f32 $1.442695020e+00, v12;
	v18 =	vmax.f32 v7, v18  }
0x375: {  	v14 =	vmax.f32 v6, v14;
	v15 =	vmul.f32 $1.442695020e+00, v15;
	v23 =	vperm.xlane v18, v1  }
0x376: {  	v20 =	vmax.f32 v13, v20;
	v17 =	vmul.f32 $1.442695020e+00, v17;
	v22 =	vmul.f32 $1.442695020e+00, v22  }
0x377: {  	v24 =	vmul.f32 $1.442695020e+00, v24;
	v25 =	vperm.xlane v20, v1;
	v18 =	vmax.f32 v18, v23  }
0x378: {  	v12 =	vld [tilespmem:s2+$0x4180];
	v16 =	vmax.f32 v8, v16;
	(erf) = vpow2.f32 v15;
	v23 =	vperm.xlane v18, v2  }
0x379: {  	v21 =	vperm.xlane v14, v1;
	v15 =	vsub.f32 $0.0e+00, v9;
	v20 =	vmax.f32 v20, v25  }
0x37a: {  	(erf) = vpow2.f32 v17;
	v28 =	vperm.xlane v20, v2;
	v18 =	vmax.f32 v18, v23  }
0x37b: {  	v26 =	vsub.f32 $0.0e+00, v13;
	v17 =	vperm.xlane v16, v1;
	v23 =	vperm.xlane v18, v3  }
0x37c: {  	v14 =	vmax.f32 v14, v21;
	v15 =	vmul.f32 $1.442695020e+00, v15;
	v20 =	vmax.f32 v20, v28  }
0x37d: {  	v27 =	vsub.f32 $0.0e+00, v12;
	v28 =	vperm.xlane v20, v3;
	v18 =	vmax.f32 v18, v23  }
0x37e: {  	v25 =	vperm.xlane v12, v0;
	v23 =	vmul.f32 $1.442695020e+00, v26;
	vm0 =	veq.f32 v7, v18  }
0x37f: {  	v16 =	vmax.f32 v16, v17;
	v18 =	vmax.f32 v20, v28;
	v20 =	vmctz.xlane vm0  }
0x380: {  	v26 =	vmul.f32 $1.442695020e+00, v27;
	vm0 =	veq.f32 v13, v18;
	(erf) = vpow2.f32 v23  }
0x381: {  	v18 =	vmax.f32 v11, v29;
	v27 =	vpop (erf);
	v23 =	vmctz.xlane vm0;
	vm0 =	veq.s32 v20, v4  }
0x382: {  	(erf) = vpow2.f32 v19;
	v19 =	vadd.f32 $1.000000000e+00, v27;
	v7 =	vsel vm0, $0xFF800000, v7  }
0x383: {  	vm2 =	vne.s32 v20, v4;
	vm1 =	veq.s32 v23, v4;
	v27 =	vperm.xlane v7, v0  }
0x384: {  	v20 =	vmax.f32 v12, v25;
	v25 =	vperm.xlane v18, v1;
	v28 =	vsel vm1, $0xFF800000, v13  }
0x385: {  	(erf) = vpow2.f32 v15;
	v13 =	vperm.xlane v28, v0;
	v15 =	vmax.f32 v7, v27  }
0x386: {  	v29 =	vperm.xlane v16, v2;
	v18 =	vmax.f32 v18, v25;
	v21 =	vperm.xlane v15, v1  }
0x387: {  	vm3 =	vne.s32 v23, v4;
	v25 =	vperm.xlane v18, v2;
	v23 =	vmax.f32 v28, v13  }
0x388: {  	v16 =	vmax.f32 v16, v29;
	v17 =	vperm.xlane v23, v1;
	v15 =	vmax.f32 v15, v21  }
0x389: {  	(erf) = vpow2.f32 v26;
	v26 =	vpop (erf);
	v18 =	vmax.f32 v18, v25;
	v25 =	vperm.xlane v15, v2  }
0x38a: {  	v27 =	vperm.xlane v14, v2;
	v17 =	vmax.f32 v23, v17;
	v23 =	vperm.xlane v18, v3;
	v21 =	vpop (erf)  }
0x38b: {  	v21 =	vadd.f32 $1.000000000e+00, v21;
	v15 =	vmax.f32 v15, v25;
	v25 =	vperm.xlane v17, v2  }
0x38c: {  	v26 =	vadd.f32 $1.000000000e+00, v26;
	v13 =	vsel vm3, $0x1, v5;
	v30 =	vperm.xlane v15, v3  }
0x38d: {  	v14 =	vmax.f32 v14, v27;
	v18 =	vmax.f32 v18, v23;
	v17 =	vmax.f32 v17, v25  }
0x38e: {  	(erf) = vrcp.f32 v21;
	v15 =	vmax.f32 v15, v30;
	v25 =	vperm.xlane v17, v3  }
0x38f: {  	vm5 =	veq.f32 v11, v18;
	(erf) = vpow2.f32 v22;
	v21 =	vpop (erf);
	vm3 =	veq.f32 v7, v15  }
0x390: {  	v7 =	vperm.xlane v16, v3;
	v23 =	vpop (erf);
	v15 =	vmctz.xlane vm3;
	v17 =	vmax.f32 v17, v25  }
0x391: {  	v22 =	vperm.xlane v20, v1;
	v23 =	vadd.f32 $1.000000000e+00, v23;
	vm3 =	veq.f32 v28, v17  }
0x392: {  	v7 =	vmax.f32 v16, v7;
	vm4 =	veq.s32 v15, v4;
	v15 =	vmctz.xlane vm3  }
0x393: {  	v17 =	vmax.f32 v20, v22;
	v20 =	vperm.xlane v10, v0;
	vm3 =	veq.f32 v8, v7  }
0x394: {  	v16 =	vpop (erf);
	vm0 =	vmor vm0, vm4;
	vm4 =	veq.s32 v15, v4;
	v15 =	vperm.xlane v14, v3  }
0x395: {  	v16 =	vadd.f32 $1.000000000e+00, v16;
	(erf) = vrcp.f32 v23;
	v7 =	vmctz.xlane vm3  }
0x396: {  	v23 =	vperm.xlane v17, v2;
	(erf) = vpow2.f32 v24;
	vm7 =	vmor vm1, vm4  }
0x397: {  	(erf) = vrcp.f32 v19;
	v19 =	vmctz.xlane vm5;
	v18 =	vpop (erf);
	v14 =	vmax.f32 v14, v15  }
0x398: {  	vm1 =	veq.s32 v7, v4;
	vm3 =	veq.f32 v6, v14;
	v14 =	vadd.f32 $1.000000000e+00, v21;
	v15 =	vpop (erf)  }
0x399: {  	v8 =	vsel vm1, $0xFF800000, v8;
	v21 =	vperm.xlane v9, v0;
	v24 =	vadd.f32 $1.000000000e+00, v15  }
0x39a: {  	v15 =	vmax.f32 v17, v23;
	v17 =	vmax.f32 v10, v20;
	(erf) = vrcp.f32 v14  }
0x39b: {  	v20 =	vmctz.xlane vm3;
	v21 =	vmax.f32 v9, v21;
	v14 =	vperm.xlane v15, v3  }
0x39c: {  	v23 =	vsel vm2, $0x1, v5;
	(erf) = vrcp.f32 v16;
	v25 =	vperm.xlane v17, v1  }
0x39d: {  	vm3 =	veq.s32 v19, v4;
	v16 =	vperm.xlane v8, v0;
	v28 =	vperm.xlane v21, v1  }
0x39e: {  	vm5 =	veq.s32 v20, v4;
	v14 =	vmax.f32 v15, v14;
	v15 =	vmax.f32 v17, v25  }
0x39f: {  	(erf) = vrcp.f32 v26;
	v16 =	vmax.f32 v8, v16;
	v25 =	vperm.xlane v15, v2  }
0x3a0: {  	v26 =	vsel vm5, $0xFF800000, v6;
	vm2 =	veq.f32 v12, v14;
	v27 =	vperm.xlane v16, v1  }
0x3a1: {  	v14 =	vperm.xlane v26, v0;
	v17 =	vmctz.xlane vm2;
	v15 =	vmax.f32 v15, v25  }
0x3a2: {  	s12 =	simm.s32 $0x300;
	v6 =	vpop (erf);
	v21 =	vmax.f32 v21, v28;
	v16 =	vmax.f32 v16, v27;
	v27 =	vperm.xlane v15, v3  }
0x3a3: {  	v29 =	vmax.f32 v26, v14;
	v14 =	vor.u32 s12, v23;
	vm4 =	vne.s32 v17, v4;
	v25 =	vpop (erf)  }
0x3a4: {  	vm2 =	veq.s32 v17, v4;
	v17 =	vadd.f32 $1.000000000e+00, v25;
	v25 =	vmax.f32 v15, v27  }
0x3a5: {  	v23 =	vperm.xlane v16, v2;
	v27 =	vperm.xlane v21, v2;
	vm6 =	veq.f32 v10, v25  }
0x3a6: {  	v15 =	vsel vm2, $0xFF800000, v12;
	v12 =	vsel vm4, $0x1, v5;
	v28 =	vmctz.xlane vm6  }
0x3a7: {  	vm4 =	vne.s32 v19, v4;
	v19 =	vmax.f32 v16, v23;
	v16 =	vmax.f32 v21, v27  }
0x3a8: {  	s13 =	simm.s32 $0x380;
	v11 =	vsel vm3, $0xFF800000, v11;
	v23 =	vperm.xlane v16, v3;
	vm8 =	veq.s32 v28, v4  }
0x3a9: {  	v13 =	vor.u32 s13, v13;
	v30 =	vperm.xlane v11, v0;
	v10 =	vsel vm8, $0xFF800000, v10  }
0x3aa: {  	v25 =	vperm.xlane v15, v0;
	v16 =	vmax.f32 v16, v23;
	v23 =	vperm.xlane v10, v0  }
0x3ab: {  	(erf) = vrcp.f32 v24;
	v21 =	vperm.xlane v29, v1;
	v27 =	vsel vm4, $0x1, v5  }
0x3ac: {  	(erf) = vrcp.f32 v17;
	v25 =	vmax.f32 v15, v25;
	v23 =	vmax.f32 v10, v23  }
0x3ad: {  	v21 =	vmax.f32 v29, v21;
	v29 =	vmax.f32 v11, v30;
	v31 =	vperm.xlane v23, v1  }
0x3ae: {  	v30 =	vperm.xlane v21, v2;
	v24 =	vperm.xlane v29, v1;
	vm4 =	veq.f32 v9, v16  }
0x3af: {  	vm6 =	vne.s32 v28, v4;
	v16 =	vmctz.xlane vm4;
	v23 =	vmax.f32 v23, v31  }
0x3b0: {  	v21 =	vmax.f32 v21, v30;
	v24 =	vmax.f32 v29, v24;
	v30 =	vperm.xlane v23, v2  }
0x3b1: {  	v28 =	vperm.xlane v21, v3;
	v63 =	vperm.xlane v24, v2;
	vm4 =	veq.s32 v16, v4  }
0x3b2: {  	v29 =	vsel vm6, $0x1, v5;
	v9 =	vsel vm4, $0xFF800000, v9;
	v23 =	vmax.f32 v23, v30  }
0x3b3: {  	v21 =	vmax.f32 v21, v28;
	v24 =	vmax.f32 v24, v63;
	v28 =	vperm.xlane v23, v3  }
0x3b4: {  	v17 =	vperm.xlane v9, v0;
	vm6 =	veq.f32 v26, v21;
	v26 =	vperm.xlane v24, v3  }
0x3b5: {  	v30 =	vmctz.xlane vm6;
	vm6 =	vne.s32 v16, v4;
	v16 =	vmax.f32 v23, v28  }
0x3b6: {  	v31 =	vperm.xlane v25, v1;
	v21 =	vsel vm6, $0x1, v5;
	vm6 =	veq.f32 v10, v16  }
0x3b7: {  	v17 =	vmax.f32 v9, v17;
	v23 =	vmax.f32 v24, v26;
	v16 =	vmctz.xlane vm6  }
0x3b8: {  	v22 =	vnsel vm7, $0x0, v18;
	vm6 =	veq.f32 v11, v23;
	v11 =	vperm.xlane v17, v1  }
0x3b9: {  	v25 =	vmax.f32 v25, v31;
	v10 =	vmctz.xlane vm6;
	vm6 =	veq.s32 v30, v4  }
0x3ba: {  	s20 =	simm.s32 $0x100;
	[tilespmem:s2+$0xC380] =	vst v22;
	v23 =	vperm.xlane v25, v2;
	vm6 =	vmor vm5, vm6;
	v22 =	vmax.f32 v17, v11  }
0x3bb: {  	[tilespmem:v13+s22+$0x0] =	vst.idx.msk vm7, v18;
	vm5 =	veq.s32 v16, v4;
	v17 =	vor.u32 s20, v27;
	v18 =	vperm.xlane v22, v2;
	v16 =	vpop (erf)  }
0x3bc: {  	vm5 =	vmor vm8, vm5;
	vm8 =	vne.s32 v20, v4;
	v20 =	vmax.f32 v25, v23;
	v30 =	vpop (erf)  }
0x3bd: {  	[tilespmem:v13+s23+$0x0] =	vst.idx.msk vm7, v4;
	v23 =	vperm.xlane v19, v3;
	v25 =	vperm.xlane v20, v3;
	v28 =	vnsel vm6, $0x0, v16;
	v13 =	vpop (erf)  }
0x3be: {  	s29 =	simm.s32 $0x200;
	v24 =	vsel vm8, $0x1, v5;
	v26 =	vmax.f32 v22, v18;
	v31 =	vnsel vm0, $0x0, v30;
	[tilespmem:s2+$0xC200] =	vst v28;
	v11 =	vpop (erf)  }
0x3bf: {  	s24 =	simm.s32 $0x80;
	v24 =	vor.u32 s29, v24;
	v25 =	vmax.f32 v20, v25;
	v27 =	vperm.xlane v26, v3;
	[tilespmem:s2+$0xC300] =	vst v31;
	v18 =	vpop (erf)  }
0x3c0: {  	s4 =	simm.s32 $0x1000;
	s6 =	simm.s32 $0x0;
	s3 =	simm.s32 $0x8;
	v28 =	vmax.f32 v19, v23;
	v20 =	vor.u32 s24, v29;
	[tilespmem:v14+s22+$0x0] =	vst.idx.msk vm0, v30;
	v19 =	vpop (erf);
	v23 =	vnsel vm5, $0x0, v18  }
.LBB2_8:
0x3c1: {  	s7 =	sshra.s32 s4, $0x2  }
0x3c2: {  	p0 =	slt.u32 s3, $0x78;
	v26 =	vmax.f32 v26, v27;
	vm7 =	veq.s32 v10, v4;
	vm8 =	veq.f32 v8, v28;
	s5 =	smov.u32 s3;
	s3 =	sadd.s32 $0x8, s3  }
0x3c3: {  	vm10 =	vne.s32 v7, v4;
	v22 =	vld [tilespmem:s7+$0x4380];
	vm9 =	veq.f32 v9, v26;
	v7 =	vmctz.xlane vm8  }
0x3c4: {  	vm8 =	veq.f32 v15, v25;
	v15 =	vsel vm10, $0x1, v5;
	v26 =	vld [tilespmem:s7+$0x4300];
	v9 =	vmctz.xlane vm9;
	[tilespmem:v14+s23+$0x0] =	vst.idx.msk vm0, v4  }
0x3c5: {  	vm3 =	vmor vm3, vm7;
	v25 =	vmctz.xlane vm8;
	v14 =	vld [tilespmem:s7+$0x4200];
	vm0 =	veq.s32 v7, v4  }
0x3c6: {  	v7 =	vnsel vm3, $0x0, v19;
	v8 =	vld [tilespmem:s7+$0x4280];
	vm7 =	veq.s32 v9, v4;
	vm1 =	vmor vm1, vm0  }
0x3c7: {  	v21 =	vor.u32 s6, v21;
	s8 =	sadd.s32 $0x180, s6;
	v10 =	vld [tilespmem:s7+$0x4080];
	vm0 =	vmor vm4, vm7;
	[tilespmem:v24+s22+$0x0] =	vst.idx.msk vm6, v16;
	v16 =	vnsel vm1, $0x0, v11  }
0x3c8: {  	s6 =	sadd.s32 $0x280, s6;
	vm4 =	veq.s32 v25, v4;
	v25 =	vor.u32 s8, v12;
	v9 =	vld [tilespmem:s7+$0x4000];
	v27 =	vnsel vm0, $0x0, v6;
	[tilespmem:s2+$0xC280] =	vst v16  }
0x3c9: {  	vm2 =	vmor vm2, vm4;
	v12 =	vld [tilespmem:s7+$0x4180];
	v16 =	vsub.f32 $0.0e+00, v26;
	[tilespmem:v24+s23+$0x0] =	vst.idx.msk vm6, v4;
	v24 =	vor.u32 s6, v15  }
0x3ca: {  	v15 =	vld [tilespmem:s7+$0x4100];
	v28 =	vperm.xlane v14, v0;
	v29 =	vsub.f32 $0.0e+00, v14;
	[tilespmem:s2+$0xC100] =	vst v7;
	v7 =	vnsel vm2, $0x0, v13  }
0x3cb: {  	v32 =	vperm.xlane v26, v0;
	v30 =	vperm.xlane v8, v0;
	v31 =	vsub.f32 $0.0e+00, v8;
	[tilespmem:s2+$0xC080] =	vst v23  }
0x3cc: {  	v16 =	vmul.f32 $1.442695020e+00, v16;
	v23 =	vmax.f32 v14, v28;
	v28 =	vperm.xlane v22, v0;
	[tilespmem:v20+s22+$0x0] =	vst.idx.msk vm5, v18  }
0x3cd: {  	v32 =	vmax.f32 v26, v32;
	v29 =	vmul.f32 $1.442695020e+00, v29;
	v18 =	vperm.xlane v23, v1;
	[tilespmem:s2+$0xC000] =	vst v27  }
0x3ce: {  	v33 =	vperm.xlane v32, v1;
	v27 =	vsub.f32 $0.0e+00, v10;
	v28 =	vmax.f32 v22, v28;
	[tilespmem:s2+$0xC180] =	vst v7;
	s2 =	smov.u32 s7  }
0x3cf: {  	v35 =	vsub.f32 $0.0e+00, v22;
	v7 =	vsub.f32 $0.0e+00, v15;
	v34 =	vperm.xlane v28, v1;
	[tilespmem:v25+s22+$0x0] =	vst.idx.msk vm2, v13  }
0x3d0: {  	v13 =	vmul.f32 $1.442695020e+00, v31;
	v31 =	vmax.f32 v32, v33;
	(erf) = vpow2.f32 v29;
	[tilespmem:v25+s23+$0x0] =	vst.idx.msk vm2, v4  }
0x3d1: {  	v25 =	vsub.f32 $0.0e+00, v9;
	v29 =	vperm.xlane v31, v2;
	v28 =	vmax.f32 v28, v34;
	[tilespmem:v17+s22+$0x0] =	vst.idx.msk vm3, v19  }
0x3d2: {  	v32 =	vsub.f32 $0.0e+00, v12;
	v19 =	vperm.xlane v12, v0;
	v33 =	vperm.xlane v28, v2;
	[tilespmem:v17+s23+$0x0] =	vst.idx.msk vm3, v4  }
0x3d3: {  	v17 =	vmul.f32 $1.442695020e+00, v25;
	v25 =	vperm.xlane v15, v0;
	v29 =	vmax.f32 v31, v29;
	[tilespmem:v24+s22+$0x0] =	vst.idx.msk vm1, v11  }
0x3d4: {  	v11 =	vmul.f32 $1.442695020e+00, v27;
	v27 =	vperm.xlane v29, v3;
	v28 =	vmax.f32 v28, v33;
	[tilespmem:v24+s23+$0x0] =	vst.idx.msk vm1, v4  }
0x3d5: {  	v24 =	vmax.f32 v8, v30;
	v30 =	vperm.xlane v28, v3;
	(erf) = vpow2.f32 v13;
	[tilespmem:v20+s23+$0x0] =	vst.idx.msk vm5, v4  }
0x3d6: {  	v13 =	vperm.xlane v24, v1;
	v20 =	vmax.f32 v29, v27;
	v29 =	vmul.f32 $1.442695020e+00, v35;
	[tilespmem:v21+s22+$0x0] =	vst.idx.msk vm0, v6  }
0x3d7: {  	v6 =	vmul.f32 $1.442695020e+00, v32;
	vm1 =	veq.f32 v26, v20;
	v20 =	vmax.f32 v28, v30;
	[tilespmem:v21+s23+$0x0] =	vst.idx.msk vm0, v4  }
0x3d8: {  	v21 =	vmctz.xlane vm1;
	vm0 =	veq.f32 v22, v20;
	(erf) = vpow2.f32 v29  }
0x3d9: {  	v20 =	vmax.f32 v15, v25;
	v25 =	vmctz.xlane vm0;
	v27 =	vpop (erf);
	(erf) = vpow2.f32 v16  }
0x3da: {  	vm2 =	vne.s32 v21, v4;
	vm0 =	veq.s32 v21, v4;
	v16 =	vadd.f32 $1.000000000e+00, v27  }
0x3db: {  	v19 =	vmax.f32 v12, v19;
	v21 =	vsel vm0, $0xFF800000, v26;
	vm1 =	veq.s32 v25, v4  }
0x3dc: {  	v26 =	vperm.xlane v20, v1;
	v27 =	vperm.xlane v21, v0;
	v22 =	vsel vm1, $0xFF800000, v22  }
0x3dd: {  	vm3 =	vne.s32 v25, v4;
	v25 =	vperm.xlane v22, v0;
	(erf) = vpow2.f32 v17  }
0x3de: {  	v18 =	vmax.f32 v23, v18;
	v17 =	vmax.f32 v21, v27;
	(erf) = vpow2.f32 v6;
	v6 =	vpop (erf)  }
0x3df: {  	v20 =	vmax.f32 v20, v26;
	v23 =	vperm.xlane v17, v1;
	v25 =	vmax.f32 v22, v25  }
0x3e0: {  	v13 =	vmax.f32 v24, v13;
	v26 =	vperm.xlane v20, v2;
	v24 =	vperm.xlane v25, v1  }
0x3e1: {  	v27 =	vperm.xlane v18, v2;
	v23 =	vmax.f32 v17, v23;
	v17 =	vsel vm3, $0x1, v5;
	v28 =	vpop (erf)  }
0x3e2: {  	v20 =	vmax.f32 v20, v26;
	v26 =	vperm.xlane v23, v2;
	v24 =	vmax.f32 v25, v24;
	v25 =	vpop (erf)  }
0x3e3: {  	v30 =	vperm.xlane v13, v2;
	v29 =	vperm.xlane v20, v3;
	v28 =	vadd.f32 $1.000000000e+00, v28  }
0x3e4: {  	v7 =	vmul.f32 $1.442695020e+00, v7;
	v23 =	vmax.f32 v23, v26;
	v32 =	vperm.xlane v24, v2  }
0x3e5: {  	v31 =	vadd.f32 $1.000000000e+00, v6;
	v6 =	vperm.xlane v23, v3;
	(erf) = vrcp.f32 v28  }
0x3e6: {  	v13 =	vmax.f32 v13, v30;
	v20 =	vmax.f32 v20, v29;
	v24 =	vmax.f32 v24, v32;
	v26 =	vpop (erf)  }
0x3e7: {  	v18 =	vmax.f32 v18, v27;
	v6 =	vmax.f32 v23, v6;
	v23 =	vperm.xlane v24, v3;
	v27 =	vpop (erf)  }
0x3e8: {  	v26 =	vadd.f32 $1.000000000e+00, v26;
	vm3 =	veq.f32 v21, v6;
	(erf) = vpow2.f32 v11  }
0x3e9: {  	v6 =	vperm.xlane v13, v3;
	v11 =	vmctz.xlane vm3;
	v21 =	vmax.f32 v24, v23  }
0x3ea: {  	v23 =	vperm.xlane v19, v1;
	vm3 =	veq.f32 v22, v21;
	(erf) = vrcp.f32 v26  }
0x3eb: {  	vm4 =	veq.s32 v11, v4;
	v11 =	vmctz.xlane vm3;
	(erf) = vpow2.f32 v7  }
0x3ec: {  	v6 =	vmax.f32 v13, v6;
	v22 =	vmax.f32 v19, v23;
	vm0 =	vmor vm0, vm4  }
0x3ed: {  	v13 =	vperm.xlane v10, v0;
	vm3 =	veq.f32 v8, v6;
	vm4 =	veq.s32 v11, v4  }
0x3ee: {  	vm6 =	veq.f32 v15, v20;
	v20 =	vperm.xlane v18, v3;
	vm5 =	vmor vm1, vm4;
	v19 =	vpop (erf)  }
0x3ef: {  	v7 =	vmctz.xlane vm3;
	v21 =	vnsel vm5, $0x0, v19;
	(erf) = vrcp.f32 v16  }
0x3f0: {  	v18 =	vmax.f32 v18, v20;
	v23 =	vmctz.xlane vm6;
	v11 =	vperm.xlane v22, v2  }
0x3f1: {  	vm3 =	veq.f32 v14, v18;
	vm1 =	veq.s32 v7, v4;
	v16 =	vadd.f32 $1.000000000e+00, v25;
	v6 =	vpop (erf)  }
0x3f2: {  	v18 =	vperm.xlane v9, v0;
	v11 =	vmax.f32 v22, v11;
	v24 =	vadd.f32 $1.000000000e+00, v6  }
0x3f3: {  	v13 =	vmax.f32 v10, v13;
	v22 =	vadd.f32 $1.000000000e+00, v27;
	v6 =	vpop (erf);
	(erf) = vrcp.f32 v16  }
0x3f4: {  	v20 =	vmctz.xlane vm3;
	v8 =	vsel vm1, $0xFF800000, v8;
	v16 =	vperm.xlane v11, v3;
	v25 =	vpop (erf)  }
0x3f5: {  	v26 =	vsel vm2, $0x1, v5;
	v18 =	vmax.f32 v9, v18;
	(erf) = vrcp.f32 v22  }
0x3f6: {  	vm6 =	veq.s32 v20, v4;
	v22 =	vperm.xlane v8, v0;
	(erf) = vrcp.f32 v31  }
0x3f7: {  	v27 =	vperm.xlane v13, v1;
	v28 =	vsel vm6, $0xFF800000, v14;
	v11 =	vmax.f32 v11, v16  }
0x3f8: {  	vm2 =	veq.f32 v12, v11;
	v11 =	vperm.xlane v28, v0;
	v14 =	vmax.f32 v8, v22;
	v16 =	vpop (erf)  }
0x3f9: {  	v13 =	vmax.f32 v13, v27;
	v31 =	vmctz.xlane vm2;
	v27 =	vperm.xlane v14, v1  }
0x3fa: {  	s6 =	sshll.u32 s5, $0x7;
	vm3 =	veq.s32 v23, v4;
	v29 =	vperm.xlane v18, v1;
	v30 =	vmax.f32 v28, v11  }
0x3fb: {  	s5 =	sadd.s32 $0x300, s6;
	v11 =	vperm.xlane v13, v2;
	vm4 =	vne.s32 v31, v4;
	v27 =	vmax.f32 v14, v27  }
0x3fc: {  	v18 =	vmax.f32 v18, v29;
	vm2 =	veq.s32 v31, v4;
	v14 =	vor.u32 s5, v26;
	v22 =	vpop (erf)  }
0x3fd: {  	v25 =	vadd.f32 $1.000000000e+00, v25;
	v26 =	vmax.f32 v13, v11;
	v29 =	vperm.xlane v27, v2  }
0x3fe: {  	v32 =	vsel vm3, $0xFF800000, v15;
	v15 =	vsel vm2, $0xFF800000, v12;
	v31 =	vperm.xlane v26, v3;
	v13 =	vpop (erf)  }
0x3ff: {  	v33 =	vperm.xlane v18, v2;
	v12 =	vsel vm4, $0x1, v5;
	v34 =	vperm.xlane v15, v0;
	v11 =	vpop (erf)  }
0x400: {  	vm4 =	vne.s32 v23, v4;
	v26 =	vmax.f32 v26, v31;
	v23 =	vmax.f32 v27, v29  }
0x401: {  	v18 =	vmax.f32 v18, v33;
	v27 =	vsel vm4, $0x1, v5;
	v29 =	vperm.xlane v30, v1  }
0x402: {  	v31 =	vperm.xlane v18, v3;
	vm4 =	veq.f32 v10, v26;
	v26 =	vperm.xlane v32, v0  }
0x403: {  	v33 =	vmctz.xlane vm4;
	v29 =	vmax.f32 v30, v29;
	v30 =	vperm.xlane v23, v3  }
0x404: {  	v18 =	vmax.f32 v18, v31;
	v26 =	vmax.f32 v32, v26;
	v31 =	vperm.xlane v29, v2  }
0x405: {  	vm4 =	veq.f32 v9, v18;
	vm7 =	veq.s32 v33, v4;
	(erf) = vrcp.f32 v24  }
0x406: {  	v18 =	vperm.xlane v26, v1;
	v10 =	vsel vm7, $0xFF800000, v10;
	v24 =	vmctz.xlane vm4  }
0x407: {  	v34 =	vmax.f32 v15, v34;
	v29 =	vmax.f32 v29, v31;
	v35 =	vperm.xlane v10, v0  }
0x408: {  	vm8 =	vne.s32 v33, v4;
	v18 =	vmax.f32 v26, v18;
	vm4 =	veq.s32 v24, v4  }
0x409: {  	v31 =	vperm.xlane v29, v3;
	v26 =	vmax.f32 v10, v35;
	v9 =	vsel vm4, $0xFF800000, v9  }
0x40a: {  	v36 =	vperm.xlane v34, v1;
	v35 =	vsel vm8, $0x1, v5;
	v33 =	vperm.xlane v26, v1  }
0x40b: {  	s5 =	sadd.s32 $0x380, s6;
	v37 =	vperm.xlane v18, v2;
	v29 =	vmax.f32 v29, v31;
	(erf) = vrcp.f32 v25  }
0x40c: {  	v31 =	vor.u32 s5, v17;
	v26 =	vmax.f32 v26, v33;
	v25 =	vperm.xlane v9, v0  }
0x40d: {  	v34 =	vmax.f32 v34, v36;
	vm8 =	veq.f32 v28, v29;
	v33 =	vperm.xlane v26, v2  }
0x40e: {  	s5 =	sadd.s32 $0x100, s6;
	v28 =	vmax.f32 v18, v37;
	v29 =	vmctz.xlane vm8;
	v25 =	vmax.f32 v9, v25;
	v18 =	vpop (erf)  }
0x40f: {  	v17 =	vor.u32 s5, v27;
	v27 =	vperm.xlane v34, v2;
	v36 =	vperm.xlane v25, v1  }
0x410: {  	vm8 =	vne.s32 v24, v4;
	v24 =	vmax.f32 v26, v33;
	v26 =	vperm.xlane v28, v3  }
0x411: {  	v27 =	vmax.f32 v34, v27;
	vm9 =	veq.s32 v29, v4;
	v33 =	vperm.xlane v24, v3;
	[tilespmem:s2+$0xC380] =	vst v21  }
0x412: {  	v26 =	vmax.f32 v28, v26;
	v25 =	vmax.f32 v25, v36;
	v21 =	vsel vm8, $0x1, v5;
	[tilespmem:v31+s22+$0x0] =	vst.idx.msk vm5, v19  }
0x413: {  	v33 =	vmax.f32 v24, v33;
	v28 =	vperm.xlane v25, v2;
	vm8 =	veq.f32 v32, v26  }
0x414: {  	v29 =	vnsel vm0, $0x0, v22;
	v24 =	vperm.xlane v27, v3;
	vm10 =	veq.f32 v10, v33;
	[tilespmem:v31+s23+$0x0] =	vst.idx.msk vm5, v4;
	v19 =	vpop (erf)  }
.Ltmp3:
0x415: {  	vm6 =	vmor vm6, vm9;
	v10 =	vmctz.xlane vm8;
	v31 =	vmctz.xlane vm10;
	(pc) =	sbr.rel @p0 .LBB2_8-.Ltmp3, $4  }
0x416: {  	v26 =	vmax.f32 v25, v28;
	v25 =	vmax.f32 v27, v24;
	v24 =	vnsel vm6, $0x0, v16  }
0x417: {  	vm8 =	vne.s32 v20, v4;
	v27 =	vperm.xlane v26, v3;
	vm5 =	veq.s32 v31, v4;
	[tilespmem:s2+$0xC200] =	vst v24  }
0x418: {  	s7 =	sadd.s32 $0x200, s6;
	s5 =	sadd.s32 $0x80, s6;
	v28 =	vmax.f32 v23, v30;
	vm5 =	vmor vm7, vm5;
	v24 =	vsel vm8, $0x1, v5;
	[tilespmem:s2+$0xC300] =	vst v29  }
0x419: {  	s4 =	sadd.s32 $0x1000, s4;
	v20 =	vor.u32 s5, v35;
	v23 =	vnsel vm5, $0x0, v18;
	v24 =	vor.u32 s7, v24;
	[tilespmem:v14+s22+$0x0] =	vst.idx.msk vm0, v22  }
0x41a: {  	_ =	sdelay $0x4  }
0x41b: {  	vm7 =	veq.f32 v8, v28;
	vm15 =	veq.f32 v15, v25;
	[tilespmem:v14+s23+$0x0] =	vst.idx.msk vm0, v4  }
0x41c: {  	v56 =	vmax.f32 v26, v27;
	[tilespmem:v24+s22+$0x0] =	vst.idx.msk vm6, v16;
	v8 =	vmctz.xlane vm7;
	v57 =	vmctz.xlane vm15  }
0x41d: {  	vm11 =	veq.s32 v10, v4;
	[tilespmem:s2+$0xC080] =	vst v23;
	vm12 =	veq.f32 v9, v56  }
0x41e: {  	[tilespmem:v24+s23+$0x0] =	vst.idx.msk vm6, v4;
	vm8 =	veq.s32 v8, v4;
	vm13 =	veq.s32 v57, v4  }
0x41f: {  	s3 =	sadd.s32 $0x180, s6;
	[tilespmem:v20+s22+$0x0] =	vst.idx.msk vm5, v18;
	v9 =	vmctz.xlane vm12;
	vm10 =	vmor vm1, vm8;
	vm2 =	vmor vm2, vm13  }
0x420: {  	v60 =	vor.u32 s3, v12;
	[tilespmem:v20+s23+$0x0] =	vst.idx.msk vm5, v4;
	vm1 =	vmor vm3, vm11;
	v58 =	vnsel vm10, $0x0, v11  }
0x421: {  	vm14 =	veq.s32 v9, v4;
	v59 =	vnsel vm1, $0x0, v19;
	[tilespmem:s2+$0xC280] =	vst v58  }
0x422: {  	vm3 =	vmor vm4, vm14;
	v62 =	vnsel vm2, $0x0, v13;
	[tilespmem:s2+$0xC100] =	vst v59  }
0x423: {  	vm15 =	vne.s32 v7, v4;
	v7 =	vnsel vm3, $0x0, v6;
	[tilespmem:s2+$0xC180] =	vst v62  }
0x424: {  	s24 =	sadd.s32 $0x280, s6;
	v63 =	vor.u32 s6, v21;
	v61 =	vsel vm15, $0x1, v5;
	[tilespmem:s2+$0xC000] =	vst v7  }
0x425: {  	v7 =	vor.u32 s24, v61;
	[tilespmem:v60+s22+$0x0] =	vst.idx.msk vm2, v13  }
0x426: {  	[tilespmem:v17+s22+$0x0] =	vst.idx.msk vm1, v19  }
0x427: {  	[tilespmem:v60+s23+$0x0] =	vst.idx.msk vm2, v4  }
0x428: {  	[tilespmem:v17+s23+$0x0] =	vst.idx.msk vm1, v4  }
0x429: {  	[tilespmem:v63+s22+$0x0] =	vst.idx.msk vm3, v6  }
0x42a: {  	[tilespmem:v7+s22+$0x0] =	vst.idx.msk vm10, v11  }
0x42b: {  	[tilespmem:v63+s23+$0x0] =	vst.idx.msk vm3, v4  }
0x42c: {  	s29 =	simm.s32 $0xC000;
	[tilespmem:v7+s23+$0x0] =	vst.idx.msk vm10, v4  }
0x42d: {  	[hbm4b:s16+s1] =	stream.linear.scatter [tilespmem:s29], [sflag:$0x4], $0x4000, $0x38;
	[tilespmem:$0x18000] =	vst v63  }
0x42e: {  	_ = 	snop  }
0x42f: {  	[hbm4b:s17+s1] =	stream.linear.scatter [tilespmem:s22], [sflag:$0x5], $0x4000, $0x38;
	[tilespmem:$0x18000] =	vst v63  }
0x430: {  	_ = 	snop  }
0x431: {  	[hbm4b:s18+s1] =	stream.linear.scatter [tilespmem:s23], [sflag:$0x6], $0x4000, $0x38;
	[tilespmem:$0x18000] =	vst v63  }
0x432: {  	_ =	swait.ge [sflag:s30], $0x4000  }
0x433: {  	[sflag:s30] =	ssyncset.done $0x0  }
0x434: {  	[sflag:s30] =	ssyncadd.s32 $0xFFFFC000  }
0x435: {  	_ =	swait.ge [sflag:s31], $0x4000  }
0x436: {  	[sflag:s31] =	ssyncset.done $0x0  }
0x437: {  	s0 =	sadd.s32 $0x1, s0;
	[sflag:s31] =	ssyncadd.s32 $0xFFFFC000  }
0x438: {  	p0 =	sne.s32 s0, s19;
	_ =	swait.ge [sflag:s26], $0x4000  }
.Ltmp4:
0x439: {  	[sflag:s26] =	ssyncset.done $0x0;
	(pc) =	sbr.rel @p0 .LBB2_1-.Ltmp4, $4  }
0x43a: {  	[sflag:s26] =	ssyncadd.s32 $0xFFFFC000  }
0x43b: {  	_ =	swait.ge [sflag:s28], $0x4000  }
0x43c: {  	[sflag:s28] =	ssyncset.done $0x0  }
0x43d: {  	[sflag:s28] =	ssyncadd.s32 $0xFFFFC000  }
0x43e: {  	_ =	sfence.sel $0x180000  }
0x43f: {  	[bflag:$0x0] =	sbarrier.arrive $0xFFFF  }
0x440: {  	_ =	strace $0x90000047  }
0x441: {  	s0 =	stileid.u32;
	[bflag:$0x2] =	sbarrier.arrive $0xFFFF  }
0x442: {  	p0 =	sne.s32 s0, $0x0;
	s0 =	rddreg [dreg:$0x1]  }
0x443: {  	s0 =	sadd.s32 @!p0 $0x100000, s0  }
0x444: {  	[sflag:s0] =	ssyncadd.tile.s32 @!p0 $0x1;
	_ =	shalt  }
.Lfunc_end2:
_tile_overlayer_lowered:
.L_overlay_start_2:
0x445: {  	(tag) =	ssettag $0x2  }
0x446: {  	s0 =	rddreg [dreg:$0x0];
	s2 =	stileid.u32  }
0x447: {  	s1 =	rddreg [dreg:$0x1];
	p0 =	sne.s32 s2, $0x0  }
0x448: {  	s3 =	rddreg [dreg:$0x2];
	[bflag:$0x3] =	sbarrier.arrive $0xFFFF;
	s2 =	simm.s32 @!p0 $0x1C07  }
0x449: {  	[timem:s3], [sflag:s2] =	dma.local @!p0 [hbm:s0], s1  }
0x44a: {  	s0 =	simm.s32 @!p0 $0x7  }
0x44b: {  	_ =	swait.ge @!p0 [sflag:s0], s1  }
0x44c: {  	s1 =	ssub.s32 @!p0 $0x0, s1;
	[sflag:s0] =	ssyncset.done @!p0 $0x0  }
0x44d: {  	[sflag:s0] =	ssyncadd.s32 @!p0 s1  }
0x44e: {  	[bflag:$0x3] =	sbarrier.arrive $0xFFFF  }
0x44f: {  	_ =	shalt  }

</sc_bundles>
